<compile_context>
chip_gen: v7x
topology: tpu7x:2x2x1
jax: 0.10.2.dev20260603
libtpu: 0.0.44.dev20260713+nightly
codegen_flags: <defaults>
</compile_context>

<pallas_src>
import math

import jax
import jax.numpy as jnp
import numpy as np
from jax.experimental import pallas as pl
from jax.experimental.pallas import tpu as pltpu
from jax.experimental.pallas import tpu_sc as plsc

N = 8192
NMOL = 256
HIDDEN = 128
NF = 128
NI = 6
NG = 50
NGP = 128
CUTOFF = 10.0
NT = 12
TR = 32
TC = 32
TRS = 8
NRB = N // TR
RB = 128
NZ = 100
LOG2 = math.log(2.0)
HI = jax.lax.Precision.HIGHEST
_OFFS_NP = np.linspace(0.0, CUTOFF, NG).astype(np.float32)
_DELTA = _OFFS_NP[1] - _OFFS_NP[0]
_COEFF = float(np.float32(-0.5) / (_DELTA * _DELTA))


def _ssp(x):
    return jnp.maximum(x, 0.0) + jnp.log1p(jnp.exp(-jnp.abs(x))) - LOG2


_GW = 128


def _embed_sc(z, emb):
    mesh = plsc.VectorSubcoreMesh(core_axis_name="c", subcore_axis_name="s")

    @pl.kernel(out_type=jax.ShapeDtypeStruct((N, HIDDEN), jnp.float32),
               mesh=mesh)
    def gather_kernel(emb_hbm, zi_hbm, o_hbm):
        def body(i_vmem, o_vmem):
            pltpu.sync_copy(emb_hbm.at[i_vmem.at[0]], o_vmem)

        pltpu.emit_pipeline(
            body,
            grid=(N // _GW,),
            in_specs=[pl.BlockSpec((1, _GW), index_map=lambda i: (0, i))],
            out_specs=[pl.BlockSpec((_GW, HIDDEN), index_map=lambda i: (i, 0))],
            core_axis_name="s",
            dimension_semantics=(pltpu.PARALLEL,),
        )(zi_hbm, o_hbm)

    return gather_kernel(emb.astype(jnp.float32), z.reshape(1, N))


def _mm_body(x_ref, w_ref, o_ref):
    o_ref[...] = jax.lax.dot(x_ref[...], w_ref[...], precision=HI)


def _xs(h, w):
    return pl.pallas_call(
        _mm_body,
        grid=(N // RB,),
        in_specs=[
            pl.BlockSpec((RB, HIDDEN), lambda i: (i, 0)),
            pl.BlockSpec((HIDDEN, NF), lambda i: (0, 0)),
        ],
        out_specs=pl.BlockSpec((RB, NF), lambda i: (i, 0)),
        out_shape=jax.ShapeDtypeStruct((N, NF), jnp.float32),
    )(h, w)


_K = float(np.sqrt(np.float64(-_COEFF)))


def _sspl(x):
    return jnp.maximum(x, 0.0) + jnp.log1p(jnp.exp(-jnp.abs(x)))


def _pair_body(cs_ref, cn_ref, a_ref, b_ref, bat_ref, xs_ref,
               w1_ref, b1_ref, w2_ref, b2_ref, offs_ref, o_ref):
    i = pl.program_id(0)
    offs = offs_ref[...].reshape(1, 1, NGP)
    w1 = w1_ref[...]
    b1 = b1_ref[...]
    w2 = w2_ref[...]
    b2 = b2_ref[...]

    @pl.when(i == 0)
    def _():
        o_ref[...] = jnp.zeros_like(o_ref)

    for s in range(TRS):
        sb = i * TRS + s
        r0 = sb * TR
        a_blk = a_ref[pl.ds(s * TR, TR), :]
        bcol = bat_ref[pl.ds(r0, TR), :]
        row_ids = r0 + jax.lax.broadcasted_iota(jnp.int32, (TR, TC), 0)
        xsr = xs_ref[pl.ds(r0, TR), :]

        def body(t, acc):
            c0 = t * TC
            b_j = b_ref[pl.ds(c0, TC), :]
            d2 = jax.lax.dot_general(
                a_blk, b_j, (((1,), (1,)), ((), ())), precision=HI)
            brow = bat_ref[pl.ds(c0, TC), :].reshape(1, TC)
            col_ids = c0 + jax.lax.broadcasted_iota(jnp.int32, (TR, TC), 1)
            mask = (bcol == brow) & (d2 <= CUTOFF * CUTOFF) & (row_ids != col_ids)
            dm = jnp.where(mask, d2, 1e9)
            w = jnp.sqrt(jnp.maximum(dm, 0.0))
            cc = jnp.where(dm < 1e8,
                           0.5 * (jnp.cos(w * (math.pi / CUTOFF)) + 1.0), 0.0)
            ws3 = (w * _K).reshape(TR, TC, 1)
            ea = jnp.exp(-(ws3 - offs) ** 2)
            ea = ea.astype(jnp.bfloat16).reshape(TR * TC, NGP)
            a1 = jax.lax.dot(ea, w1, preferred_element_type=jnp.float32) + b1
            wf = jax.lax.dot(_sspl(a1).astype(jnp.bfloat16), w2,
                             preferred_element_type=jnp.float32) + b2
            wf3 = wf.reshape(TR, TC, NF) * cc.reshape(TR, TC, 1)
            xsj = xs_ref[pl.ds(c0, TC), :]
            msg = wf3 * xsj[None, :, :]

            @pl.when(t > sb)
            def _():
                rmsg = wf3 * xsr[:, None, :]
                o_ref[pl.ds(c0, TC), :] += jnp.sum(rmsg, axis=0)

            return acc + jnp.sum(msg, axis=1)

        t0 = jnp.maximum(cs_ref[sb], sb)
        acc = jax.lax.fori_loop(t0, cs_ref[sb] + cn_ref[sb], body,
                                jnp.zeros((TR, NF), jnp.float32))
        o_ref[pl.ds(r0, TR), :] += acc


def _pair(cstart, cnum, A, B, batf, xs, w1, b1, w2, b2, offs):
    grid_spec = pltpu.PrefetchScalarGridSpec(
        num_scalar_prefetch=2,
        grid=(NRB // TRS,),
        in_specs=[
            pl.BlockSpec((TRS * TR, 8), lambda i, cs, cn: (i, 0)),
            pl.BlockSpec((N, 8), lambda i, cs, cn: (0, 0)),
            pl.BlockSpec((N, 1), lambda i, cs, cn: (0, 0)),
            pl.BlockSpec((N, NF), lambda i, cs, cn: (0, 0)),
            pl.BlockSpec((NGP, NF), lambda i, cs, cn: (0, 0)),
            pl.BlockSpec((1, NF), lambda i, cs, cn: (0, 0)),
            pl.BlockSpec((NF, NF), lambda i, cs, cn: (0, 0)),
            pl.BlockSpec((1, NF), lambda i, cs, cn: (0, 0)),
            pl.BlockSpec((1, NGP), lambda i, cs, cn: (0, 0)),
        ],
        out_specs=pl.BlockSpec((N, NF), lambda i, cs, cn: (0, 0)),
    )
    return pl.pallas_call(
        _pair_body,
        grid_spec=grid_spec,
        out_shape=jax.ShapeDtypeStruct((N, NF), jnp.float32),
        compiler_params=pltpu.CompilerParams(
            dimension_semantics=("arbitrary",)),
    )(cstart, cnum, A, B, batf, xs, w1, b1, w2, b2, offs)


def _node_body(h_ref, ag_ref, w2_ref, b2_ref, lw_ref, lb_ref, l1_ref,
               o_ref, xs_ref):
    x = jax.lax.dot(ag_ref[...], w2_ref[...], precision=HI) + b2_ref[...]
    x = _ssp(x)
    x = jax.lax.dot(x, lw_ref[...], precision=HI) + lb_ref[...]
    hn = h_ref[...] + x
    o_ref[...] = hn
    xs_ref[...] = jax.lax.dot(hn, l1_ref[...], precision=HI)


def _node(h, aggr, w2, b2, lw, lb, l1next):
    return pl.pallas_call(
        _node_body,
        grid=(N // RB,),
        in_specs=[
            pl.BlockSpec((RB, HIDDEN), lambda i: (i, 0)),
            pl.BlockSpec((RB, NF), lambda i: (i, 0)),
            pl.BlockSpec((NF, HIDDEN), lambda i: (0, 0)),
            pl.BlockSpec((1, HIDDEN), lambda i: (0, 0)),
            pl.BlockSpec((HIDDEN, HIDDEN), lambda i: (0, 0)),
            pl.BlockSpec((1, HIDDEN), lambda i: (0, 0)),
            pl.BlockSpec((HIDDEN, NF), lambda i: (0, 0)),
        ],
        out_specs=[
            pl.BlockSpec((RB, HIDDEN), lambda i: (i, 0)),
            pl.BlockSpec((RB, NF), lambda i: (i, 0)),
        ],
        out_shape=[
            jax.ShapeDtypeStruct((N, HIDDEN), jnp.float32),
            jax.ShapeDtypeStruct((N, NF), jnp.float32),
        ],
    )(h, aggr, w2, b2, lw, lb, l1next)


def _pool_body(bat_ref, h_ref, sum_ref, cnt_ref):
    i = pl.program_id(0)

    @pl.when(i == 0)
    def _():
        sum_ref[...] = jnp.zeros_like(sum_ref)
        cnt_ref[...] = jnp.zeros_like(cnt_ref)

    brow = bat_ref[...].reshape(1, RB)
    mol = jax.lax.broadcasted_iota(jnp.int32, (NMOL, RB), 0).astype(jnp.float32)
    mt = (mol == brow).astype(jnp.float32)
    sum_ref[...] += jax.lax.dot(mt, h_ref[...], precision=HI)
    cnt_ref[...] += jnp.sum(mt, axis=1, keepdims=True)


def _pool(batf, h):
    return pl.pallas_call(
        _pool_body,
        grid=(N // RB,),
        in_specs=[
            pl.BlockSpec((RB, 1), lambda i: (i, 0)),
            pl.BlockSpec((RB, HIDDEN), lambda i: (i, 0)),
        ],
        out_specs=[
            pl.BlockSpec((NMOL, HIDDEN), lambda i: (0, 0)),
            pl.BlockSpec((NMOL, 1), lambda i: (0, 0)),
        ],
        out_shape=[
            jax.ShapeDtypeStruct((NMOL, HIDDEN), jnp.float32),
            jax.ShapeDtypeStruct((NMOL, 1), jnp.float32),
        ],
    )(batf, h)


def _head_body(s_ref, c_ref, w1_ref, b1_ref, w2_ref, b2_ref, o_ref):
    g = s_ref[...] / jnp.maximum(c_ref[...], 1.0)
    z1 = jnp.maximum(jax.lax.dot(g, w1_ref[...], precision=HI) + b1_ref[...], 0.0)
    o_ref[...] = jax.lax.dot(z1, w2_ref[...], precision=HI) + b2_ref[...]


def _head(sums, cnts, w1, b1, w2, b2):
    return pl.pallas_call(
        _head_body,
        in_specs=[
            pl.BlockSpec((NMOL, HIDDEN), lambda: (0, 0)),
            pl.BlockSpec((NMOL, 1), lambda: (0, 0)),
            pl.BlockSpec((HIDDEN, HIDDEN), lambda: (0, 0)),
            pl.BlockSpec((1, HIDDEN), lambda: (0, 0)),
            pl.BlockSpec((HIDDEN, NT), lambda: (0, 0)),
            pl.BlockSpec((1, NT), lambda: (0, 0)),
        ],
        out_specs=pl.BlockSpec((NMOL, NT), lambda: (0, 0)),
        out_shape=jax.ShapeDtypeStruct((NMOL, NT), jnp.float32),
    )(sums, cnts, w1, b1, w2, b2)


def kernel(z, pos, batch, emb, mlp_w1, mlp_b1, mlp_w2, mlp_b2, lin1_w,
           lin2_w, lin2_b, lin_w, lin_b, cls_w1, cls_b1, cls_w2, cls_b2):
    pos = pos.astype(jnp.float32)
    x2 = jnp.sum(pos * pos, axis=1, keepdims=True)
    one = jnp.ones((N, 1), jnp.float32)
    zero3 = jnp.zeros((N, 3), jnp.float32)
    A = jnp.concatenate([-2.0 * pos, x2, one, zero3], axis=1)
    B = jnp.concatenate([pos, one, x2, zero3], axis=1)
    batf = batch.astype(jnp.float32).reshape(N, 1)

    r0s = jnp.arange(NRB, dtype=jnp.int32) * TR
    firstmol = batch[r0s]
    lastmol = batch[r0s + TR - 1]
    jmin = jnp.searchsorted(batch, firstmol, side="left").astype(jnp.int32)
    jmax = jnp.searchsorted(batch, lastmol, side="right").astype(jnp.int32)
    cstart = jmin // TC
    cnum = (jmax - 1) // TC - cstart + 1

    offs_pad = np.full((1, NGP), 1e6, np.float32) * np.float32(_K)
    offs_pad[0, :NG] = _OFFS_NP * np.float32(_K)
    offs = jnp.asarray(offs_pad)

    h = _embed_sc(z.astype(jnp.int32), emb)
    xs = _xs(h, lin1_w[0])
    for i in range(NI):
        w1p = (jnp.zeros((NGP, NF), jnp.float32).at[:NG].set(mlp_w1[i])
               .astype(jnp.bfloat16))
        w2b = mlp_w2[i].astype(jnp.bfloat16)
        b2f = (mlp_b2[i] - LOG2 * jnp.sum(w2b.astype(jnp.float32), axis=0))
        aggr = _pair(cstart, cnum, A, B, batf, xs,
                     w1p, mlp_b1[i].reshape(1, NF),
                     w2b, b2f.reshape(1, NF), offs)
        l1next = lin1_w[(i + 1) % NI]
        h, xs = _node(h, aggr, lin2_w[i], lin2_b[i].reshape(1, HIDDEN),
                      lin_w[i], lin_b[i].reshape(1, HIDDEN), l1next)

    sums, cnts = _pool(batf, h)
    return _head(sums, cnts, cls_w1, cls_b1.reshape(1, HIDDEN),
                 cls_w2, cls_b2.reshape(1, NT))

# --- scband reference (transcript-rebuilt; emitter-appended) ---
"""Pipeline reference for scband-sch-net-multi-task-29300266893908 (READ-ONLY COPY).

The authoritative reference and input builder live on the scoring server;
editing this copy changes nothing except your own understanding.
"""

import jax, jax.numpy as jnp
import numpy as np

N = 8192
NMOL = 256
HIDDEN = 128
NF = 128
NI = 6
NG = 50
CUTOFF = 10.0
NT = 12
E_MAX = 128 * N  # static edge capacity for fixed-shape masked radius graph


def shifted_softplus(x):
    return jax.nn.softplus(x) - jnp.log(2.0)


def setup_inputs(seed: int = 0):
    key = jax.random.key(seed)
    ks = jax.random.split(key, 20)
    s = 0.05
    inp = {}
    inp["z"] = jax.random.randint(ks[0], (N,), 0, 100)
    inp["pos"] = jax.random.normal(ks[1], (N, 3), dtype=jnp.float32)
    inp["batch"] = jnp.sort(jax.random.randint(ks[2], (N,), 0, NMOL))
    inp["emb"] = jax.random.normal(ks[3], (100, HIDDEN), dtype=jnp.float32) * s
    inp["mlp_w1"] = jax.random.normal(ks[4], (NI, NG, NF), dtype=jnp.float32) * s
    inp["mlp_b1"] = jnp.zeros((NI, NF), dtype=jnp.float32)
    inp["mlp_w2"] = jax.random.normal(ks[5], (NI, NF, NF), dtype=jnp.float32) * s
    inp["mlp_b2"] = jnp.zeros((NI, NF), dtype=jnp.float32)
    inp["lin1_w"] = jax.random.normal(ks[6], (NI, HIDDEN, NF), dtype=jnp.float32) * s
    inp["lin2_w"] = jax.random.normal(ks[7], (NI, NF, HIDDEN), dtype=jnp.float32) * s
    inp["lin2_b"] = jnp.zeros((NI, HIDDEN), dtype=jnp.float32)
    inp["lin_w"] = jax.random.normal(ks[8], (NI, HIDDEN, HIDDEN), dtype=jnp.float32) * s
    inp["lin_b"] = jnp.zeros((NI, HIDDEN), dtype=jnp.float32)
    inp["cls_w1"] = jax.random.normal(ks[9], (HIDDEN, HIDDEN), dtype=jnp.float32) * s
    inp["cls_b1"] = jnp.zeros((HIDDEN,), dtype=jnp.float32)
    inp["cls_w2"] = jax.random.normal(ks[10], (HIDDEN, NT), dtype=jnp.float32) * s
    inp["cls_b2"] = jnp.zeros((NT,), dtype=jnp.float32)
    return inp


def _radius_graph(pos, batch):
    # faithful to PyG radius_graph(pos, r=cutoff, batch=batch): connect all
    # same-molecule pairs within cutoff, no self loops (max_num_neighbors not binding here)
    x2 = jnp.sum(pos * pos, axis=1)
    d2 = x2[:, None] + x2[None, :] - 2.0 * (pos @ pos.T)
    same = batch[:, None] == batch[None, :]
    mask = same & (d2 <= CUTOFF ** 2) & (~jnp.eye(pos.shape[0], dtype=bool))
    src, dst = jnp.nonzero(mask, size=E_MAX, fill_value=0)
    valid = jnp.arange(E_MAX) < jnp.sum(mask)
    return src, dst, valid


def _forward(z, pos, batch, src, dst, valid, emb, mlp_w1, mlp_b1, mlp_w2, mlp_b2, lin1_w, lin2_w, lin2_b, lin_w, lin_b, cls_w1, cls_b1, cls_w2, cls_b2):
    h = emb[z]
    diff = pos[src] - pos[dst]
    edge_weight = jnp.sqrt(jnp.sum(diff * diff, axis=1))
    # GaussianSmearing
    offset = jnp.linspace(0.0, CUTOFF, NG)
    coeff = -0.5 / (offset[1] - offset[0]) ** 2
    edge_attr = jnp.exp(coeff * (edge_weight[:, None] - offset[None, :]) ** 2)
    # cosine cutoff (CFConv)
    C = 0.5 * (jnp.cos(edge_weight * jnp.pi / CUTOFF) + 1.0)
    for i in range(NI):
        # InteractionBlock: filter network
        W = shifted_softplus(edge_attr @ mlp_w1[i] + mlp_b1[i]) @ mlp_w2[i] + mlp_b2[i]
        W = W * C[:, None]
        # CFConv: lin1 (no bias) -> message x_j * W -> scatter-add -> lin2
        xs = h @ lin1_w[i]
        msg = xs[src] * W
        msg = jnp.where(valid[:, None], msg, 0.0)
        aggr = jax.ops.segment_sum(msg, dst, num_segments=N)
        x = aggr @ lin2_w[i] + lin2_b[i]
        x = shifted_softplus(x)
        x = x @ lin_w[i] + lin_b[i]
        h = h + x  # residual update in SchNetMultiTask._extract_node_repr
    # global_mean_pool
    ones = jnp.ones((N,), dtype=jnp.float32)
    counts = jax.ops.segment_sum(ones, batch, num_segments=NMOL)
    graph = jax.ops.segment_sum(h, batch, num_segments=NMOL) / jnp.maximum(counts, 1.0)[:, None]
    # classifier head (eval mode: dropout is identity)
    hcls = jax.nn.relu(graph @ cls_w1 + cls_b1)
    return hcls @ cls_w2 + cls_b2


def reference(z, pos, batch, emb, mlp_w1, mlp_b1, mlp_w2, mlp_b2, lin1_w, lin2_w, lin2_b, lin_w, lin_b, cls_w1, cls_b1, cls_w2, cls_b2):
    src, dst, valid = _radius_graph(pos, batch)
    return _forward(z, pos, batch, src, dst, valid, emb, mlp_w1, mlp_b1, mlp_w2, mlp_b2, lin1_w, lin2_w, lin2_b, lin_w, lin_b, cls_w1, cls_b1, cls_w2, cls_b2)

if __name__ == "__main__":
    import jax
    _d = setup_inputs()
    print(jax.jit(kernel)(*tuple(_d.values())))

</pallas_src>

<mosaic_0001>
#map = affine_map<(d0, d1) -> (0, 0)>
module attributes {stable_mosaic.version = 14 : i64} {
  func.func @gather_kernel(%arg0: i32, %arg1: i32, %arg2: memref<100x128xf32, #tpu.memory_space<hbm>>, %arg3: memref<1x8192xi32, #tpu.memory_space<hbm>>, %arg4: memref<8192x128xf32, #tpu.memory_space<hbm>>) attributes {dimension_semantics = [#tpu.dimension_semantics<core_parallel>, #tpu.dimension_semantics<subcore_parallel>], iteration_bounds = array<i64: 2, 16>, scalar_prefetch = 0 : i64, scratch_operands = 0 : i64, tpu.core_type = #tpu.core_type<sc_vector_subcore>, window_params = [{transform_indices = #map}, {transform_indices = #map}, {transform_indices = #map}]} {
    %mul3A = arith.constant 4 : i32
    %mul3A_0 = arith.muli %arg1, %mul3A : i32
    "tpu.region"() ({
      %run_scoped3A = memref.alloca() : memref<2x1x128xi32, #tpu.memory_space<vmem>>
      %run_scoped3A_1 = tpu.sem_alloc : memref<2x!tpu.dma_semaphore, #tpu.memory_space<semaphore_mem>>
      %run_scoped3A_2 = memref.alloca() : memref<2x128x128xf32, #tpu.memory_space<vmem>>
      %run_scoped3A_3 = tpu.sem_alloc : memref<2x!tpu.dma_semaphore, #tpu.memory_space<semaphore_mem>>
      %add3A = arith.constant 0 : i32
      %add3A_4 = arith.addi %add3A, %mul3A_0 : i32
      %select_n3A = arith.constant true
      %select_n3A_5 = arith.constant 0 : i32
      %select_n3A_6 = arith.constant -1 : i32
      %select_n3A_7 = arith.select %select_n3A, %select_n3A_6, %select_n3A_5 : i32
      %eq3A = arith.constant -1 : i32
      %eq3A_8 = arith.cmpi eq, %select_n3A_7, %eq3A : i32
      %select_n3A_9 = arith.constant 3 : i32
      %select_n3A_10 = arith.select %eq3A_8, %select_n3A_9, %select_n3A_7 : i32
      %add3A_11 = arith.addi %select_n3A_10, %mul3A_0 : i32
      %select_n3A_12 = arith.constant true
      %select_n3A_13 = arith.constant 0 : i32
      %select_n3A_14 = arith.constant 1 : i32
      %select_n3A_15 = arith.select %select_n3A_12, %select_n3A_14, %select_n3A_13 : i32
      %eq3A_16 = arith.constant 4 : i32
      %eq3A_17 = arith.cmpi eq, %select_n3A_15, %eq3A_16 : i32
      %select_n3A_18 = arith.constant 0 : i32
      %select_n3A_19 = arith.select %eq3A_17, %select_n3A_18, %select_n3A_15 : i32
      %add3A_20 = arith.addi %select_n3A_19, %mul3A_0 : i32
      %add3A_21 = arith.constant 1 : i32
      %add3A_22 = arith.addi %select_n3A_19, %add3A_21 : i32
      %select_n3A_23 = arith.constant true
      %select_n3A_24 = arith.select %select_n3A_23, %add3A_22, %select_n3A_19 : i32
      %eq3A_25 = arith.constant 4 : i32
      %eq3A_26 = arith.cmpi eq, %select_n3A_24, %eq3A_25 : i32
      %select_n3A_27 = arith.constant 0 : i32
      %select_n3A_28 = arith.select %eq3A_26, %select_n3A_27, %select_n3A_24 : i32
      %add3A_29 = arith.addi %select_n3A_28, %mul3A_0 : i32
      "tpu.trace_start"() <{level = 10 : i32, message = "ep_initialize_0"}> : () -> ()
      %rem3A = arith.constant 0 : i32
      %rem3A_30 = arith.constant 2 : i32
      %rem3A_31 = arith.remui %rem3A, %rem3A_30 : i32
      %mul3A_32 = arith.constant 128 : i32
      %mul3A_33 = arith.muli %mul3A_32, %add3A_4 : i32
      %dma_start3A = arith.constant 0 : i32
      %dma_start3A_34 = arith.constant 0 : i32
      %dma_start3A_35 = tpu.memref_slice %run_scoped3A[%rem3A_31, %dma_start3A, %dma_start3A_34] : memref<2x1x128xi32, #tpu.memory_space<vmem>> -> memref<1x1x128xi32, #tpu.memory_space<vmem>>
      %dma_start3A_36 = tpu.memref_squeeze %dma_start3A_35 : memref<1x1x128xi32, #tpu.memory_space<vmem>> -> memref<1x128xi32, #tpu.memory_space<vmem>>
      %dma_start3A_37 = arith.constant 0 : i32
      %dma_start3A_38 = tpu.memref_slice %arg3[%dma_start3A_37, %mul3A_33] : memref<1x8192xi32, #tpu.memory_space<hbm>> -> memref<1x128xi32, #tpu.memory_space<hbm>>
      %dma_start3A_39 = tpu.memref_slice %run_scoped3A_1[%rem3A_31] : memref<2x!tpu.dma_semaphore, #tpu.memory_space<semaphore_mem>> -> memref<1x!tpu.dma_semaphore, #tpu.memory_space<semaphore_mem>>
      %dma_start3A_40 = tpu.memref_squeeze %dma_start3A_39 : memref<1x!tpu.dma_semaphore, #tpu.memory_space<semaphore_mem>> -> memref<!tpu.dma_semaphore, #tpu.memory_space<semaphore_mem>>
      %dma_start3A_41 = arith.constant 0 : i32
      %dma_start3A_42 = arith.constant 0 : i32
      %dma_start3A_43 = tpu.memref_slice %run_scoped3A[%rem3A_31, %dma_start3A_41, %dma_start3A_42] : memref<2x1x128xi32, #tpu.memory_space<vmem>> -> memref<1x1x128xi32, #tpu.memory_space<vmem>>
      %dma_start3A_44 = tpu.memref_squeeze %dma_start3A_43 : memref<1x1x128xi32, #tpu.memory_space<vmem>> -> memref<1x128xi32, #tpu.memory_space<vmem>>
      %dma_start3A_45 = arith.constant 0 : i32
      %dma_start3A_46 = tpu.memref_slice %arg3[%dma_start3A_45, %mul3A_33] : memref<1x8192xi32, #tpu.memory_space<hbm>> -> memref<1x128xi32, #tpu.memory_space<hbm>>
      tpu.enqueue_dma source(%dma_start3A_46 : memref<1x128xi32, #tpu.memory_space<hbm>>) target(%dma_start3A_44 : memref<1x128xi32, #tpu.memory_space<vmem>>) target_semaphore(%dma_start3A_40 : memref<!tpu.dma_semaphore, #tpu.memory_space<semaphore_mem>>)
      %add3A_47 = arith.constant 0 : i32
      %add3A_48 = arith.constant 1 : i32
      %add3A_49 = arith.addi %add3A_47, %add3A_48 : i32
      %select_n3A_50 = arith.constant true
      %select_n3A_51 = arith.constant 0 : i32
      %select_n3A_52 = arith.select %select_n3A_50, %add3A_49, %select_n3A_51 : i32
      "tpu.trace_stop"() : () -> ()
      %scan3A = arith.constant 0 : i32
      %scan3A_53 = arith.constant 0 : i32
      %scan3A_54 = arith.constant 0 : i32
      %scan3A_55 = arith.constant 0 : i32
      %scan3A_56 = arith.constant 0 : i32
      %scan3A_57 = arith.constant 4 : i32
      %scan3A_58 = arith.addi %scan3A_56, %scan3A_57 : i32
      %scan3A_59 = arith.constant 1 : i32
      %scan3A_60:5 = scf.for %scan3A_114 = %scan3A_56 to %scan3A_58 step %scan3A_59 iter_args(%scan3A_115 = %select_n3A_52, %scan3A_116 = %scan3A, %scan3A_117 = %scan3A_53, %scan3A_118 = %scan3A_54, %scan3A_119 = %scan3A_55) -> (i32, i32, i32, i32, i32)  : i32 {
        %eq3A_120 = arith.constant 0 : i32
        %eq3A_121 = arith.cmpi eq, %scan3A_114, %eq3A_120 : i32
        %eq3A_122 = arith.constant 3 : i32
        %eq3A_123 = arith.cmpi eq, %scan3A_114, %eq3A_122 : i32
        %add3A_124 = arith.addi %scan3A_119, %mul3A_0 : i32
        %sub3A_125 = arith.constant 1 : i32
        %sub3A_126 = arith.subi %scan3A_119, %sub3A_125 : i32
        %select_n3A_127 = arith.constant true
        %select_n3A_128 = arith.select %select_n3A_127, %sub3A_126, %scan3A_119 : i32
        %eq3A_129 = arith.constant -1 : i32
        %eq3A_130 = arith.cmpi eq, %select_n3A_128, %eq3A_129 : i32
        %select_n3A_131 = arith.constant 3 : i32
        %select_n3A_132 = arith.select %eq3A_130, %select_n3A_131, %select_n3A_128 : i32
        %add3A_133 = arith.addi %select_n3A_132, %mul3A_0 : i32
        %add3A_134 = arith.constant 1 : i32
        %add3A_135 = arith.addi %scan3A_119, %add3A_134 : i32
        %select_n3A_136 = arith.constant true
        %select_n3A_137 = arith.select %select_n3A_136, %add3A_135, %scan3A_119 : i32
        %eq3A_138 = arith.constant 4 : i32
        %eq3A_139 = arith.cmpi eq, %select_n3A_137, %eq3A_138 : i32
        %select_n3A_140 = arith.constant 0 : i32
        %select_n3A_141 = arith.select %eq3A_139, %select_n3A_140, %select_n3A_137 : i32
        %add3A_142 = arith.addi %select_n3A_141, %mul3A_0 : i32
        %add3A_143 = arith.constant 1 : i32
        %add3A_144 = arith.addi %select_n3A_141, %add3A_143 : i32
        %select_n3A_145 = arith.constant true
        %select_n3A_146 = arith.select %select_n3A_145, %add3A_144, %select_n3A_141 : i32
        %eq3A_147 = arith.constant 4 : i32
        %eq3A_148 = arith.cmpi eq, %select_n3A_146, %eq3A_147 : i32
        %select_n3A_149 = arith.constant 0 : i32
        %select_n3A_150 = arith.select %eq3A_148, %select_n3A_149, %select_n3A_146 : i32
        %add3A_151 = arith.addi %select_n3A_150, %mul3A_0 : i32
        %ne3A = arith.cmpi ne, %add3A_124, %add3A_142 : i32
        %or3A = arith.constant false
        %or3A_152 = arith.ori %or3A, %ne3A : i1
        %ge3A = arith.constant 3 : i32
        %ge3A_153 = arith.cmpi sge, %scan3A_114, %ge3A : i32
        %not3A = arith.constant true
        %not3A_154 = arith.xori %ge3A_153, %not3A : i1
        %and3A = arith.andi %or3A_152, %not3A_154 : i1
        %convert_element_type3A = arith.extui %and3A : i1 to i32
        %cond3A = arith.constant 0 : i32
        %cond3A_155 = arith.cmpi ne, %convert_element_type3A, %cond3A : i32
        scf.if %cond3A_155 {
          "tpu.trace_start"() <{level = 10 : i32, message = "ep_copy_in"}> : () -> ()
          %rem3A_257 = arith.constant 2 : i32
          %rem3A_258 = arith.remui %scan3A_115, %rem3A_257 : i32
          %mul3A_259 = arith.constant 128 : i32
          %mul3A_260 = arith.muli %mul3A_259, %add3A_142 : i32
          %dma_start3A_261 = arith.constant 0 : i32
          %dma_start3A_262 = arith.constant 0 : i32
          %dma_start3A_263 = tpu.memref_slice %run_scoped3A[%rem3A_258, %dma_start3A_261, %dma_start3A_262] : memref<2x1x128xi32, #tpu.memory_space<vmem>> -> memref<1x1x128xi32, #tpu.memory_space<vmem>>
          %dma_start3A_264 = tpu.memref_squeeze %dma_start3A_263 : memref<1x1x128xi32, #tpu.memory_space<vmem>> -> memref<1x128xi32, #tpu.memory_space<vmem>>
          %dma_start3A_265 = arith.constant 0 : i32
          %dma_start3A_266 = tpu.memref_slice %arg3[%dma_start3A_265, %mul3A_260] : memref<1x8192xi32, #tpu.memory_space<hbm>> -> memref<1x128xi32, #tpu.memory_space<hbm>>
          %dma_start3A_267 = tpu.memref_slice %run_scoped3A_1[%rem3A_258] : memref<2x!tpu.dma_semaphore, #tpu.memory_space<semaphore_mem>> -> memref<1x!tpu.dma_semaphore, #tpu.memory_space<semaphore_mem>>
          %dma_start3A_268 = tpu.memref_squeeze %dma_start3A_267 : memref<1x!tpu.dma_semaphore, #tpu.memory_space<semaphore_mem>> -> memref<!tpu.dma_semaphore, #tpu.memory_space<semaphore_mem>>
          %dma_start3A_269 = arith.constant 0 : i32
          %dma_start3A_270 = arith.constant 0 : i32
          %dma_start3A_271 = tpu.memref_slice %run_scoped3A[%rem3A_258, %dma_start3A_269, %dma_start3A_270] : memref<2x1x128xi32, #tpu.memory_space<vmem>> -> memref<1x1x128xi32, #tpu.memory_space<vmem>>
          %dma_start3A_272 = tpu.memref_squeeze %dma_start3A_271 : memref<1x1x128xi32, #tpu.memory_space<vmem>> -> memref<1x128xi32, #tpu.memory_space<vmem>>
          %dma_start3A_273 = arith.constant 0 : i32
          %dma_start3A_274 = tpu.memref_slice %arg3[%dma_start3A_273, %mul3A_260] : memref<1x8192xi32, #tpu.memory_space<hbm>> -> memref<1x128xi32, #tpu.memory_space<hbm>>
          tpu.enqueue_dma source(%dma_start3A_274 : memref<1x128xi32, #tpu.memory_space<hbm>>) target(%dma_start3A_272 : memref<1x128xi32, #tpu.memory_space<vmem>>) target_semaphore(%dma_start3A_268 : memref<!tpu.dma_semaphore, #tpu.memory_space<semaphore_mem>>)
          "tpu.trace_stop"() : () -> ()
        } else {
        }
        %and3A_156 = arith.constant true
        %and3A_157 = arith.andi %and3A, %and3A_156 : i1
        %add3A_158 = arith.constant 1 : i32
        %add3A_159 = arith.addi %scan3A_115, %add3A_158 : i32
        %select_n3A_160 = arith.select %and3A_157, %add3A_159, %scan3A_115 : i32
        %ne3A_161 = arith.cmpi ne, %add3A_124, %add3A_142 : i32
        %or3A_162 = arith.constant false
        %or3A_163 = arith.ori %or3A_162, %ne3A_161 : i1
        %or3A_164 = arith.constant false
        %or3A_165 = arith.ori %or3A_163, %or3A_164 : i1
        %ge3A_166 = arith.constant 3 : i32
        %ge3A_167 = arith.cmpi sge, %scan3A_114, %ge3A_166 : i32
        %not3A_168 = arith.constant true
        %not3A_169 = arith.xori %ge3A_167, %not3A_168 : i1
        %and3A_170 = arith.andi %or3A_165, %not3A_169 : i1
        %ne3A_171 = arith.cmpi ne, %add3A_124, %add3A_133 : i32
        %or3A_172 = arith.constant false
        %or3A_173 = arith.ori %or3A_172, %ne3A_171 : i1
        %or3A_174 = arith.ori %or3A_173, %eq3A_121 : i1
        %convert_element_type3A_175 = arith.extui %or3A_174 : i1 to i32
        %cond3A_176 = arith.constant 0 : i32
        %cond3A_177 = arith.cmpi ne, %convert_element_type3A_175, %cond3A_176 : i32
        scf.if %cond3A_177 {
          "tpu.trace_start"() <{level = 10 : i32, message = "ep_wait_in"}> : () -> ()
          %mul3A_257 = arith.constant 128 : i32
          %mul3A_258 = arith.muli %mul3A_257, %add3A_124 : i32
          %rem3A_259 = arith.constant 2 : i32
          %rem3A_260 = arith.remui %scan3A_116, %rem3A_259 : i32
          %dma_wait3A_261 = arith.constant 0 : i32
          %dma_wait3A_262 = arith.constant 0 : i32
          %dma_wait3A_263 = tpu.memref_slice %run_scoped3A[%rem3A_260, %dma_wait3A_261, %dma_wait3A_262] : memref<2x1x128xi32, #tpu.memory_space<vmem>> -> memref<1x1x128xi32, #tpu.memory_space<vmem>>
          %dma_wait3A_264 = tpu.memref_squeeze %dma_wait3A_263 : memref<1x1x128xi32, #tpu.memory_space<vmem>> -> memref<1x128xi32, #tpu.memory_space<vmem>>
          %dma_wait3A_265 = arith.constant 0 : i32
          %dma_wait3A_266 = tpu.memref_slice %arg3[%dma_wait3A_265, %mul3A_258] : memref<1x8192xi32, #tpu.memory_space<hbm>> -> memref<1x128xi32, #tpu.memory_space<hbm>>
          %dma_wait3A_267 = tpu.memref_slice %run_scoped3A_1[%rem3A_260] : memref<2x!tpu.dma_semaphore, #tpu.memory_space<semaphore_mem>> -> memref<1x!tpu.dma_semaphore, #tpu.memory_space<semaphore_mem>>
          %dma_wait3A_268 = tpu.memref_squeeze %dma_wait3A_267 : memref<1x!tpu.dma_semaphore, #tpu.memory_space<semaphore_mem>> -> memref<!tpu.dma_semaphore, #tpu.memory_space<semaphore_mem>>
          %dma_wait3A_269 = arith.constant 0 : i32
          %dma_wait3A_270 = arith.constant 0 : i32
          %dma_wait3A_271 = tpu.memref_slice %run_scoped3A[%rem3A_260, %dma_wait3A_269, %dma_wait3A_270] : memref<2x1x128xi32, #tpu.memory_space<vmem>> -> memref<1x1x128xi32, #tpu.memory_space<vmem>>
          %dma_wait3A_272 = tpu.memref_squeeze %dma_wait3A_271 : memref<1x1x128xi32, #tpu.memory_space<vmem>> -> memref<1x128xi32, #tpu.memory_space<vmem>>
          %dma_wait3A_273 = arith.constant 0 : i32
          %dma_wait3A_274 = tpu.memref_slice %arg3[%dma_wait3A_273, %mul3A_258] : memref<1x8192xi32, #tpu.memory_space<hbm>> -> memref<1x128xi32, #tpu.memory_space<hbm>>
          tpu.wait_dma2 semaphore(%dma_wait3A_268 : memref<!tpu.dma_semaphore, #tpu.memory_space<semaphore_mem>>) src(%dma_wait3A_274 : memref<1x128xi32, #tpu.memory_space<hbm>>) dst(%dma_wait3A_272 : memref<1x128xi32, #tpu.memory_space<vmem>>)
          "tpu.trace_stop"() : () -> ()
        } else {
        }
        %ne3A_178 = arith.cmpi ne, %add3A_124, %add3A_133 : i32
        %or3A_179 = arith.constant false
        %or3A_180 = arith.ori %or3A_179, %ne3A_178 : i1
        %or3A_181 = arith.constant false
        %or3A_182 = arith.ori %or3A_180, %or3A_181 : i1
        %or3A_183 = arith.ori %or3A_182, %eq3A_121 : i1
        %convert_element_type3A_184 = arith.extui %or3A_183 : i1 to i32
        %cond3A_185 = arith.constant 0 : i32
        %cond3A_186 = arith.cmpi ne, %convert_element_type3A_184, %cond3A_185 : i32
        scf.if %cond3A_186 {
        } else {
        }
        %rem3A_187 = arith.constant 2 : i32
        %rem3A_188 = arith.remui %scan3A_116, %rem3A_187 : i32
        %rem3A_189 = arith.constant 2 : i32
        %rem3A_190 = arith.remui %scan3A_117, %rem3A_189 : i32
        %run_scoped3A_191 = arith.constant 0 : i32
        "tpu.trace_start"() <{level = 10 : i32, message = "ep_run_kernel"}> : () -> ()
        "tpu.region"() ({
          %run_scoped3A_257 = tpu.sem_alloc : memref<!tpu.dma_semaphore, #tpu.memory_space<semaphore_mem>>
          %dma_start3A_258 = arith.constant 0 : i32
          %dma_start3A_259 = arith.constant 0 : i32
          %dma_start3A_260 = tpu.memref_slice %run_scoped3A_2[%rem3A_190, %dma_start3A_258, %dma_start3A_259] : memref<2x128x128xf32, #tpu.memory_space<vmem>> -> memref<1x128x128xf32, #tpu.memory_space<vmem>>
          %dma_start3A_261 = tpu.memref_squeeze %dma_start3A_260 : memref<1x128x128xf32, #tpu.memory_space<vmem>> -> memref<128x128xf32, #tpu.memory_space<vmem>>
          %dma_start3A_262 = arith.constant 0 : i32
          %dma_start3A_263 = arith.constant 0 : i32
          %dma_start3A_264 = tpu.memref_slice %run_scoped3A[%rem3A_188, %dma_start3A_262, %dma_start3A_263] : memref<2x1x128xi32, #tpu.memory_space<vmem>> -> memref<1x1x128xi32, #tpu.memory_space<vmem>>
          %dma_start3A_265 = tpu.memref_squeeze %dma_start3A_264 : memref<1x1x128xi32, #tpu.memory_space<vmem>> -> memref<1x128xi32, #tpu.memory_space<vmem>>
          %dma_start3A_266 = arith.constant 0 : i32
          %dma_start3A_267 = tpu.memref_slice %dma_start3A_265[%run_scoped3A_191, %dma_start3A_266] : memref<1x128xi32, #tpu.memory_space<vmem>> -> memref<1x128xi32, #tpu.memory_space<vmem>>
          %dma_start3A_268 = tpu.memref_squeeze %dma_start3A_267 : memref<1x128xi32, #tpu.memory_space<vmem>> -> memref<128xi32, #tpu.memory_space<vmem>>
          %dma_start3A_269 = arith.constant 0 : i32
          %dma_start3A_270 = arith.constant 0 : i32
          %dma_start3A_271 = tpu.memref_slice %arg2[%dma_start3A_269, %dma_start3A_270] : memref<100x128xf32, #tpu.memory_space<hbm>> -> memref<100x128xf32, #tpu.memory_space<hbm>>
          tpu.enqueue_indirect_dma source(%dma_start3A_271 : memref<100x128xf32, #tpu.memory_space<hbm>>) target(%dma_start3A_261 : memref<128x128xf32, #tpu.memory_space<vmem>>) offsets(%dma_start3A_268 : memref<128xi32, #tpu.memory_space<vmem>>) semaphore(%run_scoped3A_257 : memref<!tpu.dma_semaphore, #tpu.memory_space<semaphore_mem>>)
          %dma_wait3A_272 = arith.constant 0 : i32
          %dma_wait3A_273 = arith.constant 0 : i32
          %dma_wait3A_274 = tpu.memref_slice %run_scoped3A_2[%rem3A_190, %dma_wait3A_272, %dma_wait3A_273] : memref<2x128x128xf32, #tpu.memory_space<vmem>> -> memref<1x128x128xf32, #tpu.memory_space<vmem>>
          %dma_wait3A_275 = tpu.memref_squeeze %dma_wait3A_274 : memref<1x128x128xf32, #tpu.memory_space<vmem>> -> memref<128x128xf32, #tpu.memory_space<vmem>>
          %dma_wait3A_276 = arith.constant 0 : i32
          %dma_wait3A_277 = arith.constant 0 : i32
          %dma_wait3A_278 = tpu.memref_slice %run_scoped3A[%rem3A_188, %dma_wait3A_276, %dma_wait3A_277] : memref<2x1x128xi32, #tpu.memory_space<vmem>> -> memref<1x1x128xi32, #tpu.memory_space<vmem>>
          %dma_wait3A_279 = tpu.memref_squeeze %dma_wait3A_278 : memref<1x1x128xi32, #tpu.memory_space<vmem>> -> memref<1x128xi32, #tpu.memory_space<vmem>>
          %dma_wait3A_280 = arith.constant 0 : i32
          %dma_wait3A_281 = tpu.memref_slice %dma_wait3A_279[%run_scoped3A_191, %dma_wait3A_280] : memref<1x128xi32, #tpu.memory_space<vmem>> -> memref<1x128xi32, #tpu.memory_space<vmem>>
          %dma_wait3A_282 = tpu.memref_squeeze %dma_wait3A_281 : memref<1x128xi32, #tpu.memory_space<vmem>> -> memref<128xi32, #tpu.memory_space<vmem>>
          %dma_wait3A_283 = arith.constant 0 : i32
          %dma_wait3A_284 = arith.constant 0 : i32
          %dma_wait3A_285 = tpu.memref_slice %arg2[%dma_wait3A_283, %dma_wait3A_284] : memref<100x128xf32, #tpu.memory_space<hbm>> -> memref<100x128xf32, #tpu.memory_space<hbm>>
          tpu.wait_indirect_dma semaphore(%run_scoped3A_257 : memref<!tpu.dma_semaphore, #tpu.memory_space<semaphore_mem>>) src(%dma_wait3A_285 : memref<100x128xf32, #tpu.memory_space<hbm>>) dst(%dma_wait3A_275 : memref<128x128xf32, #tpu.memory_space<vmem>>)
          tpu.yield
        }) : () -> ()
        "tpu.trace_stop"() : () -> ()
        %ne3A_192 = arith.cmpi ne, %add3A_124, %add3A_142 : i32
        %or3A_193 = arith.constant false
        %or3A_194 = arith.ori %or3A_193, %ne3A_192 : i1
        %or3A_195 = arith.ori %or3A_194, %eq3A_123 : i1
        %convert_element_type3A_196 = arith.extui %or3A_195 : i1 to i32
        %cond3A_197 = arith.constant 0 : i32
        %cond3A_198 = arith.cmpi ne, %convert_element_type3A_196, %cond3A_197 : i32
        scf.if %cond3A_198 {
        } else {
        }
        %and3A_199 = arith.constant false
        %and3A_200 = arith.andi %or3A_195, %and3A_199 : i1
        %ne3A_201 = arith.cmpi ne, %add3A_124, %add3A_142 : i32
        %or3A_202 = arith.constant false
        %or3A_203 = arith.ori %or3A_202, %ne3A_201 : i1
        %or3A_204 = arith.constant false
        %or3A_205 = arith.ori %or3A_203, %or3A_204 : i1
        %or3A_206 = arith.ori %or3A_205, %eq3A_123 : i1
        %convert_element_type3A_207 = arith.extui %or3A_206 : i1 to i32
        %cond3A_208 = arith.constant 0 : i32
        %cond3A_209 = arith.cmpi ne, %convert_element_type3A_207, %cond3A_208 : i32
        scf.if %cond3A_209 {
          "tpu.trace_start"() <{level = 10 : i32, message = "ep_copy_out"}> : () -> ()
          %rem3A_257 = arith.constant 2 : i32
          %rem3A_258 = arith.remui %scan3A_117, %rem3A_257 : i32
          %mul3A_259 = arith.constant 128 : i32
          %mul3A_260 = arith.muli %mul3A_259, %add3A_124 : i32
          %dma_start3A_261 = arith.constant 0 : i32
          %dma_start3A_262 = arith.constant 0 : i32
          %dma_start3A_263 = tpu.memref_slice %run_scoped3A_2[%rem3A_258, %dma_start3A_261, %dma_start3A_262] : memref<2x128x128xf32, #tpu.memory_space<vmem>> -> memref<1x128x128xf32, #tpu.memory_space<vmem>>
          %dma_start3A_264 = tpu.memref_squeeze %dma_start3A_263 : memref<1x128x128xf32, #tpu.memory_space<vmem>> -> memref<128x128xf32, #tpu.memory_space<vmem>>
          %dma_start3A_265 = arith.constant 0 : i32
          %dma_start3A_266 = tpu.memref_slice %arg4[%mul3A_260, %dma_start3A_265] : memref<8192x128xf32, #tpu.memory_space<hbm>> -> memref<128x128xf32, #tpu.memory_space<hbm>>
          %dma_start3A_267 = tpu.memref_slice %run_scoped3A_3[%rem3A_258] : memref<2x!tpu.dma_semaphore, #tpu.memory_space<semaphore_mem>> -> memref<1x!tpu.dma_semaphore, #tpu.memory_space<semaphore_mem>>
          %dma_start3A_268 = tpu.memref_squeeze %dma_start3A_267 : memref<1x!tpu.dma_semaphore, #tpu.memory_space<semaphore_mem>> -> memref<!tpu.dma_semaphore, #tpu.memory_space<semaphore_mem>>
          %dma_start3A_269 = arith.constant 0 : i32
          %dma_start3A_270 = tpu.memref_slice %arg4[%mul3A_260, %dma_start3A_269] : memref<8192x128xf32, #tpu.memory_space<hbm>> -> memref<128x128xf32, #tpu.memory_space<hbm>>
          %dma_start3A_271 = arith.constant 0 : i32
          %dma_start3A_272 = arith.constant 0 : i32
          %dma_start3A_273 = tpu.memref_slice %run_scoped3A_2[%rem3A_258, %dma_start3A_271, %dma_start3A_272] : memref<2x128x128xf32, #tpu.memory_space<vmem>> -> memref<1x128x128xf32, #tpu.memory_space<vmem>>
          %dma_start3A_274 = tpu.memref_squeeze %dma_start3A_273 : memref<1x128x128xf32, #tpu.memory_space<vmem>> -> memref<128x128xf32, #tpu.memory_space<vmem>>
          tpu.enqueue_dma source(%dma_start3A_274 : memref<128x128xf32, #tpu.memory_space<vmem>>) target(%dma_start3A_270 : memref<128x128xf32, #tpu.memory_space<hbm>>) target_semaphore(%dma_start3A_268 : memref<!tpu.dma_semaphore, #tpu.memory_space<semaphore_mem>>)
          "tpu.trace_stop"() : () -> ()
        } else {
        }
        %and3A_210 = arith.constant true
        %and3A_211 = arith.andi %or3A_206, %and3A_210 : i1
        %add3A_212 = arith.constant 1 : i32
        %add3A_213 = arith.addi %scan3A_117, %add3A_212 : i32
        %select_n3A_214 = arith.select %and3A_211, %add3A_213, %scan3A_117 : i32
        %ne3A_215 = arith.cmpi ne, %add3A_124, %add3A_133 : i32
        %or3A_216 = arith.constant false
        %or3A_217 = arith.ori %or3A_216, %ne3A_215 : i1
        %not3A_218 = arith.constant true
        %not3A_219 = arith.xori %eq3A_121, %not3A_218 : i1
        %and3A_220 = arith.andi %or3A_217, %not3A_219 : i1
        %convert_element_type3A_221 = arith.extui %and3A_220 : i1 to i32
        %cond3A_222 = arith.constant 0 : i32
        %cond3A_223 = arith.cmpi ne, %convert_element_type3A_221, %cond3A_222 : i32
        scf.if %cond3A_223 {
        } else {
        }
        %and3A_224 = arith.constant false
        %and3A_225 = arith.andi %and3A_220, %and3A_224 : i1
        %ne3A_226 = arith.cmpi ne, %add3A_124, %add3A_133 : i32
        %or3A_227 = arith.constant false
        %or3A_228 = arith.ori %or3A_227, %ne3A_226 : i1
        %or3A_229 = arith.constant false
        %or3A_230 = arith.ori %or3A_228, %or3A_229 : i1
        %not3A_231 = arith.constant true
        %not3A_232 = arith.xori %eq3A_121, %not3A_231 : i1
        %and3A_233 = arith.andi %or3A_230, %not3A_232 : i1
        %convert_element_type3A_234 = arith.extui %and3A_233 : i1 to i32
        %cond3A_235 = arith.constant 0 : i32
        %cond3A_236 = arith.cmpi ne, %convert_element_type3A_234, %cond3A_235 : i32
        scf.if %cond3A_236 {
          "tpu.trace_start"() <{level = 10 : i32, message = "ep_wait_out"}> : () -> ()
          %rem3A_257 = arith.constant 2 : i32
          %rem3A_258 = arith.remui %scan3A_118, %rem3A_257 : i32
          %mul3A_259 = arith.constant 128 : i32
          %mul3A_260 = arith.muli %mul3A_259, %add3A_133 : i32
          %dma_wait3A_261 = arith.constant 0 : i32
          %dma_wait3A_262 = arith.constant 0 : i32
          %dma_wait3A_263 = tpu.memref_slice %run_scoped3A_2[%rem3A_258, %dma_wait3A_261, %dma_wait3A_262] : memref<2x128x128xf32, #tpu.memory_space<vmem>> -> memref<1x128x128xf32, #tpu.memory_space<vmem>>
          %dma_wait3A_264 = tpu.memref_squeeze %dma_wait3A_263 : memref<1x128x128xf32, #tpu.memory_space<vmem>> -> memref<128x128xf32, #tpu.memory_space<vmem>>
          %dma_wait3A_265 = arith.constant 0 : i32
          %dma_wait3A_266 = tpu.memref_slice %arg4[%mul3A_260, %dma_wait3A_265] : memref<8192x128xf32, #tpu.memory_space<hbm>> -> memref<128x128xf32, #tpu.memory_space<hbm>>
          %dma_wait3A_267 = tpu.memref_slice %run_scoped3A_3[%rem3A_258] : memref<2x!tpu.dma_semaphore, #tpu.memory_space<semaphore_mem>> -> memref<1x!tpu.dma_semaphore, #tpu.memory_space<semaphore_mem>>
          %dma_wait3A_268 = tpu.memref_squeeze %dma_wait3A_267 : memref<1x!tpu.dma_semaphore, #tpu.memory_space<semaphore_mem>> -> memref<!tpu.dma_semaphore, #tpu.memory_space<semaphore_mem>>
          %dma_wait3A_269 = arith.constant 0 : i32
          %dma_wait3A_270 = tpu.memref_slice %arg4[%mul3A_260, %dma_wait3A_269] : memref<8192x128xf32, #tpu.memory_space<hbm>> -> memref<128x128xf32, #tpu.memory_space<hbm>>
          %dma_wait3A_271 = arith.constant 0 : i32
          %dma_wait3A_272 = arith.constant 0 : i32
          %dma_wait3A_273 = tpu.memref_slice %run_scoped3A_2[%rem3A_258, %dma_wait3A_271, %dma_wait3A_272] : memref<2x128x128xf32, #tpu.memory_space<vmem>> -> memref<1x128x128xf32, #tpu.memory_space<vmem>>
          %dma_wait3A_274 = tpu.memref_squeeze %dma_wait3A_273 : memref<1x128x128xf32, #tpu.memory_space<vmem>> -> memref<128x128xf32, #tpu.memory_space<vmem>>
          tpu.wait_dma2 semaphore(%dma_wait3A_268 : memref<!tpu.dma_semaphore, #tpu.memory_space<semaphore_mem>>) src(%dma_wait3A_274 : memref<128x128xf32, #tpu.memory_space<vmem>>) dst(%dma_wait3A_270 : memref<128x128xf32, #tpu.memory_space<hbm>>)
          "tpu.trace_stop"() : () -> ()
        } else {
        }
        %and3A_237 = arith.constant true
        %and3A_238 = arith.andi %and3A_233, %and3A_237 : i1
        %add3A_239 = arith.constant 1 : i32
        %add3A_240 = arith.addi %scan3A_118, %add3A_239 : i32
        %select_n3A_241 = arith.select %and3A_238, %add3A_240, %scan3A_118 : i32
        %ne3A_242 = arith.cmpi ne, %add3A_124, %add3A_142 : i32
        %or3A_243 = arith.constant false
        %or3A_244 = arith.ori %or3A_243, %ne3A_242 : i1
        %or3A_245 = arith.ori %or3A_244, %eq3A_123 : i1
        %add3A_246 = arith.constant 1 : i32
        %add3A_247 = arith.addi %scan3A_116, %add3A_246 : i32
        %select_n3A_248 = arith.select %or3A_245, %add3A_247, %scan3A_116 : i32
        %add3A_249 = arith.constant 1 : i32
        %add3A_250 = arith.addi %scan3A_119, %add3A_249 : i32
        %select_n3A_251 = arith.constant true
        %select_n3A_252 = arith.select %select_n3A_251, %add3A_250, %scan3A_119 : i32
        %eq3A_253 = arith.constant 4 : i32
        %eq3A_254 = arith.cmpi eq, %select_n3A_252, %eq3A_253 : i32
        %select_n3A_255 = arith.constant 0 : i32
        %select_n3A_256 = arith.select %eq3A_254, %select_n3A_255, %select_n3A_252 : i32
        scf.yield %select_n3A_160, %select_n3A_248, %select_n3A_214, %select_n3A_241, %select_n3A_256 : i32, i32, i32, i32, i32
      }
      %scan3A_61 = arith.constant 4 : i32
      %sub3A = arith.constant 1 : i32
      %sub3A_62 = arith.subi %scan3A_60#4, %sub3A : i32
      %select_n3A_63 = arith.constant true
      %select_n3A_64 = arith.select %select_n3A_63, %sub3A_62, %scan3A_60#4 : i32
      %eq3A_65 = arith.constant -1 : i32
      %eq3A_66 = arith.cmpi eq, %select_n3A_64, %eq3A_65 : i32
      %select_n3A_67 = arith.constant 3 : i32
      %select_n3A_68 = arith.select %eq3A_66, %select_n3A_67, %select_n3A_64 : i32
      %add3A_69 = arith.addi %select_n3A_68, %mul3A_0 : i32
      %sub3A_70 = arith.constant 1 : i32
      %sub3A_71 = arith.subi %select_n3A_68, %sub3A_70 : i32
      %select_n3A_72 = arith.constant true
      %select_n3A_73 = arith.select %select_n3A_72, %sub3A_71, %select_n3A_68 : i32
      %eq3A_74 = arith.constant -1 : i32
      %eq3A_75 = arith.cmpi eq, %select_n3A_73, %eq3A_74 : i32
      %select_n3A_76 = arith.constant 3 : i32
      %select_n3A_77 = arith.select %eq3A_75, %select_n3A_76, %select_n3A_73 : i32
      %add3A_78 = arith.addi %select_n3A_77, %mul3A_0 : i32
      %add3A_79 = arith.constant 1 : i32
      %add3A_80 = arith.addi %select_n3A_68, %add3A_79 : i32
      %select_n3A_81 = arith.constant true
      %select_n3A_82 = arith.select %select_n3A_81, %add3A_80, %select_n3A_68 : i32
      %eq3A_83 = arith.constant 4 : i32
      %eq3A_84 = arith.cmpi eq, %select_n3A_82, %eq3A_83 : i32
      %select_n3A_85 = arith.constant 0 : i32
      %select_n3A_86 = arith.select %eq3A_84, %select_n3A_85, %select_n3A_82 : i32
      %add3A_87 = arith.addi %select_n3A_86, %mul3A_0 : i32
      %add3A_88 = arith.constant 1 : i32
      %add3A_89 = arith.addi %select_n3A_86, %add3A_88 : i32
      %select_n3A_90 = arith.constant true
      %select_n3A_91 = arith.select %select_n3A_90, %add3A_89, %select_n3A_86 : i32
      %eq3A_92 = arith.constant 4 : i32
      %eq3A_93 = arith.cmpi eq, %select_n3A_91, %eq3A_92 : i32
      %select_n3A_94 = arith.constant 0 : i32
      %select_n3A_95 = arith.select %eq3A_93, %select_n3A_94, %select_n3A_91 : i32
      %add3A_96 = arith.addi %select_n3A_95, %mul3A_0 : i32
      "tpu.trace_start"() <{level = 10 : i32, message = "ep_finalize"}> : () -> ()
      %rem3A_97 = arith.constant 2 : i32
      %rem3A_98 = arith.remui %scan3A_60#3, %rem3A_97 : i32
      %mul3A_99 = arith.constant 128 : i32
      %mul3A_100 = arith.muli %mul3A_99, %add3A_69 : i32
      %dma_wait3A = arith.constant 0 : i32
      %dma_wait3A_101 = arith.constant 0 : i32
      %dma_wait3A_102 = tpu.memref_slice %run_scoped3A_2[%rem3A_98, %dma_wait3A, %dma_wait3A_101] : memref<2x128x128xf32, #tpu.memory_space<vmem>> -> memref<1x128x128xf32, #tpu.memory_space<vmem>>
      %dma_wait3A_103 = tpu.memref_squeeze %dma_wait3A_102 : memref<1x128x128xf32, #tpu.memory_space<vmem>> -> memref<128x128xf32, #tpu.memory_space<vmem>>
      %dma_wait3A_104 = arith.constant 0 : i32
      %dma_wait3A_105 = tpu.memref_slice %arg4[%mul3A_100, %dma_wait3A_104] : memref<8192x128xf32, #tpu.memory_space<hbm>> -> memref<128x128xf32, #tpu.memory_space<hbm>>
      %dma_wait3A_106 = tpu.memref_slice %run_scoped3A_3[%rem3A_98] : memref<2x!tpu.dma_semaphore, #tpu.memory_space<semaphore_mem>> -> memref<1x!tpu.dma_semaphore, #tpu.memory_space<semaphore_mem>>
      %dma_wait3A_107 = tpu.memref_squeeze %dma_wait3A_106 : memref<1x!tpu.dma_semaphore, #tpu.memory_space<semaphore_mem>> -> memref<!tpu.dma_semaphore, #tpu.memory_space<semaphore_mem>>
      %dma_wait3A_108 = arith.constant 0 : i32
      %dma_wait3A_109 = tpu.memref_slice %arg4[%mul3A_100, %dma_wait3A_108] : memref<8192x128xf32, #tpu.memory_space<hbm>> -> memref<128x128xf32, #tpu.memory_space<hbm>>
      %dma_wait3A_110 = arith.constant 0 : i32
      %dma_wait3A_111 = arith.constant 0 : i32
      %dma_wait3A_112 = tpu.memref_slice %run_scoped3A_2[%rem3A_98, %dma_wait3A_110, %dma_wait3A_111] : memref<2x128x128xf32, #tpu.memory_space<vmem>> -> memref<1x128x128xf32, #tpu.memory_space<vmem>>
      %dma_wait3A_113 = tpu.memref_squeeze %dma_wait3A_112 : memref<1x128x128xf32, #tpu.memory_space<vmem>> -> memref<128x128xf32, #tpu.memory_space<vmem>>
      tpu.wait_dma2 semaphore(%dma_wait3A_107 : memref<!tpu.dma_semaphore, #tpu.memory_space<semaphore_mem>>) src(%dma_wait3A_113 : memref<128x128xf32, #tpu.memory_space<vmem>>) dst(%dma_wait3A_109 : memref<128x128xf32, #tpu.memory_space<hbm>>)
      "tpu.trace_stop"() : () -> ()
      tpu.yield
    }) : () -> ()
    return
  }
}

module attributes {stable_mosaic.version = 14 : i64} {
  func.func @_mm_body(%arg0: i32, %arg1: memref<128x128xf32, #tpu.memory_space<vmem>>, %arg2: memref<128x128xf32, #tpu.memory_space<vmem>>, %arg3: memref<128x128xf32, #tpu.memory_space<vmem>>) attributes {dimension_semantics = [#tpu.dimension_semantics<arbitrary>], iteration_bounds = array<i64: 64>, scalar_prefetch = 0 : i64, scratch_operands = 0 : i64, tpu.core_type = #tpu.core_type<tc>, window_params = [{transform_indices = @transform_0, window_bounds = array<i64: 128, 128>}, {pipeline_mode = #tpu.pipeline_mode<synchronous>, transform_indices = @transform_1, window_bounds = array<i64: 128, 128>}, {transform_indices = @transform_2, window_bounds = array<i64: 128, 128>}]} {
    %get3A = arith.constant 0 : index
    %get3A_0 = arith.constant 0 : index
    %get3A_1 = vector.load %arg1[%get3A, %get3A_0] : memref<128x128xf32, #tpu.memory_space<vmem>>, vector<128x128xf32>
    %get3A_2 = arith.constant 0 : index
    %get3A_3 = arith.constant 0 : index
    %get3A_4 = vector.load %arg2[%get3A_2, %get3A_3] : memref<128x128xf32, #tpu.memory_space<vmem>>, vector<128x128xf32>
    %dot_general3A = arith.constant dense<0.000000e+00> : vector<128x128xf32>
    %dot_general3A_5 = tpu.matmul %get3A_1, %get3A_4, %dot_general3A {dimension_numbers = #tpu.dot_dimension_numbers<[1], [0], [0], [1], [0, 0, 1, 1], [], []>, precision = #tpu.contract_precision<fp32>, transpose_lhs_hint = false} : vector<128x128xf32>, vector<128x128xf32>, vector<128x128xf32> -> vector<128x128xf32>
    %swap3A = arith.constant 0 : index
    %swap3A_6 = arith.constant 0 : index
    %swap3A_7 = vector.load %arg3[%swap3A, %swap3A_6] : memref<128x128xf32, #tpu.memory_space<vmem>>, vector<128x128xf32>
    tpu.vector_store %arg3[%swap3A, %swap3A_6], %dot_general3A_5 {strides = array<i32>} : memref<128x128xf32, #tpu.memory_space<vmem>>, vector<128x128xf32>,
    return
  }
  func.func @transform_0(%arg0: i32) -> (i32, i32) {
    %c0_i32 = arith.constant 0 : i32
    %c0_i32_0 = arith.constant 0 : i32
    return %arg0, %c0_i32 : i32, i32
  }
  func.func @transform_1(%arg0: i32) -> (i32, i32) {
    %c0_i32 = arith.constant 0 : i32
    %c0_i32_0 = arith.constant 0 : i32
    %c0_i32_1 = arith.constant 0 : i32
    return %c0_i32, %c0_i32_0 : i32, i32
  }
  func.func @transform_2(%arg0: i32) -> (i32, i32) {
    %c0_i32 = arith.constant 0 : i32
    %c0_i32_0 = arith.constant 0 : i32
    return %arg0, %c0_i32 : i32, i32
  }
}

module attributes {stable_mosaic.version = 14 : i64} {
  func.func @_node_body(%arg0: i32, %arg1: memref<128x128xf32, #tpu.memory_space<vmem>>, %arg2: memref<128x128xf32, #tpu.memory_space<vmem>>, %arg3: memref<128x128xf32, #tpu.memory_space<vmem>>, %arg4: memref<1x128xf32, #tpu.memory_space<vmem>>, %arg5: memref<128x128xf32, #tpu.memory_space<vmem>>, %arg6: memref<1x128xf32, #tpu.memory_space<vmem>>, %arg7: memref<128x128xf32, #tpu.memory_space<vmem>>, %arg8: memref<128x128xf32, #tpu.memory_space<vmem>>, %arg9: memref<128x128xf32, #tpu.memory_space<vmem>>) attributes {dimension_semantics = [#tpu.dimension_semantics<arbitrary>], iteration_bounds = array<i64: 64>, scalar_prefetch = 0 : i64, scratch_operands = 0 : i64, tpu.core_type = #tpu.core_type<tc>, window_params = [{transform_indices = @transform_0, window_bounds = array<i64: 128, 128>}, {transform_indices = @transform_1, window_bounds = array<i64: 128, 128>}, {pipeline_mode = #tpu.pipeline_mode<synchronous>, transform_indices = @transform_2, window_bounds = array<i64: 128, 128>}, {pipeline_mode = #tpu.pipeline_mode<synchronous>, transform_indices = @transform_3, window_bounds = array<i64: 1, 128>}, {pipeline_mode = #tpu.pipeline_mode<synchronous>, transform_indices = @transform_4, window_bounds = array<i64: 128, 128>}, {pipeline_mode = #tpu.pipeline_mode<synchronous>, transform_indices = @transform_5, window_bounds = array<i64: 1, 128>}, {pipeline_mode = #tpu.pipeline_mode<synchronous>, transform_indices = @transform_6, window_bounds = array<i64: 128, 128>}, {transform_indices = @transform_7, window_bounds = array<i64: 128, 128>}, {transform_indices = @transform_8, window_bounds = array<i64: 128, 128>}]} {
    %get3A = arith.constant 0 : index
    %get3A_0 = arith.constant 0 : index
    %get3A_1 = vector.load %arg2[%get3A, %get3A_0] : memref<128x128xf32, #tpu.memory_space<vmem>>, vector<128x128xf32>
    %get3A_2 = arith.constant 0 : index
    %get3A_3 = arith.constant 0 : index
    %get3A_4 = vector.load %arg3[%get3A_2, %get3A_3] : memref<128x128xf32, #tpu.memory_space<vmem>>, vector<128x128xf32>
    %dot_general3A = arith.constant dense<0.000000e+00> : vector<128x128xf32>
    %dot_general3A_5 = tpu.matmul %get3A_1, %get3A_4, %dot_general3A {dimension_numbers = #tpu.dot_dimension_numbers<[1], [0], [0], [1], [0, 0, 1, 1], [], []>, precision = #tpu.contract_precision<fp32>, transpose_lhs_hint = false} : vector<128x128xf32>, vector<128x128xf32>, vector<128x128xf32> -> vector<128x128xf32>
    %get3A_6 = arith.constant 0 : index
    %get3A_7 = arith.constant 0 : index
    %get3A_8 = vector.load %arg4[%get3A_6, %get3A_7] : memref<1x128xf32, #tpu.memory_space<vmem>>, vector<1x128xf32>
    %add3A = vector.broadcast %get3A_8 : vector<1x128xf32> to vector<128x128xf32>
    %add3A_9 = arith.addf %dot_general3A_5, %add3A : vector<128x128xf32>
    %max3A = arith.constant 0.000000e+00 : f32
    %max3A_10 = vector.broadcast %max3A : f32 to vector<128x128xf32>
    %max3A_11 = arith.maximumf %add3A_9, %max3A_10 : vector<128x128xf32>
    %abs3A = math.absf %add3A_9 : vector<128x128xf32>
    %neg3A = arith.constant 0.000000e+00 : f32
    %neg3A_12 = vector.broadcast %neg3A : f32 to vector<128x128xf32>
    %neg3A_13 = arith.subf %neg3A_12, %abs3A : vector<128x128xf32>
    %exp3A = math.exp %neg3A_13 : vector<128x128xf32>
    %log1p3A = math.log1p %exp3A : vector<128x128xf32>
    %add3A_14 = arith.addf %max3A_11, %log1p3A : vector<128x128xf32>
    %sub3A = arith.constant 0.693147182 : f32
    %sub3A_15 = vector.broadcast %sub3A : f32 to vector<128x128xf32>
    %sub3A_16 = arith.subf %add3A_14, %sub3A_15 : vector<128x128xf32>
    %get3A_17 = arith.constant 0 : index
    %get3A_18 = arith.constant 0 : index
    %get3A_19 = vector.load %arg5[%get3A_17, %get3A_18] : memref<128x128xf32, #tpu.memory_space<vmem>>, vector<128x128xf32>
    %dot_general3A_20 = arith.constant dense<0.000000e+00> : vector<128x128xf32>
    %dot_general3A_21 = tpu.matmul %sub3A_16, %get3A_19, %dot_general3A_20 {dimension_numbers = #tpu.dot_dimension_numbers<[1], [0], [0], [1], [0, 0, 1, 1], [], []>, precision = #tpu.contract_precision<fp32>, transpose_lhs_hint = false} : vector<128x128xf32>, vector<128x128xf32>, vector<128x128xf32> -> vector<128x128xf32>
    %get3A_22 = arith.constant 0 : index
    %get3A_23 = arith.constant 0 : index
    %get3A_24 = vector.load %arg6[%get3A_22, %get3A_23] : memref<1x128xf32, #tpu.memory_space<vmem>>, vector<1x128xf32>
    %add3A_25 = vector.broadcast %get3A_24 : vector<1x128xf32> to vector<128x128xf32>
    %add3A_26 = arith.addf %dot_general3A_21, %add3A_25 : vector<128x128xf32>
    %get3A_27 = arith.constant 0 : index
    %get3A_28 = arith.constant 0 : index
    %get3A_29 = vector.load %arg1[%get3A_27, %get3A_28] : memref<128x128xf32, #tpu.memory_space<vmem>>, vector<128x128xf32>
    %add3A_30 = arith.addf %get3A_29, %add3A_26 : vector<128x128xf32>
    %swap3A = arith.constant 0 : index
    %swap3A_31 = arith.constant 0 : index
    %swap3A_32 = vector.load %arg8[%swap3A, %swap3A_31] : memref<128x128xf32, #tpu.memory_space<vmem>>, vector<128x128xf32>
    tpu.vector_store %arg8[%swap3A, %swap3A_31], %add3A_30 {strides = array<i32>} : memref<128x128xf32, #tpu.memory_space<vmem>>, vector<128x128xf32>,
    %get3A_33 = arith.constant 0 : index
    %get3A_34 = arith.constant 0 : index
    %get3A_35 = vector.load %arg7[%get3A_33, %get3A_34] : memref<128x128xf32, #tpu.memory_space<vmem>>, vector<128x128xf32>
    %dot_general3A_36 = arith.constant dense<0.000000e+00> : vector<128x128xf32>
    %dot_general3A_37 = tpu.matmul %add3A_30, %get3A_35, %dot_general3A_36 {dimension_numbers = #tpu.dot_dimension_numbers<[1], [0], [0], [1], [0, 0, 1, 1], [], []>, precision = #tpu.contract_precision<fp32>, transpose_lhs_hint = false} : vector<128x128xf32>, vector<128x128xf32>, vector<128x128xf32> -> vector<128x128xf32>
    %swap3A_38 = arith.constant 0 : index
    %swap3A_39 = arith.constant 0 : index
    %swap3A_40 = vector.load %arg9[%swap3A_38, %swap3A_39] : memref<128x128xf32, #tpu.memory_space<vmem>>, vector<128x128xf32>
    tpu.vector_store %arg9[%swap3A_38, %swap3A_39], %dot_general3A_37 {strides = array<i32>} : memref<128x128xf32, #tpu.memory_space<vmem>>, vector<128x128xf32>,
    return
  }
  func.func @transform_0(%arg0: i32) -> (i32, i32) {
    %c0_i32 = arith.constant 0 : i32
    %c0_i32_0 = arith.constant 0 : i32
    return %arg0, %c0_i32 : i32, i32
  }
  func.func @transform_1(%arg0: i32) -> (i32, i32) {
    %c0_i32 = arith.constant 0 : i32
    %c0_i32_0 = arith.constant 0 : i32
    return %arg0, %c0_i32 : i32, i32
  }
  func.func @transform_2(%arg0: i32) -> (i32, i32) {
    %c0_i32 = arith.constant 0 : i32
    %c0_i32_0 = arith.constant 0 : i32
    %c0_i32_1 = arith.constant 0 : i32
    return %c0_i32, %c0_i32_0 : i32, i32
  }
  func.func @transform_3(%arg0: i32) -> (i32, i32) {
    %c0_i32 = arith.constant 0 : i32
    %c0_i32_0 = arith.constant 0 : i32
    %c0_i32_1 = arith.constant 0 : i32
    return %c0_i32, %c0_i32_0 : i32, i32
  }
  func.func @transform_4(%arg0: i32) -> (i32, i32) {
    %c0_i32 = arith.constant 0 : i32
    %c0_i32_0 = arith.constant 0 : i32
    %c0_i32_1 = arith.constant 0 : i32
    return %c0_i32, %c0_i32_0 : i32, i32
  }
  func.func @transform_5(%arg0: i32) -> (i32, i32) {
    %c0_i32 = arith.constant 0 : i32
    %c0_i32_0 = arith.constant 0 : i32
    %c0_i32_1 = arith.constant 0 : i32
    return %c0_i32, %c0_i32_0 : i32, i32
  }
  func.func @transform_6(%arg0: i32) -> (i32, i32) {
    %c0_i32 = arith.constant 0 : i32
    %c0_i32_0 = arith.constant 0 : i32
    %c0_i32_1 = arith.constant 0 : i32
    return %c0_i32, %c0_i32_0 : i32, i32
  }
  func.func @transform_7(%arg0: i32) -> (i32, i32) {
    %c0_i32 = arith.constant 0 : i32
    %c0_i32_0 = arith.constant 0 : i32
    return %arg0, %c0_i32 : i32, i32
  }
  func.func @transform_8(%arg0: i32) -> (i32, i32) {
    %c0_i32 = arith.constant 0 : i32
    %c0_i32_0 = arith.constant 0 : i32
    return %arg0, %c0_i32 : i32, i32
  }
}

module attributes {stable_mosaic.version = 14 : i64} {
  func.func @_pair_body(%arg0: i32, %arg1: memref<256xi32, #tpu.memory_space<smem>>, %arg2: memref<256xi32, #tpu.memory_space<smem>>, %arg3: memref<256x8xf32, #tpu.memory_space<vmem>>, %arg4: memref<8192x8xf32, #tpu.memory_space<vmem>>, %arg5: memref<8192x1xf32, #tpu.memory_space<vmem>>, %arg6: memref<8192x128xf32, #tpu.memory_space<vmem>>, %arg7: memref<128x128xbf16, #tpu.memory_space<vmem>>, %arg8: memref<1x128xf32, #tpu.memory_space<vmem>>, %arg9: memref<128x128xbf16, #tpu.memory_space<vmem>>, %arg10: memref<1x128xf32, #tpu.memory_space<vmem>>, %arg11: memref<1x128xf32, #tpu.memory_space<vmem>>, %arg12: memref<8192x128xf32, #tpu.memory_space<vmem>>) attributes {dimension_semantics = [#tpu.dimension_semantics<arbitrary>], iteration_bounds = array<i64: 32>, scalar_prefetch = 2 : i64, scratch_operands = 0 : i64, tpu.core_type = #tpu.core_type<tc>, window_params = [{transform_indices = @transform_0, window_bounds = array<i64: 256, 8>}, {pipeline_mode = #tpu.pipeline_mode<synchronous>, transform_indices = @transform_1, window_bounds = array<i64: 8192, 8>}, {pipeline_mode = #tpu.pipeline_mode<synchronous>, transform_indices = @transform_2, window_bounds = array<i64: 8192, 1>}, {pipeline_mode = #tpu.pipeline_mode<synchronous>, transform_indices = @transform_3, window_bounds = array<i64: 8192, 128>}, {pipeline_mode = #tpu.pipeline_mode<synchronous>, transform_indices = @transform_4, window_bounds = array<i64: 128, 128>}, {pipeline_mode = #tpu.pipeline_mode<synchronous>, transform_indices = @transform_5, window_bounds = array<i64: 1, 128>}, {pipeline_mode = #tpu.pipeline_mode<synchronous>, transform_indices = @transform_6, window_bounds = array<i64: 128, 128>}, {pipeline_mode = #tpu.pipeline_mode<synchronous>, transform_indices = @transform_7, window_bounds = array<i64: 1, 128>}, {pipeline_mode = #tpu.pipeline_mode<synchronous>, transform_indices = @transform_8, window_bounds = array<i64: 1, 128>}, {pipeline_mode = #tpu.pipeline_mode<synchronous>, transform_indices = @transform_9, window_bounds = array<i64: 8192, 128>}]} {
    %get3A = arith.constant 0 : index
    %get3A_0 = arith.constant 0 : index
    %get3A_1 = vector.load %arg11[%get3A, %get3A_0] : memref<1x128xf32, #tpu.memory_space<vmem>>, vector<1x128xf32>
    %reshape3A = vector.shape_cast %get3A_1 : vector<1x128xf32> to vector<1x1x128xf32>
    %get3A_2 = arith.constant 0 : index
    %get3A_3 = arith.constant 0 : index
    %get3A_4 = vector.load %arg7[%get3A_2, %get3A_3] : memref<128x128xbf16, #tpu.memory_space<vmem>>, vector<128x128xbf16>
    %get3A_5 = arith.constant 0 : index
    %get3A_6 = arith.constant 0 : index
    %get3A_7 = vector.load %arg8[%get3A_5, %get3A_6] : memref<1x128xf32, #tpu.memory_space<vmem>>, vector<1x128xf32>
    %get3A_8 = arith.constant 0 : index
    %get3A_9 = arith.constant 0 : index
    %get3A_10 = vector.load %arg9[%get3A_8, %get3A_9] : memref<128x128xbf16, #tpu.memory_space<vmem>>, vector<128x128xbf16>
    %get3A_11 = arith.constant 0 : index
    %get3A_12 = arith.constant 0 : index
    %get3A_13 = vector.load %arg10[%get3A_11, %get3A_12] : memref<1x128xf32, #tpu.memory_space<vmem>>, vector<1x128xf32>
    %eq3A = arith.constant 0 : i32
    %eq3A_14 = arith.cmpi eq, %arg0, %eq3A : i32
    %convert_element_type3A = arith.extui %eq3A_14 : i1 to i32
    %cond3A = arith.constant 0 : i32
    %cond3A_15 = arith.cmpi ne, %convert_element_type3A, %cond3A : i32
    scf.if %cond3A_15 {
      %broadcast_in_dim3A_369 = arith.constant 0.000000e+00 : f32
      %broadcast_in_dim3A_370 = vector.broadcast %broadcast_in_dim3A_369 : f32 to vector<8192x128xf32>
      %swap3A_371 = arith.constant 0 : index
      %swap3A_372 = arith.constant 0 : index
      %swap3A_373 = vector.load %arg12[%swap3A_371, %swap3A_372] : memref<8192x128xf32, #tpu.memory_space<vmem>>, vector<8192x128xf32>
      tpu.vector_store %arg12[%swap3A_371, %swap3A_372], %broadcast_in_dim3A_370 {strides = array<i32>} : memref<8192x128xf32, #tpu.memory_space<vmem>>, vector<8192x128xf32>,
    } else {
    }
    %mul3A = arith.constant 8 : i32
    %mul3A_16 = arith.muli %arg0, %mul3A : i32
    %add3A = arith.constant 0 : i32
    %add3A_17 = arith.addi %mul3A_16, %add3A : i32
    %mul3A_18 = arith.constant 32 : i32
    %mul3A_19 = arith.muli %add3A_17, %mul3A_18 : i32
    %get3A_20 = arith.constant 0 : index
    %get3A_21 = arith.constant 0 : index
    %get3A_22 = vector.load %arg3[%get3A_20, %get3A_21] : memref<256x8xf32, #tpu.memory_space<vmem>>, vector<32x8xf32>
    %get3A_23 = arith.index_cast %mul3A_19 : i32 to index
    %get3A_24 = arith.constant 0 : index
    %get3A_25 = vector.load %arg5[%get3A_23, %get3A_24] : memref<8192x1xf32, #tpu.memory_space<vmem>>, vector<32x1xf32>
    %iota3A = tpu.iota {dimensions = array<i32: 0>} : vector<32x32xi32>
    %add3A_26 = vector.broadcast %mul3A_19 : i32 to vector<32x32xi32>
    %add3A_27 = arith.addi %add3A_26, %iota3A : vector<32x32xi32>
    %get3A_28 = arith.index_cast %mul3A_19 : i32 to index
    %get3A_29 = arith.constant 0 : index
    %get3A_30 = vector.load %arg6[%get3A_28, %get3A_29] : memref<8192x128xf32, #tpu.memory_space<vmem>>, vector<32x128xf32>
    %get3A_31 = arith.index_cast %add3A_17 : i32 to index
    %get3A_32 = memref.load %arg1[%get3A_31] : memref<256xi32, #tpu.memory_space<smem>>
    %max3A = arith.maxsi %get3A_32, %add3A_17 : i32
    %get3A_33 = arith.index_cast %add3A_17 : i32 to index
    %get3A_34 = memref.load %arg1[%get3A_33] : memref<256xi32, #tpu.memory_space<smem>>
    %get3A_35 = arith.index_cast %add3A_17 : i32 to index
    %get3A_36 = memref.load %arg2[%get3A_35] : memref<256xi32, #tpu.memory_space<smem>>
    %add3A_37 = arith.addi %get3A_34, %get3A_36 : i32
    %broadcast_in_dim3A = arith.constant 0.000000e+00 : f32
    %broadcast_in_dim3A_38 = vector.broadcast %broadcast_in_dim3A : f32 to vector<32x128xf32>
    %while3A = arith.subi %add3A_37, %max3A : i32
    %while3A_39 = arith.addi %max3A, %while3A : i32
    %while3A_40 = arith.constant 1 : i32
    %while3A_41 = arith.divsi %while3A, %while3A_40 : i32
    %while3A_42 = arith.muli %while3A_41, %while3A_40 : i32
    %while3A_43 = arith.addi %max3A, %while3A_42 : i32
    %while3A_44 = arith.constant 1 : i32
    %while3A_45 = scf.for %while3A_369 = %max3A to %while3A_43 step %while3A_44 iter_args(%while3A_370 = %broadcast_in_dim3A_38) -> (vector<32x128xf32>)  : i32 {
      %mul3A_371 = arith.constant 32 : i32
      %mul3A_372 = arith.muli %while3A_369, %mul3A_371 : i32
      %get3A_373 = arith.index_cast %mul3A_372 : i32 to index
      %get3A_374 = arith.constant 0 : index
      %get3A_375 = vector.load %arg4[%get3A_373, %get3A_374] : memref<8192x8xf32, #tpu.memory_space<vmem>>, vector<32x8xf32>
      %dot_general3A = arith.constant dense<0.000000e+00> : vector<32x32xf32>
      %dot_general3A_376 = tpu.matmul %get3A_22, %get3A_375, %dot_general3A {dimension_numbers = #tpu.dot_dimension_numbers<[1], [1], [0], [0], [0, 0, 1, 0], [], []>, precision = #tpu.contract_precision<fp32>, transpose_lhs_hint = false} : vector<32x8xf32>, vector<32x8xf32>, vector<32x32xf32> -> vector<32x32xf32>
      %get3A_377 = arith.index_cast %mul3A_372 : i32 to index
      %get3A_378 = arith.constant 0 : index
      %get3A_379 = vector.load %arg5[%get3A_377, %get3A_378] : memref<8192x1xf32, #tpu.memory_space<vmem>>, vector<32x1xf32>
      %reshape3A_380 = vector.shape_cast %get3A_379 : vector<32x1xf32> to vector<1x32xf32>
      %iota3A_381 = tpu.iota {dimensions = array<i32: 1>} : vector<32x32xi32>
      %add3A_382 = vector.broadcast %mul3A_372 : i32 to vector<32x32xi32>
      %add3A_383 = arith.addi %add3A_382, %iota3A_381 : vector<32x32xi32>
      %eq3A_384 = vector.broadcast %get3A_25 : vector<32x1xf32> to vector<32x32xf32>
      %eq3A_385 = vector.broadcast %reshape3A_380 : vector<1x32xf32> to vector<32x32xf32>
      %eq3A_386 = arith.cmpf oeq, %eq3A_384, %eq3A_385 : vector<32x32xf32>
      %le3A = arith.constant 1.000000e+02 : f32
      %le3A_387 = vector.broadcast %le3A : f32 to vector<32x32xf32>
      %le3A_388 = arith.cmpf ole, %dot_general3A_376, %le3A_387 : vector<32x32xf32>
      %and3A = arith.andi %eq3A_386, %le3A_388 : vector<32x32xi1>
      %ne3A = arith.cmpi ne, %add3A_27, %add3A_383 : vector<32x32xi32>
      %and3A_389 = arith.andi %and3A, %ne3A : vector<32x32xi1>
      %jit3A = arith.constant 1.000000e+09 : f32
      %broadcast_in_dim3A_390 = vector.broadcast %jit3A : f32 to vector<32x32xf32>
      %select_n3A = arith.select %and3A_389, %dot_general3A_376, %broadcast_in_dim3A_390 : vector<32x32xi1>, vector<32x32xf32>
      %max3A_391 = arith.constant 0.000000e+00 : f32
      %max3A_392 = vector.broadcast %max3A_391 : f32 to vector<32x32xf32>
      %max3A_393 = arith.maximumf %select_n3A, %max3A_392 : vector<32x32xf32>
      %sqrt3A = math.sqrt %max3A_393 : vector<32x32xf32>
      %lt3A = arith.constant 1.000000e+08 : f32
      %lt3A_394 = vector.broadcast %lt3A : f32 to vector<32x32xf32>
      %lt3A_395 = arith.cmpf olt, %select_n3A, %lt3A_394 : vector<32x32xf32>
      %mul3A_396 = arith.constant 0.314159274 : f32
      %mul3A_397 = vector.broadcast %mul3A_396 : f32 to vector<32x32xf32>
      %mul3A_398 = arith.mulf %sqrt3A, %mul3A_397 : vector<32x32xf32>
      %cos3A = math.cos %mul3A_398 : vector<32x32xf32>
      %add3A_399 = arith.constant 1.000000e+00 : f32
      %add3A_400 = vector.broadcast %add3A_399 : f32 to vector<32x32xf32>
      %add3A_401 = arith.addf %cos3A, %add3A_400 : vector<32x32xf32>
      %mul3A_402 = arith.constant 5.000000e-01 : f32
      %mul3A_403 = vector.broadcast %mul3A_402 : f32 to vector<32x32xf32>
      %mul3A_404 = arith.mulf %mul3A_403, %add3A_401 : vector<32x32xf32>
      %jit3A_405 = arith.constant 0.000000e+00 : f32
      %broadcast_in_dim3A_406 = vector.broadcast %jit3A_405 : f32 to vector<32x32xf32>
      %select_n3A_407 = arith.select %lt3A_395, %mul3A_404, %broadcast_in_dim3A_406 : vector<32x32xi1>, vector<32x32xf32>
      %mul3A_408 = arith.constant 3.46482301 : f32
      %mul3A_409 = vector.broadcast %mul3A_408 : f32 to vector<32x32xf32>
      %mul3A_410 = arith.mulf %sqrt3A, %mul3A_409 : vector<32x32xf32>
      %reshape3A_411 = vector.shape_cast %mul3A_410 : vector<32x32xf32> to vector<32x32x1xf32>
      %sub3A = vector.broadcast %reshape3A_411 : vector<32x32x1xf32> to vector<32x32x128xf32>
      %sub3A_412 = vector.broadcast %reshape3A : vector<1x1x128xf32> to vector<32x32x128xf32>
      %sub3A_413 = arith.subf %sub3A, %sub3A_412 : vector<32x32x128xf32>
      %integer_pow3A = arith.mulf %sub3A_413, %sub3A_413 : vector<32x32x128xf32>
      %neg3A = arith.constant 0.000000e+00 : f32
      %neg3A_414 = vector.broadcast %neg3A : f32 to vector<32x32x128xf32>
      %neg3A_415 = arith.subf %neg3A_414, %integer_pow3A : vector<32x32x128xf32>
      %exp3A = math.exp %neg3A_415 : vector<32x32x128xf32>
      %convert_element_type3A_416 = arith.truncf %exp3A : vector<32x32x128xf32> to vector<32x32x128xbf16>
      %reshape3A_417 = vector.shape_cast %convert_element_type3A_416 : vector<32x32x128xbf16> to vector<1024x128xbf16>
      %dot_general3A_418 = arith.constant dense<0.000000e+00> : vector<1024x128xf32>
      %dot_general3A_419 = tpu.matmul %reshape3A_417, %get3A_4, %dot_general3A_418 {dimension_numbers = #tpu.dot_dimension_numbers<[1], [0], [0], [1], [0, 0, 1, 1], [], []>, transpose_lhs_hint = false} : vector<1024x128xbf16>, vector<128x128xbf16>, vector<1024x128xf32> -> vector<1024x128xf32>
      %add3A_420 = vector.broadcast %get3A_7 : vector<1x128xf32> to vector<1024x128xf32>
      %add3A_421 = arith.addf %dot_general3A_419, %add3A_420 : vector<1024x128xf32>
      %max3A_422 = arith.constant 0.000000e+00 : f32
      %max3A_423 = vector.broadcast %max3A_422 : f32 to vector<1024x128xf32>
      %max3A_424 = arith.maximumf %add3A_421, %max3A_423 : vector<1024x128xf32>
      %abs3A = math.absf %add3A_421 : vector<1024x128xf32>
      %neg3A_425 = arith.constant 0.000000e+00 : f32
      %neg3A_426 = vector.broadcast %neg3A_425 : f32 to vector<1024x128xf32>
      %neg3A_427 = arith.subf %neg3A_426, %abs3A : vector<1024x128xf32>
      %exp3A_428 = math.exp %neg3A_427 : vector<1024x128xf32>
      %log1p3A = math.log1p %exp3A_428 : vector<1024x128xf32>
      %add3A_429 = arith.addf %max3A_424, %log1p3A : vector<1024x128xf32>
      %convert_element_type3A_430 = arith.truncf %add3A_429 : vector<1024x128xf32> to vector<1024x128xbf16>
      %dot_general3A_431 = arith.constant dense<0.000000e+00> : vector<1024x128xf32>
      %dot_general3A_432 = tpu.matmul %convert_element_type3A_430, %get3A_10, %dot_general3A_431 {dimension_numbers = #tpu.dot_dimension_numbers<[1], [0], [0], [1], [0, 0, 1, 1], [], []>, transpose_lhs_hint = false} : vector<1024x128xbf16>, vector<128x128xbf16>, vector<1024x128xf32> -> vector<1024x128xf32>
      %add3A_433 = vector.broadcast %get3A_13 : vector<1x128xf32> to vector<1024x128xf32>
      %add3A_434 = arith.addf %dot_general3A_432, %add3A_433 : vector<1024x128xf32>
      %reshape3A_435 = vector.shape_cast %add3A_434 : vector<1024x128xf32> to vector<32x32x128xf32>
      %reshape3A_436 = vector.shape_cast %select_n3A_407 : vector<32x32xf32> to vector<32x32x1xf32>
      %mul3A_437 = vector.broadcast %reshape3A_436 : vector<32x32x1xf32> to vector<32x32x128xf32>
      %mul3A_438 = arith.mulf %reshape3A_435, %mul3A_437 : vector<32x32x128xf32>
      %get3A_439 = arith.index_cast %mul3A_372 : i32 to index
      %get3A_440 = arith.constant 0 : index
      %get3A_441 = vector.load %arg6[%get3A_439, %get3A_440] : memref<8192x128xf32, #tpu.memory_space<vmem>>, vector<32x128xf32>
      %broadcast_in_dim3A_442 = vector.shape_cast %get3A_441 : vector<32x128xf32> to vector<1x32x128xf32>
      %mul3A_443 = vector.broadcast %broadcast_in_dim3A_442 : vector<1x32x128xf32> to vector<32x32x128xf32>
      %mul3A_444 = arith.mulf %mul3A_438, %mul3A_443 : vector<32x32x128xf32>
      %gt3A = arith.cmpi sgt, %while3A_369, %add3A_17 : i32
      %convert_element_type3A_445 = arith.extui %gt3A : i1 to i32
      %cond3A_446 = arith.constant 0 : i32
      %cond3A_447 = arith.cmpi ne, %convert_element_type3A_445, %cond3A_446 : i32
      scf.if %cond3A_447 {
        %broadcast_in_dim3A_450 = vector.shape_cast %get3A_30 : vector<32x128xf32> to vector<32x1x128xf32>
        %mul3A_451 = vector.broadcast %broadcast_in_dim3A_450 : vector<32x1x128xf32> to vector<32x32x128xf32>
        %mul3A_452 = arith.mulf %mul3A_438, %mul3A_451 : vector<32x32x128xf32>
        %get3A_453 = arith.index_cast %mul3A_372 : i32 to index
        %get3A_454 = arith.constant 0 : index
        %get3A_455 = vector.load %arg12[%get3A_453, %get3A_454] : memref<8192x128xf32, #tpu.memory_space<vmem>>, vector<32x128xf32>
        %reduce_sum3A_456 = arith.constant dense<0.000000e+00> : vector<32x128xf32>
        %reduce_sum3A_457 = vector.multi_reduction <add>, %mul3A_452, %reduce_sum3A_456 [0] : vector<32x32x128xf32> to vector<32x128xf32>
        %add3A_458 = arith.addf %get3A_455, %reduce_sum3A_457 : vector<32x128xf32>
        %swap3A_459 = arith.index_cast %mul3A_372 : i32 to index
        %swap3A_460 = arith.constant 0 : index
        %swap3A_461 = vector.load %arg12[%swap3A_459, %swap3A_460] : memref<8192x128xf32, #tpu.memory_space<vmem>>, vector<32x128xf32>
        tpu.vector_store %arg12[%swap3A_459, %swap3A_460], %add3A_458 {strides = array<i32>} : memref<8192x128xf32, #tpu.memory_space<vmem>>, vector<32x128xf32>,
      } else {
      }
      %reduce_sum3A = arith.constant dense<0.000000e+00> : vector<32x128xf32>
      %reduce_sum3A_448 = vector.multi_reduction <add>, %mul3A_444, %reduce_sum3A [1] : vector<32x32x128xf32> to vector<32x128xf32>
      %add3A_449 = arith.addf %while3A_370, %reduce_sum3A_448 : vector<32x128xf32>
      scf.yield %add3A_449 : vector<32x128xf32>
    }
    %while3A_46 = arith.constant 1 : i32
    %while3A_47 = scf.for %while3A_369 = %while3A_43 to %while3A_39 step %while3A_46 iter_args(%while3A_370 = %while3A_45) -> (vector<32x128xf32>)  : i32 {
      %mul3A_371 = arith.constant 32 : i32
      %mul3A_372 = arith.muli %while3A_369, %mul3A_371 : i32
      %get3A_373 = arith.index_cast %mul3A_372 : i32 to index
      %get3A_374 = arith.constant 0 : index
      %get3A_375 = vector.load %arg4[%get3A_373, %get3A_374] : memref<8192x8xf32, #tpu.memory_space<vmem>>, vector<32x8xf32>
      %dot_general3A = arith.constant dense<0.000000e+00> : vector<32x32xf32>
      %dot_general3A_376 = tpu.matmul %get3A_22, %get3A_375, %dot_general3A {dimension_numbers = #tpu.dot_dimension_numbers<[1], [1], [0], [0], [0, 0, 1, 0], [], []>, precision = #tpu.contract_precision<fp32>, transpose_lhs_hint = false} : vector<32x8xf32>, vector<32x8xf32>, vector<32x32xf32> -> vector<32x32xf32>
      %get3A_377 = arith.index_cast %mul3A_372 : i32 to index
      %get3A_378 = arith.constant 0 : index
      %get3A_379 = vector.load %arg5[%get3A_377, %get3A_378] : memref<8192x1xf32, #tpu.memory_space<vmem>>, vector<32x1xf32>
      %reshape3A_380 = vector.shape_cast %get3A_379 : vector<32x1xf32> to vector<1x32xf32>
      %iota3A_381 = tpu.iota {dimensions = array<i32: 1>} : vector<32x32xi32>
      %add3A_382 = vector.broadcast %mul3A_372 : i32 to vector<32x32xi32>
      %add3A_383 = arith.addi %add3A_382, %iota3A_381 : vector<32x32xi32>
      %eq3A_384 = vector.broadcast %get3A_25 : vector<32x1xf32> to vector<32x32xf32>
      %eq3A_385 = vector.broadcast %reshape3A_380 : vector<1x32xf32> to vector<32x32xf32>
      %eq3A_386 = arith.cmpf oeq, %eq3A_384, %eq3A_385 : vector<32x32xf32>
      %le3A = arith.constant 1.000000e+02 : f32
      %le3A_387 = vector.broadcast %le3A : f32 to vector<32x32xf32>
      %le3A_388 = arith.cmpf ole, %dot_general3A_376, %le3A_387 : vector<32x32xf32>
      %and3A = arith.andi %eq3A_386, %le3A_388 : vector<32x32xi1>
      %ne3A = arith.cmpi ne, %add3A_27, %add3A_383 : vector<32x32xi32>
      %and3A_389 = arith.andi %and3A, %ne3A : vector<32x32xi1>
      %jit3A = arith.constant 1.000000e+09 : f32
      %broadcast_in_dim3A_390 = vector.broadcast %jit3A : f32 to vector<32x32xf32>
      %select_n3A = arith.select %and3A_389, %dot_general3A_376, %broadcast_in_dim3A_390 : vector<32x32xi1>, vector<32x32xf32>
      %max3A_391 = arith.constant 0.000000e+00 : f32
      %max3A_392 = vector.broadcast %max3A_391 : f32 to vector<32x32xf32>
      %max3A_393 = arith.maximumf %select_n3A, %max3A_392 : vector<32x32xf32>
      %sqrt3A = math.sqrt %max3A_393 : vector<32x32xf32>
      %lt3A = arith.constant 1.000000e+08 : f32
      %lt3A_394 = vector.broadcast %lt3A : f32 to vector<32x32xf32>
      %lt3A_395 = arith.cmpf olt, %select_n3A, %lt3A_394 : vector<32x32xf32>
      %mul3A_396 = arith.constant 0.314159274 : f32
      %mul3A_397 = vector.broadcast %mul3A_396 : f32 to vector<32x32xf32>
      %mul3A_398 = arith.mulf %sqrt3A, %mul3A_397 : vector<32x32xf32>
      %cos3A = math.cos %mul3A_398 : vector<32x32xf32>
      %add3A_399 = arith.constant 1.000000e+00 : f32
      %add3A_400 = vector.broadcast %add3A_399 : f32 to vector<32x32xf32>
      %add3A_401 = arith.addf %cos3A, %add3A_400 : vector<32x32xf32>
      %mul3A_402 = arith.constant 5.000000e-01 : f32
      %mul3A_403 = vector.broadcast %mul3A_402 : f32 to vector<32x32xf32>
      %mul3A_404 = arith.mulf %mul3A_403, %add3A_401 : vector<32x32xf32>
      %jit3A_405 = arith.constant 0.000000e+00 : f32
      %broadcast_in_dim3A_406 = vector.broadcast %jit3A_405 : f32 to vector<32x32xf32>
      %select_n3A_407 = arith.select %lt3A_395, %mul3A_404, %broadcast_in_dim3A_406 : vector<32x32xi1>, vector<32x32xf32>
      %mul3A_408 = arith.constant 3.46482301 : f32
      %mul3A_409 = vector.broadcast %mul3A_408 : f32 to vector<32x32xf32>
      %mul3A_410 = arith.mulf %sqrt3A, %mul3A_409 : vector<32x32xf32>
      %reshape3A_411 = vector.shape_cast %mul3A_410 : vector<32x32xf32> to vector<32x32x1xf32>
      %sub3A = vector.broadcast %reshape3A_411 : vector<32x32x1xf32> to vector<32x32x128xf32>
      %sub3A_412 = vector.broadcast %reshape3A : vector<1x1x128xf32> to vector<32x32x128xf32>
      %sub3A_413 = arith.subf %sub3A, %sub3A_412 : vector<32x32x128xf32>
      %integer_pow3A = arith.mulf %sub3A_413, %sub3A_413 : vector<32x32x128xf32>
      %neg3A = arith.constant 0.000000e+00 : f32
      %neg3A_414 = vector.broadcast %neg3A : f32 to vector<32x32x128xf32>
      %neg3A_415 = arith.subf %neg3A_414, %integer_pow3A : vector<32x32x128xf32>
      %exp3A = math.exp %neg3A_415 : vector<32x32x128xf32>
      %convert_element_type3A_416 = arith.truncf %exp3A : vector<32x32x128xf32> to vector<32x32x128xbf16>
      %reshape3A_417 = vector.shape_cast %convert_element_type3A_416 : vector<32x32x128xbf16> to vector<1024x128xbf16>
      %dot_general3A_418 = arith.constant dense<0.000000e+00> : vector<1024x128xf32>
      %dot_general3A_419 = tpu.matmul %reshape3A_417, %get3A_4, %dot_general3A_418 {dimension_numbers = #tpu.dot_dimension_numbers<[1], [0], [0], [1], [0, 0, 1, 1], [], []>, transpose_lhs_hint = false} : vector<1024x128xbf16>, vector<128x128xbf16>, vector<1024x128xf32> -> vector<1024x128xf32>
      %add3A_420 = vector.broadcast %get3A_7 : vector<1x128xf32> to vector<1024x128xf32>
      %add3A_421 = arith.addf %dot_general3A_419, %add3A_420 : vector<1024x128xf32>
      %max3A_422 = arith.constant 0.000000e+00 : f32
      %max3A_423 = vector.broadcast %max3A_422 : f32 to vector<1024x128xf32>
      %max3A_424 = arith.maximumf %add3A_421, %max3A_423 : vector<1024x128xf32>
      %abs3A = math.absf %add3A_421 : vector<1024x128xf32>
      %neg3A_425 = arith.constant 0.000000e+00 : f32
      %neg3A_426 = vector.broadcast %neg3A_425 : f32 to vector<1024x128xf32>
      %neg3A_427 = arith.subf %neg3A_426, %abs3A : vector<1024x128xf32>
      %exp3A_428 = math.exp %neg3A_427 : vector<1024x128xf32>
      %log1p3A = math.log1p %exp3A_428 : vector<1024x128xf32>
      %add3A_429 = arith.addf %max3A_424, %log1p3A : vector<1024x128xf32>
      %convert_element_type3A_430 = arith.truncf %add3A_429 : vector<1024x128xf32> to vector<1024x128xbf16>
      %dot_general3A_431 = arith.constant dense<0.000000e+00> : vector<1024x128xf32>
      %dot_general3A_432 = tpu.matmul %convert_element_type3A_430, %get3A_10, %dot_general3A_431 {dimension_numbers = #tpu.dot_dimension_numbers<[1], [0], [0], [1], [0, 0, 1, 1], [], []>, transpose_lhs_hint = false} : vector<1024x128xbf16>, vector<128x128xbf16>, vector<1024x128xf32> -> vector<1024x128xf32>
      %add3A_433 = vector.broadcast %get3A_13 : vector<1x128xf32> to vector<1024x128xf32>
      %add3A_434 = arith.addf %dot_general3A_432, %add3A_433 : vector<1024x128xf32>
      %reshape3A_435 = vector.shape_cast %add3A_434 : vector<1024x128xf32> to vector<32x32x128xf32>
      %reshape3A_436 = vector.shape_cast %select_n3A_407 : vector<32x32xf32> to vector<32x32x1xf32>
      %mul3A_437 = vector.broadcast %reshape3A_436 : vector<32x32x1xf32> to vector<32x32x128xf32>
      %mul3A_438 = arith.mulf %reshape3A_435, %mul3A_437 : vector<32x32x128xf32>
      %get3A_439 = arith.index_cast %mul3A_372 : i32 to index
      %get3A_440 = arith.constant 0 : index
      %get3A_441 = vector.load %arg6[%get3A_439, %get3A_440] : memref<8192x128xf32, #tpu.memory_space<vmem>>, vector<32x128xf32>
      %broadcast_in_dim3A_442 = vector.shape_cast %get3A_441 : vector<32x128xf32> to vector<1x32x128xf32>
      %mul3A_443 = vector.broadcast %broadcast_in_dim3A_442 : vector<1x32x128xf32> to vector<32x32x128xf32>
      %mul3A_444 = arith.mulf %mul3A_438, %mul3A_443 : vector<32x32x128xf32>
      %gt3A = arith.cmpi sgt, %while3A_369, %add3A_17 : i32
      %convert_element_type3A_445 = arith.extui %gt3A : i1 to i32
      %cond3A_446 = arith.constant 0 : i32
      %cond3A_447 = arith.cmpi ne, %convert_element_type3A_445, %cond3A_446 : i32
      scf.if %cond3A_447 {
        %broadcast_in_dim3A_450 = vector.shape_cast %get3A_30 : vector<32x128xf32> to vector<32x1x128xf32>
        %mul3A_451 = vector.broadcast %broadcast_in_dim3A_450 : vector<32x1x128xf32> to vector<32x32x128xf32>
        %mul3A_452 = arith.mulf %mul3A_438, %mul3A_451 : vector<32x32x128xf32>
        %get3A_453 = arith.index_cast %mul3A_372 : i32 to index
        %get3A_454 = arith.constant 0 : index
        %get3A_455 = vector.load %arg12[%get3A_453, %get3A_454] : memref<8192x128xf32, #tpu.memory_space<vmem>>, vector<32x128xf32>
        %reduce_sum3A_456 = arith.constant dense<0.000000e+00> : vector<32x128xf32>
        %reduce_sum3A_457 = vector.multi_reduction <add>, %mul3A_452, %reduce_sum3A_456 [0] : vector<32x32x128xf32> to vector<32x128xf32>
        %add3A_458 = arith.addf %get3A_455, %reduce_sum3A_457 : vector<32x128xf32>
        %swap3A_459 = arith.index_cast %mul3A_372 : i32 to index
        %swap3A_460 = arith.constant 0 : index
        %swap3A_461 = vector.load %arg12[%swap3A_459, %swap3A_460] : memref<8192x128xf32, #tpu.memory_space<vmem>>, vector<32x128xf32>
        tpu.vector_store %arg12[%swap3A_459, %swap3A_460], %add3A_458 {strides = array<i32>} : memref<8192x128xf32, #tpu.memory_space<vmem>>, vector<32x128xf32>,
      } else {
      }
      %reduce_sum3A = arith.constant dense<0.000000e+00> : vector<32x128xf32>
      %reduce_sum3A_448 = vector.multi_reduction <add>, %mul3A_444, %reduce_sum3A [1] : vector<32x32x128xf32> to vector<32x128xf32>
      %add3A_449 = arith.addf %while3A_370, %reduce_sum3A_448 : vector<32x128xf32>
      scf.yield %add3A_449 : vector<32x128xf32>
    }
    %get3A_48 = arith.index_cast %mul3A_19 : i32 to index
    %get3A_49 = arith.constant 0 : index
    %get3A_50 = vector.load %arg12[%get3A_48, %get3A_49] : memref<8192x128xf32, #tpu.memory_space<vmem>>, vector<32x128xf32>
    %add3A_51 = arith.addf %get3A_50, %while3A_47 : vector<32x128xf32>
    %swap3A = arith.index_cast %mul3A_19 : i32 to index
    %swap3A_52 = arith.constant 0 : index
    %swap3A_53 = vector.load %arg12[%swap3A, %swap3A_52] : memref<8192x128xf32, #tpu.memory_space<vmem>>, vector<32x128xf32>
    tpu.vector_store %arg12[%swap3A, %swap3A_52], %add3A_51 {strides = array<i32>} : memref<8192x128xf32, #tpu.memory_space<vmem>>, vector<32x128xf32>,
    %mul3A_54 = arith.constant 8 : i32
    %mul3A_55 = arith.muli %arg0, %mul3A_54 : i32
    %add3A_56 = arith.constant 1 : i32
    %add3A_57 = arith.addi %mul3A_55, %add3A_56 : i32
    %mul3A_58 = arith.constant 32 : i32
    %mul3A_59 = arith.muli %add3A_57, %mul3A_58 : i32
    %get3A_60 = arith.constant 32 : index
    %get3A_61 = arith.constant 0 : index
    %get3A_62 = vector.load %arg3[%get3A_60, %get3A_61] : memref<256x8xf32, #tpu.memory_space<vmem>>, vector<32x8xf32>
    %get3A_63 = arith.index_cast %mul3A_59 : i32 to index
    %get3A_64 = arith.constant 0 : index
    %get3A_65 = vector.load %arg5[%get3A_63, %get3A_64] : memref<8192x1xf32, #tpu.memory_space<vmem>>, vector<32x1xf32>
    %iota3A_66 = tpu.iota {dimensions = array<i32: 0>} : vector<32x32xi32>
    %add3A_67 = vector.broadcast %mul3A_59 : i32 to vector<32x32xi32>
    %add3A_68 = arith.addi %add3A_67, %iota3A_66 : vector<32x32xi32>
    %get3A_69 = arith.index_cast %mul3A_59 : i32 to index
    %get3A_70 = arith.constant 0 : index
    %get3A_71 = vector.load %arg6[%get3A_69, %get3A_70] : memref<8192x128xf32, #tpu.memory_space<vmem>>, vector<32x128xf32>
    %get3A_72 = arith.index_cast %add3A_57 : i32 to index
    %get3A_73 = memref.load %arg1[%get3A_72] : memref<256xi32, #tpu.memory_space<smem>>
    %max3A_74 = arith.maxsi %get3A_73, %add3A_57 : i32
    %get3A_75 = arith.index_cast %add3A_57 : i32 to index
    %get3A_76 = memref.load %arg1[%get3A_75] : memref<256xi32, #tpu.memory_space<smem>>
    %get3A_77 = arith.index_cast %add3A_57 : i32 to index
    %get3A_78 = memref.load %arg2[%get3A_77] : memref<256xi32, #tpu.memory_space<smem>>
    %add3A_79 = arith.addi %get3A_76, %get3A_78 : i32
    %broadcast_in_dim3A_80 = arith.constant 0.000000e+00 : f32
    %broadcast_in_dim3A_81 = vector.broadcast %broadcast_in_dim3A_80 : f32 to vector<32x128xf32>
    %while3A_82 = arith.subi %add3A_79, %max3A_74 : i32
    %while3A_83 = arith.addi %max3A_74, %while3A_82 : i32
    %while3A_84 = arith.constant 1 : i32
    %while3A_85 = arith.divsi %while3A_82, %while3A_84 : i32
    %while3A_86 = arith.muli %while3A_85, %while3A_84 : i32
    %while3A_87 = arith.addi %max3A_74, %while3A_86 : i32
    %while3A_88 = arith.constant 1 : i32
    %while3A_89 = scf.for %while3A_369 = %max3A_74 to %while3A_87 step %while3A_88 iter_args(%while3A_370 = %broadcast_in_dim3A_81) -> (vector<32x128xf32>)  : i32 {
      %mul3A_371 = arith.constant 32 : i32
      %mul3A_372 = arith.muli %while3A_369, %mul3A_371 : i32
      %get3A_373 = arith.index_cast %mul3A_372 : i32 to index
      %get3A_374 = arith.constant 0 : index
      %get3A_375 = vector.load %arg4[%get3A_373, %get3A_374] : memref<8192x8xf32, #tpu.memory_space<vmem>>, vector<32x8xf32>
      %dot_general3A = arith.constant dense<0.000000e+00> : vector<32x32xf32>
      %dot_general3A_376 = tpu.matmul %get3A_62, %get3A_375, %dot_general3A {dimension_numbers = #tpu.dot_dimension_numbers<[1], [1], [0], [0], [0, 0, 1, 0], [], []>, precision = #tpu.contract_precision<fp32>, transpose_lhs_hint = false} : vector<32x8xf32>, vector<32x8xf32>, vector<32x32xf32> -> vector<32x32xf32>
      %get3A_377 = arith.index_cast %mul3A_372 : i32 to index
      %get3A_378 = arith.constant 0 : index
      %get3A_379 = vector.load %arg5[%get3A_377, %get3A_378] : memref<8192x1xf32, #tpu.memory_space<vmem>>, vector<32x1xf32>
      %reshape3A_380 = vector.shape_cast %get3A_379 : vector<32x1xf32> to vector<1x32xf32>
      %iota3A_381 = tpu.iota {dimensions = array<i32: 1>} : vector<32x32xi32>
      %add3A_382 = vector.broadcast %mul3A_372 : i32 to vector<32x32xi32>
      %add3A_383 = arith.addi %add3A_382, %iota3A_381 : vector<32x32xi32>
      %eq3A_384 = vector.broadcast %get3A_65 : vector<32x1xf32> to vector<32x32xf32>
      %eq3A_385 = vector.broadcast %reshape3A_380 : vector<1x32xf32> to vector<32x32xf32>
      %eq3A_386 = arith.cmpf oeq, %eq3A_384, %eq3A_385 : vector<32x32xf32>
      %le3A = arith.constant 1.000000e+02 : f32
      %le3A_387 = vector.broadcast %le3A : f32 to vector<32x32xf32>
      %le3A_388 = arith.cmpf ole, %dot_general3A_376, %le3A_387 : vector<32x32xf32>
      %and3A = arith.andi %eq3A_386, %le3A_388 : vector<32x32xi1>
      %ne3A = arith.cmpi ne, %add3A_68, %add3A_383 : vector<32x32xi32>
      %and3A_389 = arith.andi %and3A, %ne3A : vector<32x32xi1>
      %jit3A = arith.constant 1.000000e+09 : f32
      %broadcast_in_dim3A_390 = vector.broadcast %jit3A : f32 to vector<32x32xf32>
      %select_n3A = arith.select %and3A_389, %dot_general3A_376, %broadcast_in_dim3A_390 : vector<32x32xi1>, vector<32x32xf32>
      %max3A_391 = arith.constant 0.000000e+00 : f32
      %max3A_392 = vector.broadcast %max3A_391 : f32 to vector<32x32xf32>
      %max3A_393 = arith.maximumf %select_n3A, %max3A_392 : vector<32x32xf32>
      %sqrt3A = math.sqrt %max3A_393 : vector<32x32xf32>
      %lt3A = arith.constant 1.000000e+08 : f32
      %lt3A_394 = vector.broadcast %lt3A : f32 to vector<32x32xf32>
      %lt3A_395 = arith.cmpf olt, %select_n3A, %lt3A_394 : vector<32x32xf32>
      %mul3A_396 = arith.constant 0.314159274 : f32
      %mul3A_397 = vector.broadcast %mul3A_396 : f32 to vector<32x32xf32>
      %mul3A_398 = arith.mulf %sqrt3A, %mul3A_397 : vector<32x32xf32>
      %cos3A = math.cos %mul3A_398 : vector<32x32xf32>
      %add3A_399 = arith.constant 1.000000e+00 : f32
      %add3A_400 = vector.broadcast %add3A_399 : f32 to vector<32x32xf32>
      %add3A_401 = arith.addf %cos3A, %add3A_400 : vector<32x32xf32>
      %mul3A_402 = arith.constant 5.000000e-01 : f32
      %mul3A_403 = vector.broadcast %mul3A_402 : f32 to vector<32x32xf32>
      %mul3A_404 = arith.mulf %mul3A_403, %add3A_401 : vector<32x32xf32>
      %jit3A_405 = arith.constant 0.000000e+00 : f32
      %broadcast_in_dim3A_406 = vector.broadcast %jit3A_405 : f32 to vector<32x32xf32>
      %select_n3A_407 = arith.select %lt3A_395, %mul3A_404, %broadcast_in_dim3A_406 : vector<32x32xi1>, vector<32x32xf32>
      %mul3A_408 = arith.constant 3.46482301 : f32
      %mul3A_409 = vector.broadcast %mul3A_408 : f32 to vector<32x32xf32>
      %mul3A_410 = arith.mulf %sqrt3A, %mul3A_409 : vector<32x32xf32>
      %reshape3A_411 = vector.shape_cast %mul3A_410 : vector<32x32xf32> to vector<32x32x1xf32>
      %sub3A = vector.broadcast %reshape3A_411 : vector<32x32x1xf32> to vector<32x32x128xf32>
      %sub3A_412 = vector.broadcast %reshape3A : vector<1x1x128xf32> to vector<32x32x128xf32>
      %sub3A_413 = arith.subf %sub3A, %sub3A_412 : vector<32x32x128xf32>
      %integer_pow3A = arith.mulf %sub3A_413, %sub3A_413 : vector<32x32x128xf32>
      %neg3A = arith.constant 0.000000e+00 : f32
      %neg3A_414 = vector.broadcast %neg3A : f32 to vector<32x32x128xf32>
      %neg3A_415 = arith.subf %neg3A_414, %integer_pow3A : vector<32x32x128xf32>
      %exp3A = math.exp %neg3A_415 : vector<32x32x128xf32>
      %convert_element_type3A_416 = arith.truncf %exp3A : vector<32x32x128xf32> to vector<32x32x128xbf16>
      %reshape3A_417 = vector.shape_cast %convert_element_type3A_416 : vector<32x32x128xbf16> to vector<1024x128xbf16>
      %dot_general3A_418 = arith.constant dense<0.000000e+00> : vector<1024x128xf32>
      %dot_general3A_419 = tpu.matmul %reshape3A_417, %get3A_4, %dot_general3A_418 {dimension_numbers = #tpu.dot_dimension_numbers<[1], [0], [0], [1], [0, 0, 1, 1], [], []>, transpose_lhs_hint = false} : vector<1024x128xbf16>, vector<128x128xbf16>, vector<1024x128xf32> -> vector<1024x128xf32>
      %add3A_420 = vector.broadcast %get3A_7 : vector<1x128xf32> to vector<1024x128xf32>
      %add3A_421 = arith.addf %dot_general3A_419, %add3A_420 : vector<1024x128xf32>
      %max3A_422 = arith.constant 0.000000e+00 : f32
      %max3A_423 = vector.broadcast %max3A_422 : f32 to vector<1024x128xf32>
      %max3A_424 = arith.maximumf %add3A_421, %max3A_423 : vector<1024x128xf32>
      %abs3A = math.absf %add3A_421 : vector<1024x128xf32>
      %neg3A_425 = arith.constant 0.000000e+00 : f32
      %neg3A_426 = vector.broadcast %neg3A_425 : f32 to vector<1024x128xf32>
      %neg3A_427 = arith.subf %neg3A_426, %abs3A : vector<1024x128xf32>
      %exp3A_428 = math.exp %neg3A_427 : vector<1024x128xf32>
      %log1p3A = math.log1p %exp3A_428 : vector<1024x128xf32>
      %add3A_429 = arith.addf %max3A_424, %log1p3A : vector<1024x128xf32>
      %convert_element_type3A_430 = arith.truncf %add3A_429 : vector<1024x128xf32> to vector<1024x128xbf16>
      %dot_general3A_431 = arith.constant dense<0.000000e+00> : vector<1024x128xf32>
      %dot_general3A_432 = tpu.matmul %convert_element_type3A_430, %get3A_10, %dot_general3A_431 {dimension_numbers = #tpu.dot_dimension_numbers<[1], [0], [0], [1], [0, 0, 1, 1], [], []>, transpose_lhs_hint = false} : vector<1024x128xbf16>, vector<128x128xbf16>, vector<1024x128xf32> -> vector<1024x128xf32>
      %add3A_433 = vector.broadcast %get3A_13 : vector<1x128xf32> to vector<1024x128xf32>
      %add3A_434 = arith.addf %dot_general3A_432, %add3A_433 : vector<1024x128xf32>
      %reshape3A_435 = vector.shape_cast %add3A_434 : vector<1024x128xf32> to vector<32x32x128xf32>
      %reshape3A_436 = vector.shape_cast %select_n3A_407 : vector<32x32xf32> to vector<32x32x1xf32>
      %mul3A_437 = vector.broadcast %reshape3A_436 : vector<32x32x1xf32> to vector<32x32x128xf32>
      %mul3A_438 = arith.mulf %reshape3A_435, %mul3A_437 : vector<32x32x128xf32>
      %get3A_439 = arith.index_cast %mul3A_372 : i32 to index
      %get3A_440 = arith.constant 0 : index
      %get3A_441 = vector.load %arg6[%get3A_439, %get3A_440] : memref<8192x128xf32, #tpu.memory_space<vmem>>, vector<32x128xf32>
      %broadcast_in_dim3A_442 = vector.shape_cast %get3A_441 : vector<32x128xf32> to vector<1x32x128xf32>
      %mul3A_443 = vector.broadcast %broadcast_in_dim3A_442 : vector<1x32x128xf32> to vector<32x32x128xf32>
      %mul3A_444 = arith.mulf %mul3A_438, %mul3A_443 : vector<32x32x128xf32>
      %gt3A = arith.cmpi sgt, %while3A_369, %add3A_57 : i32
      %convert_element_type3A_445 = arith.extui %gt3A : i1 to i32
      %cond3A_446 = arith.constant 0 : i32
      %cond3A_447 = arith.cmpi ne, %convert_element_type3A_445, %cond3A_446 : i32
      scf.if %cond3A_447 {
        %broadcast_in_dim3A_450 = vector.shape_cast %get3A_71 : vector<32x128xf32> to vector<32x1x128xf32>
        %mul3A_451 = vector.broadcast %broadcast_in_dim3A_450 : vector<32x1x128xf32> to vector<32x32x128xf32>
        %mul3A_452 = arith.mulf %mul3A_438, %mul3A_451 : vector<32x32x128xf32>
        %get3A_453 = arith.index_cast %mul3A_372 : i32 to index
        %get3A_454 = arith.constant 0 : index
        %get3A_455 = vector.load %arg12[%get3A_453, %get3A_454] : memref<8192x128xf32, #tpu.memory_space<vmem>>, vector<32x128xf32>
        %reduce_sum3A_456 = arith.constant dense<0.000000e+00> : vector<32x128xf32>
        %reduce_sum3A_457 = vector.multi_reduction <add>, %mul3A_452, %reduce_sum3A_456 [0] : vector<32x32x128xf32> to vector<32x128xf32>
        %add3A_458 = arith.addf %get3A_455, %reduce_sum3A_457 : vector<32x128xf32>
        %swap3A_459 = arith.index_cast %mul3A_372 : i32 to index
        %swap3A_460 = arith.constant 0 : index
        %swap3A_461 = vector.load %arg12[%swap3A_459, %swap3A_460] : memref<8192x128xf32, #tpu.memory_space<vmem>>, vector<32x128xf32>
        tpu.vector_store %arg12[%swap3A_459, %swap3A_460], %add3A_458 {strides = array<i32>} : memref<8192x128xf32, #tpu.memory_space<vmem>>, vector<32x128xf32>,
      } else {
      }
      %reduce_sum3A = arith.constant dense<0.000000e+00> : vector<32x128xf32>
      %reduce_sum3A_448 = vector.multi_reduction <add>, %mul3A_444, %reduce_sum3A [1] : vector<32x32x128xf32> to vector<32x128xf32>
      %add3A_449 = arith.addf %while3A_370, %reduce_sum3A_448 : vector<32x128xf32>
      scf.yield %add3A_449 : vector<32x128xf32>
    }
    %while3A_90 = arith.constant 1 : i32
    %while3A_91 = scf.for %while3A_369 = %while3A_87 to %while3A_83 step %while3A_90 iter_args(%while3A_370 = %while3A_89) -> (vector<32x128xf32>)  : i32 {
      %mul3A_371 = arith.constant 32 : i32
      %mul3A_372 = arith.muli %while3A_369, %mul3A_371 : i32
      %get3A_373 = arith.index_cast %mul3A_372 : i32 to index
      %get3A_374 = arith.constant 0 : index
      %get3A_375 = vector.load %arg4[%get3A_373, %get3A_374] : memref<8192x8xf32, #tpu.memory_space<vmem>>, vector<32x8xf32>
      %dot_general3A = arith.constant dense<0.000000e+00> : vector<32x32xf32>
      %dot_general3A_376 = tpu.matmul %get3A_62, %get3A_375, %dot_general3A {dimension_numbers = #tpu.dot_dimension_numbers<[1], [1], [0], [0], [0, 0, 1, 0], [], []>, precision = #tpu.contract_precision<fp32>, transpose_lhs_hint = false} : vector<32x8xf32>, vector<32x8xf32>, vector<32x32xf32> -> vector<32x32xf32>
      %get3A_377 = arith.index_cast %mul3A_372 : i32 to index
      %get3A_378 = arith.constant 0 : index
      %get3A_379 = vector.load %arg5[%get3A_377, %get3A_378] : memref<8192x1xf32, #tpu.memory_space<vmem>>, vector<32x1xf32>
      %reshape3A_380 = vector.shape_cast %get3A_379 : vector<32x1xf32> to vector<1x32xf32>
      %iota3A_381 = tpu.iota {dimensions = array<i32: 1>} : vector<32x32xi32>
      %add3A_382 = vector.broadcast %mul3A_372 : i32 to vector<32x32xi32>
      %add3A_383 = arith.addi %add3A_382, %iota3A_381 : vector<32x32xi32>
      %eq3A_384 = vector.broadcast %get3A_65 : vector<32x1xf32> to vector<32x32xf32>
      %eq3A_385 = vector.broadcast %reshape3A_380 : vector<1x32xf32> to vector<32x32xf32>
      %eq3A_386 = arith.cmpf oeq, %eq3A_384, %eq3A_385 : vector<32x32xf32>
      %le3A = arith.constant 1.000000e+02 : f32
      %le3A_387 = vector.broadcast %le3A : f32 to vector<32x32xf32>
      %le3A_388 = arith.cmpf ole, %dot_general3A_376, %le3A_387 : vector<32x32xf32>
      %and3A = arith.andi %eq3A_386, %le3A_388 : vector<32x32xi1>
      %ne3A = arith.cmpi ne, %add3A_68, %add3A_383 : vector<32x32xi32>
      %and3A_389 = arith.andi %and3A, %ne3A : vector<32x32xi1>
      %jit3A = arith.constant 1.000000e+09 : f32
      %broadcast_in_dim3A_390 = vector.broadcast %jit3A : f32 to vector<32x32xf32>
      %select_n3A = arith.select %and3A_389, %dot_general3A_376, %broadcast_in_dim3A_390 : vector<32x32xi1>, vector<32x32xf32>
      %max3A_391 = arith.constant 0.000000e+00 : f32
      %max3A_392 = vector.broadcast %max3A_391 : f32 to vector<32x32xf32>
      %max3A_393 = arith.maximumf %select_n3A, %max3A_392 : vector<32x32xf32>
      %sqrt3A = math.sqrt %max3A_393 : vector<32x32xf32>
      %lt3A = arith.constant 1.000000e+08 : f32
      %lt3A_394 = vector.broadcast %lt3A : f32 to vector<32x32xf32>
      %lt3A_395 = arith.cmpf olt, %select_n3A, %lt3A_394 : vector<32x32xf32>
      %mul3A_396 = arith.constant 0.314159274 : f32
      %mul3A_397 = vector.broadcast %mul3A_396 : f32 to vector<32x32xf32>
      %mul3A_398 = arith.mulf %sqrt3A, %mul3A_397 : vector<32x32xf32>
      %cos3A = math.cos %mul3A_398 : vector<32x32xf32>
      %add3A_399 = arith.constant 1.000000e+00 : f32
      %add3A_400 = vector.broadcast %add3A_399 : f32 to vector<32x32xf32>
      %add3A_401 = arith.addf %cos3A, %add3A_400 : vector<32x32xf32>
      %mul3A_402 = arith.constant 5.000000e-01 : f32
      %mul3A_403 = vector.broadcast %mul3A_402 : f32 to vector<32x32xf32>
      %mul3A_404 = arith.mulf %mul3A_403, %add3A_401 : vector<32x32xf32>
      %jit3A_405 = arith.constant 0.000000e+00 : f32
      %broadcast_in_dim3A_406 = vector.broadcast %jit3A_405 : f32 to vector<32x32xf32>
      %select_n3A_407 = arith.select %lt3A_395, %mul3A_404, %broadcast_in_dim3A_406 : vector<32x32xi1>, vector<32x32xf32>
      %mul3A_408 = arith.constant 3.46482301 : f32
      %mul3A_409 = vector.broadcast %mul3A_408 : f32 to vector<32x32xf32>
      %mul3A_410 = arith.mulf %sqrt3A, %mul3A_409 : vector<32x32xf32>
      %reshape3A_411 = vector.shape_cast %mul3A_410 : vector<32x32xf32> to vector<32x32x1xf32>
      %sub3A = vector.broadcast %reshape3A_411 : vector<32x32x1xf32> to vector<32x32x128xf32>
      %sub3A_412 = vector.broadcast %reshape3A : vector<1x1x128xf32> to vector<32x32x128xf32>
      %sub3A_413 = arith.subf %sub3A, %sub3A_412 : vector<32x32x128xf32>
      %integer_pow3A = arith.mulf %sub3A_413, %sub3A_413 : vector<32x32x128xf32>
      %neg3A = arith.constant 0.000000e+00 : f32
      %neg3A_414 = vector.broadcast %neg3A : f32 to vector<32x32x128xf32>
      %neg3A_415 = arith.subf %neg3A_414, %integer_pow3A : vector<32x32x128xf32>
      %exp3A = math.exp %neg3A_415 : vector<32x32x128xf32>
      %convert_element_type3A_416 = arith.truncf %exp3A : vector<32x32x128xf32> to vector<32x32x128xbf16>
      %reshape3A_417 = vector.shape_cast %convert_element_type3A_416 : vector<32x32x128xbf16> to vector<1024x128xbf16>
      %dot_general3A_418 = arith.constant dense<0.000000e+00> : vector<1024x128xf32>
      %dot_general3A_419 = tpu.matmul %reshape3A_417, %get3A_4, %dot_general3A_418 {dimension_numbers = #tpu.dot_dimension_numbers<[1], [0], [0], [1], [0, 0, 1, 1], [], []>, transpose_lhs_hint = false} : vector<1024x128xbf16>, vector<128x128xbf16>, vector<1024x128xf32> -> vector<1024x128xf32>
      %add3A_420 = vector.broadcast %get3A_7 : vector<1x128xf32> to vector<1024x128xf32>
      %add3A_421 = arith.addf %dot_general3A_419, %add3A_420 : vector<1024x128xf32>
      %max3A_422 = arith.constant 0.000000e+00 : f32
      %max3A_423 = vector.broadcast %max3A_422 : f32 to vector<1024x128xf32>
      %max3A_424 = arith.maximumf %add3A_421, %max3A_423 : vector<1024x128xf32>
      %abs3A = math.absf %add3A_421 : vector<1024x128xf32>
      %neg3A_425 = arith.constant 0.000000e+00 : f32
      %neg3A_426 = vector.broadcast %neg3A_425 : f32 to vector<1024x128xf32>
      %neg3A_427 = arith.subf %neg3A_426, %abs3A : vector<1024x128xf32>
      %exp3A_428 = math.exp %neg3A_427 : vector<1024x128xf32>
      %log1p3A = math.log1p %exp3A_428 : vector<1024x128xf32>
      %add3A_429 = arith.addf %max3A_424, %log1p3A : vector<1024x128xf32>
      %convert_element_type3A_430 = arith.truncf %add3A_429 : vector<1024x128xf32> to vector<1024x128xbf16>
      %dot_general3A_431 = arith.constant dense<0.000000e+00> : vector<1024x128xf32>
      %dot_general3A_432 = tpu.matmul %convert_element_type3A_430, %get3A_10, %dot_general3A_431 {dimension_numbers = #tpu.dot_dimension_numbers<[1], [0], [0], [1], [0, 0, 1, 1], [], []>, transpose_lhs_hint = false} : vector<1024x128xbf16>, vector<128x128xbf16>, vector<1024x128xf32> -> vector<1024x128xf32>
      %add3A_433 = vector.broadcast %get3A_13 : vector<1x128xf32> to vector<1024x128xf32>
      %add3A_434 = arith.addf %dot_general3A_432, %add3A_433 : vector<1024x128xf32>
      %reshape3A_435 = vector.shape_cast %add3A_434 : vector<1024x128xf32> to vector<32x32x128xf32>
      %reshape3A_436 = vector.shape_cast %select_n3A_407 : vector<32x32xf32> to vector<32x32x1xf32>
      %mul3A_437 = vector.broadcast %reshape3A_436 : vector<32x32x1xf32> to vector<32x32x128xf32>
      %mul3A_438 = arith.mulf %reshape3A_435, %mul3A_437 : vector<32x32x128xf32>
      %get3A_439 = arith.index_cast %mul3A_372 : i32 to index
      %get3A_440 = arith.constant 0 : index
      %get3A_441 = vector.load %arg6[%get3A_439, %get3A_440] : memref<8192x128xf32, #tpu.memory_space<vmem>>, vector<32x128xf32>
      %broadcast_in_dim3A_442 = vector.shape_cast %get3A_441 : vector<32x128xf32> to vector<1x32x128xf32>
      %mul3A_443 = vector.broadcast %broadcast_in_dim3A_442 : vector<1x32x128xf32> to vector<32x32x128xf32>
      %mul3A_444 = arith.mulf %mul3A_438, %mul3A_443 : vector<32x32x128xf32>
      %gt3A = arith.cmpi sgt, %while3A_369, %add3A_57 : i32
      %convert_element_type3A_445 = arith.extui %gt3A : i1 to i32
      %cond3A_446 = arith.constant 0 : i32
      %cond3A_447 = arith.cmpi ne, %convert_element_type3A_445, %cond3A_446 : i32
      scf.if %cond3A_447 {
        %broadcast_in_dim3A_450 = vector.shape_cast %get3A_71 : vector<32x128xf32> to vector<32x1x128xf32>
        %mul3A_451 = vector.broadcast %broadcast_in_dim3A_450 : vector<32x1x128xf32> to vector<32x32x128xf32>
        %mul3A_452 = arith.mulf %mul3A_438, %mul3A_451 : vector<32x32x128xf32>
        %get3A_453 = arith.index_cast %mul3A_372 : i32 to index
        %get3A_454 = arith.constant 0 : index
        %get3A_455 = vector.load %arg12[%get3A_453, %get3A_454] : memref<8192x128xf32, #tpu.memory_space<vmem>>, vector<32x128xf32>
        %reduce_sum3A_456 = arith.constant dense<0.000000e+00> : vector<32x128xf32>
        %reduce_sum3A_457 = vector.multi_reduction <add>, %mul3A_452, %reduce_sum3A_456 [0] : vector<32x32x128xf32> to vector<32x128xf32>
        %add3A_458 = arith.addf %get3A_455, %reduce_sum3A_457 : vector<32x128xf32>
        %swap3A_459 = arith.index_cast %mul3A_372 : i32 to index
        %swap3A_460 = arith.constant 0 : index
        %swap3A_461 = vector.load %arg12[%swap3A_459, %swap3A_460] : memref<8192x128xf32, #tpu.memory_space<vmem>>, vector<32x128xf32>
        tpu.vector_store %arg12[%swap3A_459, %swap3A_460], %add3A_458 {strides = array<i32>} : memref<8192x128xf32, #tpu.memory_space<vmem>>, vector<32x128xf32>,
      } else {
      }
      %reduce_sum3A = arith.constant dense<0.000000e+00> : vector<32x128xf32>
      %reduce_sum3A_448 = vector.multi_reduction <add>, %mul3A_444, %reduce_sum3A [1] : vector<32x32x128xf32> to vector<32x128xf32>
      %add3A_449 = arith.addf %while3A_370, %reduce_sum3A_448 : vector<32x128xf32>
      scf.yield %add3A_449 : vector<32x128xf32>
    }
    %get3A_92 = arith.index_cast %mul3A_59 : i32 to index
    %get3A_93 = arith.constant 0 : index
    %get3A_94 = vector.load %arg12[%get3A_92, %get3A_93] : memref<8192x128xf32, #tpu.memory_space<vmem>>, vector<32x128xf32>
    %add3A_95 = arith.addf %get3A_94, %while3A_91 : vector<32x128xf32>
    %swap3A_96 = arith.index_cast %mul3A_59 : i32 to index
    %swap3A_97 = arith.constant 0 : index
    %swap3A_98 = vector.load %arg12[%swap3A_96, %swap3A_97] : memref<8192x128xf32, #tpu.memory_space<vmem>>, vector<32x128xf32>
    tpu.vector_store %arg12[%swap3A_96, %swap3A_97], %add3A_95 {strides = array<i32>} : memref<8192x128xf32, #tpu.memory_space<vmem>>, vector<32x128xf32>,
    %mul3A_99 = arith.constant 8 : i32
    %mul3A_100 = arith.muli %arg0, %mul3A_99 : i32
    %add3A_101 = arith.constant 2 : i32
    %add3A_102 = arith.addi %mul3A_100, %add3A_101 : i32
    %mul3A_103 = arith.constant 32 : i32
    %mul3A_104 = arith.muli %add3A_102, %mul3A_103 : i32
    %get3A_105 = arith.constant 64 : index
    %get3A_106 = arith.constant 0 : index
    %get3A_107 = vector.load %arg3[%get3A_105, %get3A_106] : memref<256x8xf32, #tpu.memory_space<vmem>>, vector<32x8xf32>
    %get3A_108 = arith.index_cast %mul3A_104 : i32 to index
    %get3A_109 = arith.constant 0 : index
    %get3A_110 = vector.load %arg5[%get3A_108, %get3A_109] : memref<8192x1xf32, #tpu.memory_space<vmem>>, vector<32x1xf32>
    %iota3A_111 = tpu.iota {dimensions = array<i32: 0>} : vector<32x32xi32>
    %add3A_112 = vector.broadcast %mul3A_104 : i32 to vector<32x32xi32>
    %add3A_113 = arith.addi %add3A_112, %iota3A_111 : vector<32x32xi32>
    %get3A_114 = arith.index_cast %mul3A_104 : i32 to index
    %get3A_115 = arith.constant 0 : index
    %get3A_116 = vector.load %arg6[%get3A_114, %get3A_115] : memref<8192x128xf32, #tpu.memory_space<vmem>>, vector<32x128xf32>
    %get3A_117 = arith.index_cast %add3A_102 : i32 to index
    %get3A_118 = memref.load %arg1[%get3A_117] : memref<256xi32, #tpu.memory_space<smem>>
    %max3A_119 = arith.maxsi %get3A_118, %add3A_102 : i32
    %get3A_120 = arith.index_cast %add3A_102 : i32 to index
    %get3A_121 = memref.load %arg1[%get3A_120] : memref<256xi32, #tpu.memory_space<smem>>
    %get3A_122 = arith.index_cast %add3A_102 : i32 to index
    %get3A_123 = memref.load %arg2[%get3A_122] : memref<256xi32, #tpu.memory_space<smem>>
    %add3A_124 = arith.addi %get3A_121, %get3A_123 : i32
    %broadcast_in_dim3A_125 = arith.constant 0.000000e+00 : f32
    %broadcast_in_dim3A_126 = vector.broadcast %broadcast_in_dim3A_125 : f32 to vector<32x128xf32>
    %while3A_127 = arith.subi %add3A_124, %max3A_119 : i32
    %while3A_128 = arith.addi %max3A_119, %while3A_127 : i32
    %while3A_129 = arith.constant 1 : i32
    %while3A_130 = arith.divsi %while3A_127, %while3A_129 : i32
    %while3A_131 = arith.muli %while3A_130, %while3A_129 : i32
    %while3A_132 = arith.addi %max3A_119, %while3A_131 : i32
    %while3A_133 = arith.constant 1 : i32
    %while3A_134 = scf.for %while3A_369 = %max3A_119 to %while3A_132 step %while3A_133 iter_args(%while3A_370 = %broadcast_in_dim3A_126) -> (vector<32x128xf32>)  : i32 {
      %mul3A_371 = arith.constant 32 : i32
      %mul3A_372 = arith.muli %while3A_369, %mul3A_371 : i32
      %get3A_373 = arith.index_cast %mul3A_372 : i32 to index
      %get3A_374 = arith.constant 0 : index
      %get3A_375 = vector.load %arg4[%get3A_373, %get3A_374] : memref<8192x8xf32, #tpu.memory_space<vmem>>, vector<32x8xf32>
      %dot_general3A = arith.constant dense<0.000000e+00> : vector<32x32xf32>
      %dot_general3A_376 = tpu.matmul %get3A_107, %get3A_375, %dot_general3A {dimension_numbers = #tpu.dot_dimension_numbers<[1], [1], [0], [0], [0, 0, 1, 0], [], []>, precision = #tpu.contract_precision<fp32>, transpose_lhs_hint = false} : vector<32x8xf32>, vector<32x8xf32>, vector<32x32xf32> -> vector<32x32xf32>
      %get3A_377 = arith.index_cast %mul3A_372 : i32 to index
      %get3A_378 = arith.constant 0 : index
      %get3A_379 = vector.load %arg5[%get3A_377, %get3A_378] : memref<8192x1xf32, #tpu.memory_space<vmem>>, vector<32x1xf32>
      %reshape3A_380 = vector.shape_cast %get3A_379 : vector<32x1xf32> to vector<1x32xf32>
      %iota3A_381 = tpu.iota {dimensions = array<i32: 1>} : vector<32x32xi32>
      %add3A_382 = vector.broadcast %mul3A_372 : i32 to vector<32x32xi32>
      %add3A_383 = arith.addi %add3A_382, %iota3A_381 : vector<32x32xi32>
      %eq3A_384 = vector.broadcast %get3A_110 : vector<32x1xf32> to vector<32x32xf32>
      %eq3A_385 = vector.broadcast %reshape3A_380 : vector<1x32xf32> to vector<32x32xf32>
      %eq3A_386 = arith.cmpf oeq, %eq3A_384, %eq3A_385 : vector<32x32xf32>
      %le3A = arith.constant 1.000000e+02 : f32
      %le3A_387 = vector.broadcast %le3A : f32 to vector<32x32xf32>
      %le3A_388 = arith.cmpf ole, %dot_general3A_376, %le3A_387 : vector<32x32xf32>
      %and3A = arith.andi %eq3A_386, %le3A_388 : vector<32x32xi1>
      %ne3A = arith.cmpi ne, %add3A_113, %add3A_383 : vector<32x32xi32>
      %and3A_389 = arith.andi %and3A, %ne3A : vector<32x32xi1>
      %jit3A = arith.constant 1.000000e+09 : f32
      %broadcast_in_dim3A_390 = vector.broadcast %jit3A : f32 to vector<32x32xf32>
      %select_n3A = arith.select %and3A_389, %dot_general3A_376, %broadcast_in_dim3A_390 : vector<32x32xi1>, vector<32x32xf32>
      %max3A_391 = arith.constant 0.000000e+00 : f32
      %max3A_392 = vector.broadcast %max3A_391 : f32 to vector<32x32xf32>
      %max3A_393 = arith.maximumf %select_n3A, %max3A_392 : vector<32x32xf32>
      %sqrt3A = math.sqrt %max3A_393 : vector<32x32xf32>
      %lt3A = arith.constant 1.000000e+08 : f32
      %lt3A_394 = vector.broadcast %lt3A : f32 to vector<32x32xf32>
      %lt3A_395 = arith.cmpf olt, %select_n3A, %lt3A_394 : vector<32x32xf32>
      %mul3A_396 = arith.constant 0.314159274 : f32
      %mul3A_397 = vector.broadcast %mul3A_396 : f32 to vector<32x32xf32>
      %mul3A_398 = arith.mulf %sqrt3A, %mul3A_397 : vector<32x32xf32>
      %cos3A = math.cos %mul3A_398 : vector<32x32xf32>
      %add3A_399 = arith.constant 1.000000e+00 : f32
      %add3A_400 = vector.broadcast %add3A_399 : f32 to vector<32x32xf32>
      %add3A_401 = arith.addf %cos3A, %add3A_400 : vector<32x32xf32>
      %mul3A_402 = arith.constant 5.000000e-01 : f32
      %mul3A_403 = vector.broadcast %mul3A_402 : f32 to vector<32x32xf32>
      %mul3A_404 = arith.mulf %mul3A_403, %add3A_401 : vector<32x32xf32>
      %jit3A_405 = arith.constant 0.000000e+00 : f32
      %broadcast_in_dim3A_406 = vector.broadcast %jit3A_405 : f32 to vector<32x32xf32>
      %select_n3A_407 = arith.select %lt3A_395, %mul3A_404, %broadcast_in_dim3A_406 : vector<32x32xi1>, vector<32x32xf32>
      %mul3A_408 = arith.constant 3.46482301 : f32
      %mul3A_409 = vector.broadcast %mul3A_408 : f32 to vector<32x32xf32>
      %mul3A_410 = arith.mulf %sqrt3A, %mul3A_409 : vector<32x32xf32>
      %reshape3A_411 = vector.shape_cast %mul3A_410 : vector<32x32xf32> to vector<32x32x1xf32>
      %sub3A = vector.broadcast %reshape3A_411 : vector<32x32x1xf32> to vector<32x32x128xf32>
      %sub3A_412 = vector.broadcast %reshape3A : vector<1x1x128xf32> to vector<32x32x128xf32>
      %sub3A_413 = arith.subf %sub3A, %sub3A_412 : vector<32x32x128xf32>
      %integer_pow3A = arith.mulf %sub3A_413, %sub3A_413 : vector<32x32x128xf32>
      %neg3A = arith.constant 0.000000e+00 : f32
      %neg3A_414 = vector.broadcast %neg3A : f32 to vector<32x32x128xf32>
      %neg3A_415 = arith.subf %neg3A_414, %integer_pow3A : vector<32x32x128xf32>
      %exp3A = math.exp %neg3A_415 : vector<32x32x128xf32>
      %convert_element_type3A_416 = arith.truncf %exp3A : vector<32x32x128xf32> to vector<32x32x128xbf16>
      %reshape3A_417 = vector.shape_cast %convert_element_type3A_416 : vector<32x32x128xbf16> to vector<1024x128xbf16>
      %dot_general3A_418 = arith.constant dense<0.000000e+00> : vector<1024x128xf32>
      %dot_general3A_419 = tpu.matmul %reshape3A_417, %get3A_4, %dot_general3A_418 {dimension_numbers = #tpu.dot_dimension_numbers<[1], [0], [0], [1], [0, 0, 1, 1], [], []>, transpose_lhs_hint = false} : vector<1024x128xbf16>, vector<128x128xbf16>, vector<1024x128xf32> -> vector<1024x128xf32>
      %add3A_420 = vector.broadcast %get3A_7 : vector<1x128xf32> to vector<1024x128xf32>
      %add3A_421 = arith.addf %dot_general3A_419, %add3A_420 : vector<1024x128xf32>
      %max3A_422 = arith.constant 0.000000e+00 : f32
      %max3A_423 = vector.broadcast %max3A_422 : f32 to vector<1024x128xf32>
      %max3A_424 = arith.maximumf %add3A_421, %max3A_423 : vector<1024x128xf32>
      %abs3A = math.absf %add3A_421 : vector<1024x128xf32>
      %neg3A_425 = arith.constant 0.000000e+00 : f32
      %neg3A_426 = vector.broadcast %neg3A_425 : f32 to vector<1024x128xf32>
      %neg3A_427 = arith.subf %neg3A_426, %abs3A : vector<1024x128xf32>
      %exp3A_428 = math.exp %neg3A_427 : vector<1024x128xf32>
      %log1p3A = math.log1p %exp3A_428 : vector<1024x128xf32>
      %add3A_429 = arith.addf %max3A_424, %log1p3A : vector<1024x128xf32>
      %convert_element_type3A_430 = arith.truncf %add3A_429 : vector<1024x128xf32> to vector<1024x128xbf16>
      %dot_general3A_431 = arith.constant dense<0.000000e+00> : vector<1024x128xf32>
      %dot_general3A_432 = tpu.matmul %convert_element_type3A_430, %get3A_10, %dot_general3A_431 {dimension_numbers = #tpu.dot_dimension_numbers<[1], [0], [0], [1], [0, 0, 1, 1], [], []>, transpose_lhs_hint = false} : vector<1024x128xbf16>, vector<128x128xbf16>, vector<1024x128xf32> -> vector<1024x128xf32>
      %add3A_433 = vector.broadcast %get3A_13 : vector<1x128xf32> to vector<1024x128xf32>
      %add3A_434 = arith.addf %dot_general3A_432, %add3A_433 : vector<1024x128xf32>
      %reshape3A_435 = vector.shape_cast %add3A_434 : vector<1024x128xf32> to vector<32x32x128xf32>
      %reshape3A_436 = vector.shape_cast %select_n3A_407 : vector<32x32xf32> to vector<32x32x1xf32>
      %mul3A_437 = vector.broadcast %reshape3A_436 : vector<32x32x1xf32> to vector<32x32x128xf32>
      %mul3A_438 = arith.mulf %reshape3A_435, %mul3A_437 : vector<32x32x128xf32>
      %get3A_439 = arith.index_cast %mul3A_372 : i32 to index
      %get3A_440 = arith.constant 0 : index
      %get3A_441 = vector.load %arg6[%get3A_439, %get3A_440] : memref<8192x128xf32, #tpu.memory_space<vmem>>, vector<32x128xf32>
      %broadcast_in_dim3A_442 = vector.shape_cast %get3A_441 : vector<32x128xf32> to vector<1x32x128xf32>
      %mul3A_443 = vector.broadcast %broadcast_in_dim3A_442 : vector<1x32x128xf32> to vector<32x32x128xf32>
      %mul3A_444 = arith.mulf %mul3A_438, %mul3A_443 : vector<32x32x128xf32>
      %gt3A = arith.cmpi sgt, %while3A_369, %add3A_102 : i32
      %convert_element_type3A_445 = arith.extui %gt3A : i1 to i32
      %cond3A_446 = arith.constant 0 : i32
      %cond3A_447 = arith.cmpi ne, %convert_element_type3A_445, %cond3A_446 : i32
      scf.if %cond3A_447 {
        %broadcast_in_dim3A_450 = vector.shape_cast %get3A_116 : vector<32x128xf32> to vector<32x1x128xf32>
        %mul3A_451 = vector.broadcast %broadcast_in_dim3A_450 : vector<32x1x128xf32> to vector<32x32x128xf32>
        %mul3A_452 = arith.mulf %mul3A_438, %mul3A_451 : vector<32x32x128xf32>
        %get3A_453 = arith.index_cast %mul3A_372 : i32 to index
        %get3A_454 = arith.constant 0 : index
        %get3A_455 = vector.load %arg12[%get3A_453, %get3A_454] : memref<8192x128xf32, #tpu.memory_space<vmem>>, vector<32x128xf32>
        %reduce_sum3A_456 = arith.constant dense<0.000000e+00> : vector<32x128xf32>
        %reduce_sum3A_457 = vector.multi_reduction <add>, %mul3A_452, %reduce_sum3A_456 [0] : vector<32x32x128xf32> to vector<32x128xf32>
        %add3A_458 = arith.addf %get3A_455, %reduce_sum3A_457 : vector<32x128xf32>
        %swap3A_459 = arith.index_cast %mul3A_372 : i32 to index
        %swap3A_460 = arith.constant 0 : index
        %swap3A_461 = vector.load %arg12[%swap3A_459, %swap3A_460] : memref<8192x128xf32, #tpu.memory_space<vmem>>, vector<32x128xf32>
        tpu.vector_store %arg12[%swap3A_459, %swap3A_460], %add3A_458 {strides = array<i32>} : memref<8192x128xf32, #tpu.memory_space<vmem>>, vector<32x128xf32>,
      } else {
      }
      %reduce_sum3A = arith.constant dense<0.000000e+00> : vector<32x128xf32>
      %reduce_sum3A_448 = vector.multi_reduction <add>, %mul3A_444, %reduce_sum3A [1] : vector<32x32x128xf32> to vector<32x128xf32>
      %add3A_449 = arith.addf %while3A_370, %reduce_sum3A_448 : vector<32x128xf32>
      scf.yield %add3A_449 : vector<32x128xf32>
    }
    %while3A_135 = arith.constant 1 : i32
    %while3A_136 = scf.for %while3A_369 = %while3A_132 to %while3A_128 step %while3A_135 iter_args(%while3A_370 = %while3A_134) -> (vector<32x128xf32>)  : i32 {
      %mul3A_371 = arith.constant 32 : i32
      %mul3A_372 = arith.muli %while3A_369, %mul3A_371 : i32
      %get3A_373 = arith.index_cast %mul3A_372 : i32 to index
      %get3A_374 = arith.constant 0 : index
      %get3A_375 = vector.load %arg4[%get3A_373, %get3A_374] : memref<8192x8xf32, #tpu.memory_space<vmem>>, vector<32x8xf32>
      %dot_general3A = arith.constant dense<0.000000e+00> : vector<32x32xf32>
      %dot_general3A_376 = tpu.matmul %get3A_107, %get3A_375, %dot_general3A {dimension_numbers = #tpu.dot_dimension_numbers<[1], [1], [0], [0], [0, 0, 1, 0], [], []>, precision = #tpu.contract_precision<fp32>, transpose_lhs_hint = false} : vector<32x8xf32>, vector<32x8xf32>, vector<32x32xf32> -> vector<32x32xf32>
      %get3A_377 = arith.index_cast %mul3A_372 : i32 to index
      %get3A_378 = arith.constant 0 : index
      %get3A_379 = vector.load %arg5[%get3A_377, %get3A_378] : memref<8192x1xf32, #tpu.memory_space<vmem>>, vector<32x1xf32>
      %reshape3A_380 = vector.shape_cast %get3A_379 : vector<32x1xf32> to vector<1x32xf32>
      %iota3A_381 = tpu.iota {dimensions = array<i32: 1>} : vector<32x32xi32>
      %add3A_382 = vector.broadcast %mul3A_372 : i32 to vector<32x32xi32>
      %add3A_383 = arith.addi %add3A_382, %iota3A_381 : vector<32x32xi32>
      %eq3A_384 = vector.broadcast %get3A_110 : vector<32x1xf32> to vector<32x32xf32>
      %eq3A_385 = vector.broadcast %reshape3A_380 : vector<1x32xf32> to vector<32x32xf32>
      %eq3A_386 = arith.cmpf oeq, %eq3A_384, %eq3A_385 : vector<32x32xf32>
      %le3A = arith.constant 1.000000e+02 : f32
      %le3A_387 = vector.broadcast %le3A : f32 to vector<32x32xf32>
      %le3A_388 = arith.cmpf ole, %dot_general3A_376, %le3A_387 : vector<32x32xf32>
      %and3A = arith.andi %eq3A_386, %le3A_388 : vector<32x32xi1>
      %ne3A = arith.cmpi ne, %add3A_113, %add3A_383 : vector<32x32xi32>
      %and3A_389 = arith.andi %and3A, %ne3A : vector<32x32xi1>
      %jit3A = arith.constant 1.000000e+09 : f32
      %broadcast_in_dim3A_390 = vector.broadcast %jit3A : f32 to vector<32x32xf32>
      %select_n3A = arith.select %and3A_389, %dot_general3A_376, %broadcast_in_dim3A_390 : vector<32x32xi1>, vector<32x32xf32>
      %max3A_391 = arith.constant 0.000000e+00 : f32
      %max3A_392 = vector.broadcast %max3A_391 : f32 to vector<32x32xf32>
      %max3A_393 = arith.maximumf %select_n3A, %max3A_392 : vector<32x32xf32>
      %sqrt3A = math.sqrt %max3A_393 : vector<32x32xf32>
      %lt3A = arith.constant 1.000000e+08 : f32
      %lt3A_394 = vector.broadcast %lt3A : f32 to vector<32x32xf32>
      %lt3A_395 = arith.cmpf olt, %select_n3A, %lt3A_394 : vector<32x32xf32>
      %mul3A_396 = arith.constant 0.314159274 : f32
      %mul3A_397 = vector.broadcast %mul3A_396 : f32 to vector<32x32xf32>
      %mul3A_398 = arith.mulf %sqrt3A, %mul3A_397 : vector<32x32xf32>
      %cos3A = math.cos %mul3A_398 : vector<32x32xf32>
      %add3A_399 = arith.constant 1.000000e+00 : f32
      %add3A_400 = vector.broadcast %add3A_399 : f32 to vector<32x32xf32>
      %add3A_401 = arith.addf %cos3A, %add3A_400 : vector<32x32xf32>
      %mul3A_402 = arith.constant 5.000000e-01 : f32
      %mul3A_403 = vector.broadcast %mul3A_402 : f32 to vector<32x32xf32>
      %mul3A_404 = arith.mulf %mul3A_403, %add3A_401 : vector<32x32xf32>
      %jit3A_405 = arith.constant 0.000000e+00 : f32
      %broadcast_in_dim3A_406 = vector.broadcast %jit3A_405 : f32 to vector<32x32xf32>
      %select_n3A_407 = arith.select %lt3A_395, %mul3A_404, %broadcast_in_dim3A_406 : vector<32x32xi1>, vector<32x32xf32>
      %mul3A_408 = arith.constant 3.46482301 : f32
      %mul3A_409 = vector.broadcast %mul3A_408 : f32 to vector<32x32xf32>
      %mul3A_410 = arith.mulf %sqrt3A, %mul3A_409 : vector<32x32xf32>
      %reshape3A_411 = vector.shape_cast %mul3A_410 : vector<32x32xf32> to vector<32x32x1xf32>
      %sub3A = vector.broadcast %reshape3A_411 : vector<32x32x1xf32> to vector<32x32x128xf32>
      %sub3A_412 = vector.broadcast %reshape3A : vector<1x1x128xf32> to vector<32x32x128xf32>
      %sub3A_413 = arith.subf %sub3A, %sub3A_412 : vector<32x32x128xf32>
      %integer_pow3A = arith.mulf %sub3A_413, %sub3A_413 : vector<32x32x128xf32>
      %neg3A = arith.constant 0.000000e+00 : f32
      %neg3A_414 = vector.broadcast %neg3A : f32 to vector<32x32x128xf32>
      %neg3A_415 = arith.subf %neg3A_414, %integer_pow3A : vector<32x32x128xf32>
      %exp3A = math.exp %neg3A_415 : vector<32x32x128xf32>
      %convert_element_type3A_416 = arith.truncf %exp3A : vector<32x32x128xf32> to vector<32x32x128xbf16>
      %reshape3A_417 = vector.shape_cast %convert_element_type3A_416 : vector<32x32x128xbf16> to vector<1024x128xbf16>
      %dot_general3A_418 = arith.constant dense<0.000000e+00> : vector<1024x128xf32>
      %dot_general3A_419 = tpu.matmul %reshape3A_417, %get3A_4, %dot_general3A_418 {dimension_numbers = #tpu.dot_dimension_numbers<[1], [0], [0], [1], [0, 0, 1, 1], [], []>, transpose_lhs_hint = false} : vector<1024x128xbf16>, vector<128x128xbf16>, vector<1024x128xf32> -> vector<1024x128xf32>
      %add3A_420 = vector.broadcast %get3A_7 : vector<1x128xf32> to vector<1024x128xf32>
      %add3A_421 = arith.addf %dot_general3A_419, %add3A_420 : vector<1024x128xf32>
      %max3A_422 = arith.constant 0.000000e+00 : f32
      %max3A_423 = vector.broadcast %max3A_422 : f32 to vector<1024x128xf32>
      %max3A_424 = arith.maximumf %add3A_421, %max3A_423 : vector<1024x128xf32>
      %abs3A = math.absf %add3A_421 : vector<1024x128xf32>
      %neg3A_425 = arith.constant 0.000000e+00 : f32
      %neg3A_426 = vector.broadcast %neg3A_425 : f32 to vector<1024x128xf32>
      %neg3A_427 = arith.subf %neg3A_426, %abs3A : vector<1024x128xf32>
      %exp3A_428 = math.exp %neg3A_427 : vector<1024x128xf32>
      %log1p3A = math.log1p %exp3A_428 : vector<1024x128xf32>
      %add3A_429 = arith.addf %max3A_424, %log1p3A : vector<1024x128xf32>
      %convert_element_type3A_430 = arith.truncf %add3A_429 : vector<1024x128xf32> to vector<1024x128xbf16>
      %dot_general3A_431 = arith.constant dense<0.000000e+00> : vector<1024x128xf32>
      %dot_general3A_432 = tpu.matmul %convert_element_type3A_430, %get3A_10, %dot_general3A_431 {dimension_numbers = #tpu.dot_dimension_numbers<[1], [0], [0], [1], [0, 0, 1, 1], [], []>, transpose_lhs_hint = false} : vector<1024x128xbf16>, vector<128x128xbf16>, vector<1024x128xf32> -> vector<1024x128xf32>
      %add3A_433 = vector.broadcast %get3A_13 : vector<1x128xf32> to vector<1024x128xf32>
      %add3A_434 = arith.addf %dot_general3A_432, %add3A_433 : vector<1024x128xf32>
      %reshape3A_435 = vector.shape_cast %add3A_434 : vector<1024x128xf32> to vector<32x32x128xf32>
      %reshape3A_436 = vector.shape_cast %select_n3A_407 : vector<32x32xf32> to vector<32x32x1xf32>
      %mul3A_437 = vector.broadcast %reshape3A_436 : vector<32x32x1xf32> to vector<32x32x128xf32>
      %mul3A_438 = arith.mulf %reshape3A_435, %mul3A_437 : vector<32x32x128xf32>
      %get3A_439 = arith.index_cast %mul3A_372 : i32 to index
      %get3A_440 = arith.constant 0 : index
      %get3A_441 = vector.load %arg6[%get3A_439, %get3A_440] : memref<8192x128xf32, #tpu.memory_space<vmem>>, vector<32x128xf32>
      %broadcast_in_dim3A_442 = vector.shape_cast %get3A_441 : vector<32x128xf32> to vector<1x32x128xf32>
      %mul3A_443 = vector.broadcast %broadcast_in_dim3A_442 : vector<1x32x128xf32> to vector<32x32x128xf32>
      %mul3A_444 = arith.mulf %mul3A_438, %mul3A_443 : vector<32x32x128xf32>
      %gt3A = arith.cmpi sgt, %while3A_369, %add3A_102 : i32
      %convert_element_type3A_445 = arith.extui %gt3A : i1 to i32
      %cond3A_446 = arith.constant 0 : i32
      %cond3A_447 = arith.cmpi ne, %convert_element_type3A_445, %cond3A_446 : i32
      scf.if %cond3A_447 {
        %broadcast_in_dim3A_450 = vector.shape_cast %get3A_116 : vector<32x128xf32> to vector<32x1x128xf32>
        %mul3A_451 = vector.broadcast %broadcast_in_dim3A_450 : vector<32x1x128xf32> to vector<32x32x128xf32>
        %mul3A_452 = arith.mulf %mul3A_438, %mul3A_451 : vector<32x32x128xf32>
        %get3A_453 = arith.index_cast %mul3A_372 : i32 to index
        %get3A_454 = arith.constant 0 : index
        %get3A_455 = vector.load %arg12[%get3A_453, %get3A_454] : memref<8192x128xf32, #tpu.memory_space<vmem>>, vector<32x128xf32>
        %reduce_sum3A_456 = arith.constant dense<0.000000e+00> : vector<32x128xf32>
        %reduce_sum3A_457 = vector.multi_reduction <add>, %mul3A_452, %reduce_sum3A_456 [0] : vector<32x32x128xf32> to vector<32x128xf32>
        %add3A_458 = arith.addf %get3A_455, %reduce_sum3A_457 : vector<32x128xf32>
        %swap3A_459 = arith.index_cast %mul3A_372 : i32 to index
        %swap3A_460 = arith.constant 0 : index
        %swap3A_461 = vector.load %arg12[%swap3A_459, %swap3A_460] : memref<8192x128xf32, #tpu.memory_space<vmem>>, vector<32x128xf32>
        tpu.vector_store %arg12[%swap3A_459, %swap3A_460], %add3A_458 {strides = array<i32>} : memref<8192x128xf32, #tpu.memory_space<vmem>>, vector<32x128xf32>,
      } else {
      }
      %reduce_sum3A = arith.constant dense<0.000000e+00> : vector<32x128xf32>
      %reduce_sum3A_448 = vector.multi_reduction <add>, %mul3A_444, %reduce_sum3A [1] : vector<32x32x128xf32> to vector<32x128xf32>
      %add3A_449 = arith.addf %while3A_370, %reduce_sum3A_448 : vector<32x128xf32>
      scf.yield %add3A_449 : vector<32x128xf32>
    }
    %get3A_137 = arith.index_cast %mul3A_104 : i32 to index
    %get3A_138 = arith.constant 0 : index
    %get3A_139 = vector.load %arg12[%get3A_137, %get3A_138] : memref<8192x128xf32, #tpu.memory_space<vmem>>, vector<32x128xf32>
    %add3A_140 = arith.addf %get3A_139, %while3A_136 : vector<32x128xf32>
    %swap3A_141 = arith.index_cast %mul3A_104 : i32 to index
    %swap3A_142 = arith.constant 0 : index
    %swap3A_143 = vector.load %arg12[%swap3A_141, %swap3A_142] : memref<8192x128xf32, #tpu.memory_space<vmem>>, vector<32x128xf32>
    tpu.vector_store %arg12[%swap3A_141, %swap3A_142], %add3A_140 {strides = array<i32>} : memref<8192x128xf32, #tpu.memory_space<vmem>>, vector<32x128xf32>,
    %mul3A_144 = arith.constant 8 : i32
    %mul3A_145 = arith.muli %arg0, %mul3A_144 : i32
    %add3A_146 = arith.constant 3 : i32
    %add3A_147 = arith.addi %mul3A_145, %add3A_146 : i32
    %mul3A_148 = arith.constant 32 : i32
    %mul3A_149 = arith.muli %add3A_147, %mul3A_148 : i32
    %get3A_150 = arith.constant 96 : index
    %get3A_151 = arith.constant 0 : index
    %get3A_152 = vector.load %arg3[%get3A_150, %get3A_151] : memref<256x8xf32, #tpu.memory_space<vmem>>, vector<32x8xf32>
    %get3A_153 = arith.index_cast %mul3A_149 : i32 to index
    %get3A_154 = arith.constant 0 : index
    %get3A_155 = vector.load %arg5[%get3A_153, %get3A_154] : memref<8192x1xf32, #tpu.memory_space<vmem>>, vector<32x1xf32>
    %iota3A_156 = tpu.iota {dimensions = array<i32: 0>} : vector<32x32xi32>
    %add3A_157 = vector.broadcast %mul3A_149 : i32 to vector<32x32xi32>
    %add3A_158 = arith.addi %add3A_157, %iota3A_156 : vector<32x32xi32>
    %get3A_159 = arith.index_cast %mul3A_149 : i32 to index
    %get3A_160 = arith.constant 0 : index
    %get3A_161 = vector.load %arg6[%get3A_159, %get3A_160] : memref<8192x128xf32, #tpu.memory_space<vmem>>, vector<32x128xf32>
    %get3A_162 = arith.index_cast %add3A_147 : i32 to index
    %get3A_163 = memref.load %arg1[%get3A_162] : memref<256xi32, #tpu.memory_space<smem>>
    %max3A_164 = arith.maxsi %get3A_163, %add3A_147 : i32
    %get3A_165 = arith.index_cast %add3A_147 : i32 to index
    %get3A_166 = memref.load %arg1[%get3A_165] : memref<256xi32, #tpu.memory_space<smem>>
    %get3A_167 = arith.index_cast %add3A_147 : i32 to index
    %get3A_168 = memref.load %arg2[%get3A_167] : memref<256xi32, #tpu.memory_space<smem>>
    %add3A_169 = arith.addi %get3A_166, %get3A_168 : i32
    %broadcast_in_dim3A_170 = arith.constant 0.000000e+00 : f32
    %broadcast_in_dim3A_171 = vector.broadcast %broadcast_in_dim3A_170 : f32 to vector<32x128xf32>
    %while3A_172 = arith.subi %add3A_169, %max3A_164 : i32
    %while3A_173 = arith.addi %max3A_164, %while3A_172 : i32
    %while3A_174 = arith.constant 1 : i32
    %while3A_175 = arith.divsi %while3A_172, %while3A_174 : i32
    %while3A_176 = arith.muli %while3A_175, %while3A_174 : i32
    %while3A_177 = arith.addi %max3A_164, %while3A_176 : i32
    %while3A_178 = arith.constant 1 : i32
    %while3A_179 = scf.for %while3A_369 = %max3A_164 to %while3A_177 step %while3A_178 iter_args(%while3A_370 = %broadcast_in_dim3A_171) -> (vector<32x128xf32>)  : i32 {
      %mul3A_371 = arith.constant 32 : i32
      %mul3A_372 = arith.muli %while3A_369, %mul3A_371 : i32
      %get3A_373 = arith.index_cast %mul3A_372 : i32 to index
      %get3A_374 = arith.constant 0 : index
      %get3A_375 = vector.load %arg4[%get3A_373, %get3A_374] : memref<8192x8xf32, #tpu.memory_space<vmem>>, vector<32x8xf32>
      %dot_general3A = arith.constant dense<0.000000e+00> : vector<32x32xf32>
      %dot_general3A_376 = tpu.matmul %get3A_152, %get3A_375, %dot_general3A {dimension_numbers = #tpu.dot_dimension_numbers<[1], [1], [0], [0], [0, 0, 1, 0], [], []>, precision = #tpu.contract_precision<fp32>, transpose_lhs_hint = false} : vector<32x8xf32>, vector<32x8xf32>, vector<32x32xf32> -> vector<32x32xf32>
      %get3A_377 = arith.index_cast %mul3A_372 : i32 to index
      %get3A_378 = arith.constant 0 : index
      %get3A_379 = vector.load %arg5[%get3A_377, %get3A_378] : memref<8192x1xf32, #tpu.memory_space<vmem>>, vector<32x1xf32>
      %reshape3A_380 = vector.shape_cast %get3A_379 : vector<32x1xf32> to vector<1x32xf32>
      %iota3A_381 = tpu.iota {dimensions = array<i32: 1>} : vector<32x32xi32>
      %add3A_382 = vector.broadcast %mul3A_372 : i32 to vector<32x32xi32>
      %add3A_383 = arith.addi %add3A_382, %iota3A_381 : vector<32x32xi32>
      %eq3A_384 = vector.broadcast %get3A_155 : vector<32x1xf32> to vector<32x32xf32>
      %eq3A_385 = vector.broadcast %reshape3A_380 : vector<1x32xf32> to vector<32x32xf32>
      %eq3A_386 = arith.cmpf oeq, %eq3A_384, %eq3A_385 : vector<32x32xf32>
      %le3A = arith.constant 1.000000e+02 : f32
      %le3A_387 = vector.broadcast %le3A : f32 to vector<32x32xf32>
      %le3A_388 = arith.cmpf ole, %dot_general3A_376, %le3A_387 : vector<32x32xf32>
      %and3A = arith.andi %eq3A_386, %le3A_388 : vector<32x32xi1>
      %ne3A = arith.cmpi ne, %add3A_158, %add3A_383 : vector<32x32xi32>
      %and3A_389 = arith.andi %and3A, %ne3A : vector<32x32xi1>
      %jit3A = arith.constant 1.000000e+09 : f32
      %broadcast_in_dim3A_390 = vector.broadcast %jit3A : f32 to vector<32x32xf32>
      %select_n3A = arith.select %and3A_389, %dot_general3A_376, %broadcast_in_dim3A_390 : vector<32x32xi1>, vector<32x32xf32>
      %max3A_391 = arith.constant 0.000000e+00 : f32
      %max3A_392 = vector.broadcast %max3A_391 : f32 to vector<32x32xf32>
      %max3A_393 = arith.maximumf %select_n3A, %max3A_392 : vector<32x32xf32>
      %sqrt3A = math.sqrt %max3A_393 : vector<32x32xf32>
      %lt3A = arith.constant 1.000000e+08 : f32
      %lt3A_394 = vector.broadcast %lt3A : f32 to vector<32x32xf32>
      %lt3A_395 = arith.cmpf olt, %select_n3A, %lt3A_394 : vector<32x32xf32>
      %mul3A_396 = arith.constant 0.314159274 : f32
      %mul3A_397 = vector.broadcast %mul3A_396 : f32 to vector<32x32xf32>
      %mul3A_398 = arith.mulf %sqrt3A, %mul3A_397 : vector<32x32xf32>
      %cos3A = math.cos %mul3A_398 : vector<32x32xf32>
      %add3A_399 = arith.constant 1.000000e+00 : f32
      %add3A_400 = vector.broadcast %add3A_399 : f32 to vector<32x32xf32>
      %add3A_401 = arith.addf %cos3A, %add3A_400 : vector<32x32xf32>
      %mul3A_402 = arith.constant 5.000000e-01 : f32
      %mul3A_403 = vector.broadcast %mul3A_402 : f32 to vector<32x32xf32>
      %mul3A_404 = arith.mulf %mul3A_403, %add3A_401 : vector<32x32xf32>
      %jit3A_405 = arith.constant 0.000000e+00 : f32
      %broadcast_in_dim3A_406 = vector.broadcast %jit3A_405 : f32 to vector<32x32xf32>
      %select_n3A_407 = arith.select %lt3A_395, %mul3A_404, %broadcast_in_dim3A_406 : vector<32x32xi1>, vector<32x32xf32>
      %mul3A_408 = arith.constant 3.46482301 : f32
      %mul3A_409 = vector.broadcast %mul3A_408 : f32 to vector<32x32xf32>
      %mul3A_410 = arith.mulf %sqrt3A, %mul3A_409 : vector<32x32xf32>
      %reshape3A_411 = vector.shape_cast %mul3A_410 : vector<32x32xf32> to vector<32x32x1xf32>
      %sub3A = vector.broadcast %reshape3A_411 : vector<32x32x1xf32> to vector<32x32x128xf32>
      %sub3A_412 = vector.broadcast %reshape3A : vector<1x1x128xf32> to vector<32x32x128xf32>
      %sub3A_413 = arith.subf %sub3A, %sub3A_412 : vector<32x32x128xf32>
      %integer_pow3A = arith.mulf %sub3A_413, %sub3A_413 : vector<32x32x128xf32>
      %neg3A = arith.constant 0.000000e+00 : f32
      %neg3A_414 = vector.broadcast %neg3A : f32 to vector<32x32x128xf32>
      %neg3A_415 = arith.subf %neg3A_414, %integer_pow3A : vector<32x32x128xf32>
      %exp3A = math.exp %neg3A_415 : vector<32x32x128xf32>
      %convert_element_type3A_416 = arith.truncf %exp3A : vector<32x32x128xf32> to vector<32x32x128xbf16>
      %reshape3A_417 = vector.shape_cast %convert_element_type3A_416 : vector<32x32x128xbf16> to vector<1024x128xbf16>
      %dot_general3A_418 = arith.constant dense<0.000000e+00> : vector<1024x128xf32>
      %dot_general3A_419 = tpu.matmul %reshape3A_417, %get3A_4, %dot_general3A_418 {dimension_numbers = #tpu.dot_dimension_numbers<[1], [0], [0], [1], [0, 0, 1, 1], [], []>, transpose_lhs_hint = false} : vector<1024x128xbf16>, vector<128x128xbf16>, vector<1024x128xf32> -> vector<1024x128xf32>
      %add3A_420 = vector.broadcast %get3A_7 : vector<1x128xf32> to vector<1024x128xf32>
      %add3A_421 = arith.addf %dot_general3A_419, %add3A_420 : vector<1024x128xf32>
      %max3A_422 = arith.constant 0.000000e+00 : f32
      %max3A_423 = vector.broadcast %max3A_422 : f32 to vector<1024x128xf32>
      %max3A_424 = arith.maximumf %add3A_421, %max3A_423 : vector<1024x128xf32>
      %abs3A = math.absf %add3A_421 : vector<1024x128xf32>
      %neg3A_425 = arith.constant 0.000000e+00 : f32
      %neg3A_426 = vector.broadcast %neg3A_425 : f32 to vector<1024x128xf32>
      %neg3A_427 = arith.subf %neg3A_426, %abs3A : vector<1024x128xf32>
      %exp3A_428 = math.exp %neg3A_427 : vector<1024x128xf32>
      %log1p3A = math.log1p %exp3A_428 : vector<1024x128xf32>
      %add3A_429 = arith.addf %max3A_424, %log1p3A : vector<1024x128xf32>
      %convert_element_type3A_430 = arith.truncf %add3A_429 : vector<1024x128xf32> to vector<1024x128xbf16>
      %dot_general3A_431 = arith.constant dense<0.000000e+00> : vector<1024x128xf32>
      %dot_general3A_432 = tpu.matmul %convert_element_type3A_430, %get3A_10, %dot_general3A_431 {dimension_numbers = #tpu.dot_dimension_numbers<[1], [0], [0], [1], [0, 0, 1, 1], [], []>, transpose_lhs_hint = false} : vector<1024x128xbf16>, vector<128x128xbf16>, vector<1024x128xf32> -> vector<1024x128xf32>
      %add3A_433 = vector.broadcast %get3A_13 : vector<1x128xf32> to vector<1024x128xf32>
      %add3A_434 = arith.addf %dot_general3A_432, %add3A_433 : vector<1024x128xf32>
      %reshape3A_435 = vector.shape_cast %add3A_434 : vector<1024x128xf32> to vector<32x32x128xf32>
      %reshape3A_436 = vector.shape_cast %select_n3A_407 : vector<32x32xf32> to vector<32x32x1xf32>
      %mul3A_437 = vector.broadcast %reshape3A_436 : vector<32x32x1xf32> to vector<32x32x128xf32>
      %mul3A_438 = arith.mulf %reshape3A_435, %mul3A_437 : vector<32x32x128xf32>
      %get3A_439 = arith.index_cast %mul3A_372 : i32 to index
      %get3A_440 = arith.constant 0 : index
      %get3A_441 = vector.load %arg6[%get3A_439, %get3A_440] : memref<8192x128xf32, #tpu.memory_space<vmem>>, vector<32x128xf32>
      %broadcast_in_dim3A_442 = vector.shape_cast %get3A_441 : vector<32x128xf32> to vector<1x32x128xf32>
      %mul3A_443 = vector.broadcast %broadcast_in_dim3A_442 : vector<1x32x128xf32> to vector<32x32x128xf32>
      %mul3A_444 = arith.mulf %mul3A_438, %mul3A_443 : vector<32x32x128xf32>
      %gt3A = arith.cmpi sgt, %while3A_369, %add3A_147 : i32
      %convert_element_type3A_445 = arith.extui %gt3A : i1 to i32
      %cond3A_446 = arith.constant 0 : i32
      %cond3A_447 = arith.cmpi ne, %convert_element_type3A_445, %cond3A_446 : i32
      scf.if %cond3A_447 {
        %broadcast_in_dim3A_450 = vector.shape_cast %get3A_161 : vector<32x128xf32> to vector<32x1x128xf32>
        %mul3A_451 = vector.broadcast %broadcast_in_dim3A_450 : vector<32x1x128xf32> to vector<32x32x128xf32>
        %mul3A_452 = arith.mulf %mul3A_438, %mul3A_451 : vector<32x32x128xf32>
        %get3A_453 = arith.index_cast %mul3A_372 : i32 to index
        %get3A_454 = arith.constant 0 : index
        %get3A_455 = vector.load %arg12[%get3A_453, %get3A_454] : memref<8192x128xf32, #tpu.memory_space<vmem>>, vector<32x128xf32>
        %reduce_sum3A_456 = arith.constant dense<0.000000e+00> : vector<32x128xf32>
        %reduce_sum3A_457 = vector.multi_reduction <add>, %mul3A_452, %reduce_sum3A_456 [0] : vector<32x32x128xf32> to vector<32x128xf32>
        %add3A_458 = arith.addf %get3A_455, %reduce_sum3A_457 : vector<32x128xf32>
        %swap3A_459 = arith.index_cast %mul3A_372 : i32 to index
        %swap3A_460 = arith.constant 0 : index
        %swap3A_461 = vector.load %arg12[%swap3A_459, %swap3A_460] : memref<8192x128xf32, #tpu.memory_space<vmem>>, vector<32x128xf32>
        tpu.vector_store %arg12[%swap3A_459, %swap3A_460], %add3A_458 {strides = array<i32>} : memref<8192x128xf32, #tpu.memory_space<vmem>>, vector<32x128xf32>,
      } else {
      }
      %reduce_sum3A = arith.constant dense<0.000000e+00> : vector<32x128xf32>
      %reduce_sum3A_448 = vector.multi_reduction <add>, %mul3A_444, %reduce_sum3A [1] : vector<32x32x128xf32> to vector<32x128xf32>
      %add3A_449 = arith.addf %while3A_370, %reduce_sum3A_448 : vector<32x128xf32>
      scf.yield %add3A_449 : vector<32x128xf32>
    }
    %while3A_180 = arith.constant 1 : i32
    %while3A_181 = scf.for %while3A_369 = %while3A_177 to %while3A_173 step %while3A_180 iter_args(%while3A_370 = %while3A_179) -> (vector<32x128xf32>)  : i32 {
      %mul3A_371 = arith.constant 32 : i32
      %mul3A_372 = arith.muli %while3A_369, %mul3A_371 : i32
      %get3A_373 = arith.index_cast %mul3A_372 : i32 to index
      %get3A_374 = arith.constant 0 : index
      %get3A_375 = vector.load %arg4[%get3A_373, %get3A_374] : memref<8192x8xf32, #tpu.memory_space<vmem>>, vector<32x8xf32>
      %dot_general3A = arith.constant dense<0.000000e+00> : vector<32x32xf32>
      %dot_general3A_376 = tpu.matmul %get3A_152, %get3A_375, %dot_general3A {dimension_numbers = #tpu.dot_dimension_numbers<[1], [1], [0], [0], [0, 0, 1, 0], [], []>, precision = #tpu.contract_precision<fp32>, transpose_lhs_hint = false} : vector<32x8xf32>, vector<32x8xf32>, vector<32x32xf32> -> vector<32x32xf32>
      %get3A_377 = arith.index_cast %mul3A_372 : i32 to index
      %get3A_378 = arith.constant 0 : index
      %get3A_379 = vector.load %arg5[%get3A_377, %get3A_378] : memref<8192x1xf32, #tpu.memory_space<vmem>>, vector<32x1xf32>
      %reshape3A_380 = vector.shape_cast %get3A_379 : vector<32x1xf32> to vector<1x32xf32>
      %iota3A_381 = tpu.iota {dimensions = array<i32: 1>} : vector<32x32xi32>
      %add3A_382 = vector.broadcast %mul3A_372 : i32 to vector<32x32xi32>
      %add3A_383 = arith.addi %add3A_382, %iota3A_381 : vector<32x32xi32>
      %eq3A_384 = vector.broadcast %get3A_155 : vector<32x1xf32> to vector<32x32xf32>
      %eq3A_385 = vector.broadcast %reshape3A_380 : vector<1x32xf32> to vector<32x32xf32>
      %eq3A_386 = arith.cmpf oeq, %eq3A_384, %eq3A_385 : vector<32x32xf32>
      %le3A = arith.constant 1.000000e+02 : f32
      %le3A_387 = vector.broadcast %le3A : f32 to vector<32x32xf32>
      %le3A_388 = arith.cmpf ole, %dot_general3A_376, %le3A_387 : vector<32x32xf32>
      %and3A = arith.andi %eq3A_386, %le3A_388 : vector<32x32xi1>
      %ne3A = arith.cmpi ne, %add3A_158, %add3A_383 : vector<32x32xi32>
      %and3A_389 = arith.andi %and3A, %ne3A : vector<32x32xi1>
      %jit3A = arith.constant 1.000000e+09 : f32
      %broadcast_in_dim3A_390 = vector.broadcast %jit3A : f32 to vector<32x32xf32>
      %select_n3A = arith.select %and3A_389, %dot_general3A_376, %broadcast_in_dim3A_390 : vector<32x32xi1>, vector<32x32xf32>
      %max3A_391 = arith.constant 0.000000e+00 : f32
      %max3A_392 = vector.broadcast %max3A_391 : f32 to vector<32x32xf32>
      %max3A_393 = arith.maximumf %select_n3A, %max3A_392 : vector<32x32xf32>
      %sqrt3A = math.sqrt %max3A_393 : vector<32x32xf32>
      %lt3A = arith.constant 1.000000e+08 : f32
      %lt3A_394 = vector.broadcast %lt3A : f32 to vector<32x32xf32>
      %lt3A_395 = arith.cmpf olt, %select_n3A, %lt3A_394 : vector<32x32xf32>
      %mul3A_396 = arith.constant 0.314159274 : f32
      %mul3A_397 = vector.broadcast %mul3A_396 : f32 to vector<32x32xf32>
      %mul3A_398 = arith.mulf %sqrt3A, %mul3A_397 : vector<32x32xf32>
      %cos3A = math.cos %mul3A_398 : vector<32x32xf32>
      %add3A_399 = arith.constant 1.000000e+00 : f32
      %add3A_400 = vector.broadcast %add3A_399 : f32 to vector<32x32xf32>
      %add3A_401 = arith.addf %cos3A, %add3A_400 : vector<32x32xf32>
      %mul3A_402 = arith.constant 5.000000e-01 : f32
      %mul3A_403 = vector.broadcast %mul3A_402 : f32 to vector<32x32xf32>
      %mul3A_404 = arith.mulf %mul3A_403, %add3A_401 : vector<32x32xf32>
      %jit3A_405 = arith.constant 0.000000e+00 : f32
      %broadcast_in_dim3A_406 = vector.broadcast %jit3A_405 : f32 to vector<32x32xf32>
      %select_n3A_407 = arith.select %lt3A_395, %mul3A_404, %broadcast_in_dim3A_406 : vector<32x32xi1>, vector<32x32xf32>
      %mul3A_408 = arith.constant 3.46482301 : f32
      %mul3A_409 = vector.broadcast %mul3A_408 : f32 to vector<32x32xf32>
      %mul3A_410 = arith.mulf %sqrt3A, %mul3A_409 : vector<32x32xf32>
      %reshape3A_411 = vector.shape_cast %mul3A_410 : vector<32x32xf32> to vector<32x32x1xf32>
      %sub3A = vector.broadcast %reshape3A_411 : vector<32x32x1xf32> to vector<32x32x128xf32>
      %sub3A_412 = vector.broadcast %reshape3A : vector<1x1x128xf32> to vector<32x32x128xf32>
      %sub3A_413 = arith.subf %sub3A, %sub3A_412 : vector<32x32x128xf32>
      %integer_pow3A = arith.mulf %sub3A_413, %sub3A_413 : vector<32x32x128xf32>
      %neg3A = arith.constant 0.000000e+00 : f32
      %neg3A_414 = vector.broadcast %neg3A : f32 to vector<32x32x128xf32>
      %neg3A_415 = arith.subf %neg3A_414, %integer_pow3A : vector<32x32x128xf32>
      %exp3A = math.exp %neg3A_415 : vector<32x32x128xf32>
      %convert_element_type3A_416 = arith.truncf %exp3A : vector<32x32x128xf32> to vector<32x32x128xbf16>
      %reshape3A_417 = vector.shape_cast %convert_element_type3A_416 : vector<32x32x128xbf16> to vector<1024x128xbf16>
      %dot_general3A_418 = arith.constant dense<0.000000e+00> : vector<1024x128xf32>
      %dot_general3A_419 = tpu.matmul %reshape3A_417, %get3A_4, %dot_general3A_418 {dimension_numbers = #tpu.dot_dimension_numbers<[1], [0], [0], [1], [0, 0, 1, 1], [], []>, transpose_lhs_hint = false} : vector<1024x128xbf16>, vector<128x128xbf16>, vector<1024x128xf32> -> vector<1024x128xf32>
      %add3A_420 = vector.broadcast %get3A_7 : vector<1x128xf32> to vector<1024x128xf32>
      %add3A_421 = arith.addf %dot_general3A_419, %add3A_420 : vector<1024x128xf32>
      %max3A_422 = arith.constant 0.000000e+00 : f32
      %max3A_423 = vector.broadcast %max3A_422 : f32 to vector<1024x128xf32>
      %max3A_424 = arith.maximumf %add3A_421, %max3A_423 : vector<1024x128xf32>
      %abs3A = math.absf %add3A_421 : vector<1024x128xf32>
      %neg3A_425 = arith.constant 0.000000e+00 : f32
      %neg3A_426 = vector.broadcast %neg3A_425 : f32 to vector<1024x128xf32>
      %neg3A_427 = arith.subf %neg3A_426, %abs3A : vector<1024x128xf32>
      %exp3A_428 = math.exp %neg3A_427 : vector<1024x128xf32>
      %log1p3A = math.log1p %exp3A_428 : vector<1024x128xf32>
      %add3A_429 = arith.addf %max3A_424, %log1p3A : vector<1024x128xf32>
      %convert_element_type3A_430 = arith.truncf %add3A_429 : vector<1024x128xf32> to vector<1024x128xbf16>
      %dot_general3A_431 = arith.constant dense<0.000000e+00> : vector<1024x128xf32>
      %dot_general3A_432 = tpu.matmul %convert_element_type3A_430, %get3A_10, %dot_general3A_431 {dimension_numbers = #tpu.dot_dimension_numbers<[1], [0], [0], [1], [0, 0, 1, 1], [], []>, transpose_lhs_hint = false} : vector<1024x128xbf16>, vector<128x128xbf16>, vector<1024x128xf32> -> vector<1024x128xf32>
      %add3A_433 = vector.broadcast %get3A_13 : vector<1x128xf32> to vector<1024x128xf32>
      %add3A_434 = arith.addf %dot_general3A_432, %add3A_433 : vector<1024x128xf32>
      %reshape3A_435 = vector.shape_cast %add3A_434 : vector<1024x128xf32> to vector<32x32x128xf32>
      %reshape3A_436 = vector.shape_cast %select_n3A_407 : vector<32x32xf32> to vector<32x32x1xf32>
      %mul3A_437 = vector.broadcast %reshape3A_436 : vector<32x32x1xf32> to vector<32x32x128xf32>
      %mul3A_438 = arith.mulf %reshape3A_435, %mul3A_437 : vector<32x32x128xf32>
      %get3A_439 = arith.index_cast %mul3A_372 : i32 to index
      %get3A_440 = arith.constant 0 : index
      %get3A_441 = vector.load %arg6[%get3A_439, %get3A_440] : memref<8192x128xf32, #tpu.memory_space<vmem>>, vector<32x128xf32>
      %broadcast_in_dim3A_442 = vector.shape_cast %get3A_441 : vector<32x128xf32> to vector<1x32x128xf32>
      %mul3A_443 = vector.broadcast %broadcast_in_dim3A_442 : vector<1x32x128xf32> to vector<32x32x128xf32>
      %mul3A_444 = arith.mulf %mul3A_438, %mul3A_443 : vector<32x32x128xf32>
      %gt3A = arith.cmpi sgt, %while3A_369, %add3A_147 : i32
      %convert_element_type3A_445 = arith.extui %gt3A : i1 to i32
      %cond3A_446 = arith.constant 0 : i32
      %cond3A_447 = arith.cmpi ne, %convert_element_type3A_445, %cond3A_446 : i32
      scf.if %cond3A_447 {
        %broadcast_in_dim3A_450 = vector.shape_cast %get3A_161 : vector<32x128xf32> to vector<32x1x128xf32>
        %mul3A_451 = vector.broadcast %broadcast_in_dim3A_450 : vector<32x1x128xf32> to vector<32x32x128xf32>
        %mul3A_452 = arith.mulf %mul3A_438, %mul3A_451 : vector<32x32x128xf32>
        %get3A_453 = arith.index_cast %mul3A_372 : i32 to index
        %get3A_454 = arith.constant 0 : index
        %get3A_455 = vector.load %arg12[%get3A_453, %get3A_454] : memref<8192x128xf32, #tpu.memory_space<vmem>>, vector<32x128xf32>
        %reduce_sum3A_456 = arith.constant dense<0.000000e+00> : vector<32x128xf32>
        %reduce_sum3A_457 = vector.multi_reduction <add>, %mul3A_452, %reduce_sum3A_456 [0] : vector<32x32x128xf32> to vector<32x128xf32>
        %add3A_458 = arith.addf %get3A_455, %reduce_sum3A_457 : vector<32x128xf32>
        %swap3A_459 = arith.index_cast %mul3A_372 : i32 to index
        %swap3A_460 = arith.constant 0 : index
        %swap3A_461 = vector.load %arg12[%swap3A_459, %swap3A_460] : memref<8192x128xf32, #tpu.memory_space<vmem>>, vector<32x128xf32>
        tpu.vector_store %arg12[%swap3A_459, %swap3A_460], %add3A_458 {strides = array<i32>} : memref<8192x128xf32, #tpu.memory_space<vmem>>, vector<32x128xf32>,
      } else {
      }
      %reduce_sum3A = arith.constant dense<0.000000e+00> : vector<32x128xf32>
      %reduce_sum3A_448 = vector.multi_reduction <add>, %mul3A_444, %reduce_sum3A [1] : vector<32x32x128xf32> to vector<32x128xf32>
      %add3A_449 = arith.addf %while3A_370, %reduce_sum3A_448 : vector<32x128xf32>
      scf.yield %add3A_449 : vector<32x128xf32>
    }
    %get3A_182 = arith.index_cast %mul3A_149 : i32 to index
    %get3A_183 = arith.constant 0 : index
    %get3A_184 = vector.load %arg12[%get3A_182, %get3A_183] : memref<8192x128xf32, #tpu.memory_space<vmem>>, vector<32x128xf32>
    %add3A_185 = arith.addf %get3A_184, %while3A_181 : vector<32x128xf32>
    %swap3A_186 = arith.index_cast %mul3A_149 : i32 to index
    %swap3A_187 = arith.constant 0 : index
    %swap3A_188 = vector.load %arg12[%swap3A_186, %swap3A_187] : memref<8192x128xf32, #tpu.memory_space<vmem>>, vector<32x128xf32>
    tpu.vector_store %arg12[%swap3A_186, %swap3A_187], %add3A_185 {strides = array<i32>} : memref<8192x128xf32, #tpu.memory_space<vmem>>, vector<32x128xf32>,
    %mul3A_189 = arith.constant 8 : i32
    %mul3A_190 = arith.muli %arg0, %mul3A_189 : i32
    %add3A_191 = arith.constant 4 : i32
    %add3A_192 = arith.addi %mul3A_190, %add3A_191 : i32
    %mul3A_193 = arith.constant 32 : i32
    %mul3A_194 = arith.muli %add3A_192, %mul3A_193 : i32
    %get3A_195 = arith.constant 128 : index
    %get3A_196 = arith.constant 0 : index
    %get3A_197 = vector.load %arg3[%get3A_195, %get3A_196] : memref<256x8xf32, #tpu.memory_space<vmem>>, vector<32x8xf32>
    %get3A_198 = arith.index_cast %mul3A_194 : i32 to index
    %get3A_199 = arith.constant 0 : index
    %get3A_200 = vector.load %arg5[%get3A_198, %get3A_199] : memref<8192x1xf32, #tpu.memory_space<vmem>>, vector<32x1xf32>
    %iota3A_201 = tpu.iota {dimensions = array<i32: 0>} : vector<32x32xi32>
    %add3A_202 = vector.broadcast %mul3A_194 : i32 to vector<32x32xi32>
    %add3A_203 = arith.addi %add3A_202, %iota3A_201 : vector<32x32xi32>
    %get3A_204 = arith.index_cast %mul3A_194 : i32 to index
    %get3A_205 = arith.constant 0 : index
    %get3A_206 = vector.load %arg6[%get3A_204, %get3A_205] : memref<8192x128xf32, #tpu.memory_space<vmem>>, vector<32x128xf32>
    %get3A_207 = arith.index_cast %add3A_192 : i32 to index
    %get3A_208 = memref.load %arg1[%get3A_207] : memref<256xi32, #tpu.memory_space<smem>>
    %max3A_209 = arith.maxsi %get3A_208, %add3A_192 : i32
    %get3A_210 = arith.index_cast %add3A_192 : i32 to index
    %get3A_211 = memref.load %arg1[%get3A_210] : memref<256xi32, #tpu.memory_space<smem>>
    %get3A_212 = arith.index_cast %add3A_192 : i32 to index
    %get3A_213 = memref.load %arg2[%get3A_212] : memref<256xi32, #tpu.memory_space<smem>>
    %add3A_214 = arith.addi %get3A_211, %get3A_213 : i32
    %broadcast_in_dim3A_215 = arith.constant 0.000000e+00 : f32
    %broadcast_in_dim3A_216 = vector.broadcast %broadcast_in_dim3A_215 : f32 to vector<32x128xf32>
    %while3A_217 = arith.subi %add3A_214, %max3A_209 : i32
    %while3A_218 = arith.addi %max3A_209, %while3A_217 : i32
    %while3A_219 = arith.constant 1 : i32
    %while3A_220 = arith.divsi %while3A_217, %while3A_219 : i32
    %while3A_221 = arith.muli %while3A_220, %while3A_219 : i32
    %while3A_222 = arith.addi %max3A_209, %while3A_221 : i32
    %while3A_223 = arith.constant 1 : i32
    %while3A_224 = scf.for %while3A_369 = %max3A_209 to %while3A_222 step %while3A_223 iter_args(%while3A_370 = %broadcast_in_dim3A_216) -> (vector<32x128xf32>)  : i32 {
      %mul3A_371 = arith.constant 32 : i32
      %mul3A_372 = arith.muli %while3A_369, %mul3A_371 : i32
      %get3A_373 = arith.index_cast %mul3A_372 : i32 to index
      %get3A_374 = arith.constant 0 : index
      %get3A_375 = vector.load %arg4[%get3A_373, %get3A_374] : memref<8192x8xf32, #tpu.memory_space<vmem>>, vector<32x8xf32>
      %dot_general3A = arith.constant dense<0.000000e+00> : vector<32x32xf32>
      %dot_general3A_376 = tpu.matmul %get3A_197, %get3A_375, %dot_general3A {dimension_numbers = #tpu.dot_dimension_numbers<[1], [1], [0], [0], [0, 0, 1, 0], [], []>, precision = #tpu.contract_precision<fp32>, transpose_lhs_hint = false} : vector<32x8xf32>, vector<32x8xf32>, vector<32x32xf32> -> vector<32x32xf32>
      %get3A_377 = arith.index_cast %mul3A_372 : i32 to index
      %get3A_378 = arith.constant 0 : index
      %get3A_379 = vector.load %arg5[%get3A_377, %get3A_378] : memref<8192x1xf32, #tpu.memory_space<vmem>>, vector<32x1xf32>
      %reshape3A_380 = vector.shape_cast %get3A_379 : vector<32x1xf32> to vector<1x32xf32>
      %iota3A_381 = tpu.iota {dimensions = array<i32: 1>} : vector<32x32xi32>
      %add3A_382 = vector.broadcast %mul3A_372 : i32 to vector<32x32xi32>
      %add3A_383 = arith.addi %add3A_382, %iota3A_381 : vector<32x32xi32>
      %eq3A_384 = vector.broadcast %get3A_200 : vector<32x1xf32> to vector<32x32xf32>
      %eq3A_385 = vector.broadcast %reshape3A_380 : vector<1x32xf32> to vector<32x32xf32>
      %eq3A_386 = arith.cmpf oeq, %eq3A_384, %eq3A_385 : vector<32x32xf32>
      %le3A = arith.constant 1.000000e+02 : f32
      %le3A_387 = vector.broadcast %le3A : f32 to vector<32x32xf32>
      %le3A_388 = arith.cmpf ole, %dot_general3A_376, %le3A_387 : vector<32x32xf32>
      %and3A = arith.andi %eq3A_386, %le3A_388 : vector<32x32xi1>
      %ne3A = arith.cmpi ne, %add3A_203, %add3A_383 : vector<32x32xi32>
      %and3A_389 = arith.andi %and3A, %ne3A : vector<32x32xi1>
      %jit3A = arith.constant 1.000000e+09 : f32
      %broadcast_in_dim3A_390 = vector.broadcast %jit3A : f32 to vector<32x32xf32>
      %select_n3A = arith.select %and3A_389, %dot_general3A_376, %broadcast_in_dim3A_390 : vector<32x32xi1>, vector<32x32xf32>
      %max3A_391 = arith.constant 0.000000e+00 : f32
      %max3A_392 = vector.broadcast %max3A_391 : f32 to vector<32x32xf32>
      %max3A_393 = arith.maximumf %select_n3A, %max3A_392 : vector<32x32xf32>
      %sqrt3A = math.sqrt %max3A_393 : vector<32x32xf32>
      %lt3A = arith.constant 1.000000e+08 : f32
      %lt3A_394 = vector.broadcast %lt3A : f32 to vector<32x32xf32>
      %lt3A_395 = arith.cmpf olt, %select_n3A, %lt3A_394 : vector<32x32xf32>
      %mul3A_396 = arith.constant 0.314159274 : f32
      %mul3A_397 = vector.broadcast %mul3A_396 : f32 to vector<32x32xf32>
      %mul3A_398 = arith.mulf %sqrt3A, %mul3A_397 : vector<32x32xf32>
      %cos3A = math.cos %mul3A_398 : vector<32x32xf32>
      %add3A_399 = arith.constant 1.000000e+00 : f32
      %add3A_400 = vector.broadcast %add3A_399 : f32 to vector<32x32xf32>
      %add3A_401 = arith.addf %cos3A, %add3A_400 : vector<32x32xf32>
      %mul3A_402 = arith.constant 5.000000e-01 : f32
      %mul3A_403 = vector.broadcast %mul3A_402 : f32 to vector<32x32xf32>
      %mul3A_404 = arith.mulf %mul3A_403, %add3A_401 : vector<32x32xf32>
      %jit3A_405 = arith.constant 0.000000e+00 : f32
      %broadcast_in_dim3A_406 = vector.broadcast %jit3A_405 : f32 to vector<32x32xf32>
      %select_n3A_407 = arith.select %lt3A_395, %mul3A_404, %broadcast_in_dim3A_406 : vector<32x32xi1>, vector<32x32xf32>
      %mul3A_408 = arith.constant 3.46482301 : f32
      %mul3A_409 = vector.broadcast %mul3A_408 : f32 to vector<32x32xf32>
      %mul3A_410 = arith.mulf %sqrt3A, %mul3A_409 : vector<32x32xf32>
      %reshape3A_411 = vector.shape_cast %mul3A_410 : vector<32x32xf32> to vector<32x32x1xf32>
      %sub3A = vector.broadcast %reshape3A_411 : vector<32x32x1xf32> to vector<32x32x128xf32>
      %sub3A_412 = vector.broadcast %reshape3A : vector<1x1x128xf32> to vector<32x32x128xf32>
      %sub3A_413 = arith.subf %sub3A, %sub3A_412 : vector<32x32x128xf32>
      %integer_pow3A = arith.mulf %sub3A_413, %sub3A_413 : vector<32x32x128xf32>
      %neg3A = arith.constant 0.000000e+00 : f32
      %neg3A_414 = vector.broadcast %neg3A : f32 to vector<32x32x128xf32>
      %neg3A_415 = arith.subf %neg3A_414, %integer_pow3A : vector<32x32x128xf32>
      %exp3A = math.exp %neg3A_415 : vector<32x32x128xf32>
      %convert_element_type3A_416 = arith.truncf %exp3A : vector<32x32x128xf32> to vector<32x32x128xbf16>
      %reshape3A_417 = vector.shape_cast %convert_element_type3A_416 : vector<32x32x128xbf16> to vector<1024x128xbf16>
      %dot_general3A_418 = arith.constant dense<0.000000e+00> : vector<1024x128xf32>
      %dot_general3A_419 = tpu.matmul %reshape3A_417, %get3A_4, %dot_general3A_418 {dimension_numbers = #tpu.dot_dimension_numbers<[1], [0], [0], [1], [0, 0, 1, 1], [], []>, transpose_lhs_hint = false} : vector<1024x128xbf16>, vector<128x128xbf16>, vector<1024x128xf32> -> vector<1024x128xf32>
      %add3A_420 = vector.broadcast %get3A_7 : vector<1x128xf32> to vector<1024x128xf32>
      %add3A_421 = arith.addf %dot_general3A_419, %add3A_420 : vector<1024x128xf32>
      %max3A_422 = arith.constant 0.000000e+00 : f32
      %max3A_423 = vector.broadcast %max3A_422 : f32 to vector<1024x128xf32>
      %max3A_424 = arith.maximumf %add3A_421, %max3A_423 : vector<1024x128xf32>
      %abs3A = math.absf %add3A_421 : vector<1024x128xf32>
      %neg3A_425 = arith.constant 0.000000e+00 : f32
      %neg3A_426 = vector.broadcast %neg3A_425 : f32 to vector<1024x128xf32>
      %neg3A_427 = arith.subf %neg3A_426, %abs3A : vector<1024x128xf32>
      %exp3A_428 = math.exp %neg3A_427 : vector<1024x128xf32>
      %log1p3A = math.log1p %exp3A_428 : vector<1024x128xf32>
      %add3A_429 = arith.addf %max3A_424, %log1p3A : vector<1024x128xf32>
      %convert_element_type3A_430 = arith.truncf %add3A_429 : vector<1024x128xf32> to vector<1024x128xbf16>
      %dot_general3A_431 = arith.constant dense<0.000000e+00> : vector<1024x128xf32>
      %dot_general3A_432 = tpu.matmul %convert_element_type3A_430, %get3A_10, %dot_general3A_431 {dimension_numbers = #tpu.dot_dimension_numbers<[1], [0], [0], [1], [0, 0, 1, 1], [], []>, transpose_lhs_hint = false} : vector<1024x128xbf16>, vector<128x128xbf16>, vector<1024x128xf32> -> vector<1024x128xf32>
      %add3A_433 = vector.broadcast %get3A_13 : vector<1x128xf32> to vector<1024x128xf32>
      %add3A_434 = arith.addf %dot_general3A_432, %add3A_433 : vector<1024x128xf32>
      %reshape3A_435 = vector.shape_cast %add3A_434 : vector<1024x128xf32> to vector<32x32x128xf32>
      %reshape3A_436 = vector.shape_cast %select_n3A_407 : vector<32x32xf32> to vector<32x32x1xf32>
      %mul3A_437 = vector.broadcast %reshape3A_436 : vector<32x32x1xf32> to vector<32x32x128xf32>
      %mul3A_438 = arith.mulf %reshape3A_435, %mul3A_437 : vector<32x32x128xf32>
      %get3A_439 = arith.index_cast %mul3A_372 : i32 to index
      %get3A_440 = arith.constant 0 : index
      %get3A_441 = vector.load %arg6[%get3A_439, %get3A_440] : memref<8192x128xf32, #tpu.memory_space<vmem>>, vector<32x128xf32>
      %broadcast_in_dim3A_442 = vector.shape_cast %get3A_441 : vector<32x128xf32> to vector<1x32x128xf32>
      %mul3A_443 = vector.broadcast %broadcast_in_dim3A_442 : vector<1x32x128xf32> to vector<32x32x128xf32>
      %mul3A_444 = arith.mulf %mul3A_438, %mul3A_443 : vector<32x32x128xf32>
      %gt3A = arith.cmpi sgt, %while3A_369, %add3A_192 : i32
      %convert_element_type3A_445 = arith.extui %gt3A : i1 to i32
      %cond3A_446 = arith.constant 0 : i32
      %cond3A_447 = arith.cmpi ne, %convert_element_type3A_445, %cond3A_446 : i32
      scf.if %cond3A_447 {
        %broadcast_in_dim3A_450 = vector.shape_cast %get3A_206 : vector<32x128xf32> to vector<32x1x128xf32>
        %mul3A_451 = vector.broadcast %broadcast_in_dim3A_450 : vector<32x1x128xf32> to vector<32x32x128xf32>
        %mul3A_452 = arith.mulf %mul3A_438, %mul3A_451 : vector<32x32x128xf32>
        %get3A_453 = arith.index_cast %mul3A_372 : i32 to index
        %get3A_454 = arith.constant 0 : index
        %get3A_455 = vector.load %arg12[%get3A_453, %get3A_454] : memref<8192x128xf32, #tpu.memory_space<vmem>>, vector<32x128xf32>
        %reduce_sum3A_456 = arith.constant dense<0.000000e+00> : vector<32x128xf32>
        %reduce_sum3A_457 = vector.multi_reduction <add>, %mul3A_452, %reduce_sum3A_456 [0] : vector<32x32x128xf32> to vector<32x128xf32>
        %add3A_458 = arith.addf %get3A_455, %reduce_sum3A_457 : vector<32x128xf32>
        %swap3A_459 = arith.index_cast %mul3A_372 : i32 to index
        %swap3A_460 = arith.constant 0 : index
        %swap3A_461 = vector.load %arg12[%swap3A_459, %swap3A_460] : memref<8192x128xf32, #tpu.memory_space<vmem>>, vector<32x128xf32>
        tpu.vector_store %arg12[%swap3A_459, %swap3A_460], %add3A_458 {strides = array<i32>} : memref<8192x128xf32, #tpu.memory_space<vmem>>, vector<32x128xf32>,
      } else {
      }
      %reduce_sum3A = arith.constant dense<0.000000e+00> : vector<32x128xf32>
      %reduce_sum3A_448 = vector.multi_reduction <add>, %mul3A_444, %reduce_sum3A [1] : vector<32x32x128xf32> to vector<32x128xf32>
      %add3A_449 = arith.addf %while3A_370, %reduce_sum3A_448 : vector<32x128xf32>
      scf.yield %add3A_449 : vector<32x128xf32>
    }
    %while3A_225 = arith.constant 1 : i32
    %while3A_226 = scf.for %while3A_369 = %while3A_222 to %while3A_218 step %while3A_225 iter_args(%while3A_370 = %while3A_224) -> (vector<32x128xf32>)  : i32 {
      %mul3A_371 = arith.constant 32 : i32
      %mul3A_372 = arith.muli %while3A_369, %mul3A_371 : i32
      %get3A_373 = arith.index_cast %mul3A_372 : i32 to index
      %get3A_374 = arith.constant 0 : index
      %get3A_375 = vector.load %arg4[%get3A_373, %get3A_374] : memref<8192x8xf32, #tpu.memory_space<vmem>>, vector<32x8xf32>
      %dot_general3A = arith.constant dense<0.000000e+00> : vector<32x32xf32>
      %dot_general3A_376 = tpu.matmul %get3A_197, %get3A_375, %dot_general3A {dimension_numbers = #tpu.dot_dimension_numbers<[1], [1], [0], [0], [0, 0, 1, 0], [], []>, precision = #tpu.contract_precision<fp32>, transpose_lhs_hint = false} : vector<32x8xf32>, vector<32x8xf32>, vector<32x32xf32> -> vector<32x32xf32>
      %get3A_377 = arith.index_cast %mul3A_372 : i32 to index
      %get3A_378 = arith.constant 0 : index
      %get3A_379 = vector.load %arg5[%get3A_377, %get3A_378] : memref<8192x1xf32, #tpu.memory_space<vmem>>, vector<32x1xf32>
      %reshape3A_380 = vector.shape_cast %get3A_379 : vector<32x1xf32> to vector<1x32xf32>
      %iota3A_381 = tpu.iota {dimensions = array<i32: 1>} : vector<32x32xi32>
      %add3A_382 = vector.broadcast %mul3A_372 : i32 to vector<32x32xi32>
      %add3A_383 = arith.addi %add3A_382, %iota3A_381 : vector<32x32xi32>
      %eq3A_384 = vector.broadcast %get3A_200 : vector<32x1xf32> to vector<32x32xf32>
      %eq3A_385 = vector.broadcast %reshape3A_380 : vector<1x32xf32> to vector<32x32xf32>
      %eq3A_386 = arith.cmpf oeq, %eq3A_384, %eq3A_385 : vector<32x32xf32>
      %le3A = arith.constant 1.000000e+02 : f32
      %le3A_387 = vector.broadcast %le3A : f32 to vector<32x32xf32>
      %le3A_388 = arith.cmpf ole, %dot_general3A_376, %le3A_387 : vector<32x32xf32>
      %and3A = arith.andi %eq3A_386, %le3A_388 : vector<32x32xi1>
      %ne3A = arith.cmpi ne, %add3A_203, %add3A_383 : vector<32x32xi32>
      %and3A_389 = arith.andi %and3A, %ne3A : vector<32x32xi1>
      %jit3A = arith.constant 1.000000e+09 : f32
      %broadcast_in_dim3A_390 = vector.broadcast %jit3A : f32 to vector<32x32xf32>
      %select_n3A = arith.select %and3A_389, %dot_general3A_376, %broadcast_in_dim3A_390 : vector<32x32xi1>, vector<32x32xf32>
      %max3A_391 = arith.constant 0.000000e+00 : f32
      %max3A_392 = vector.broadcast %max3A_391 : f32 to vector<32x32xf32>
      %max3A_393 = arith.maximumf %select_n3A, %max3A_392 : vector<32x32xf32>
      %sqrt3A = math.sqrt %max3A_393 : vector<32x32xf32>
      %lt3A = arith.constant 1.000000e+08 : f32
      %lt3A_394 = vector.broadcast %lt3A : f32 to vector<32x32xf32>
      %lt3A_395 = arith.cmpf olt, %select_n3A, %lt3A_394 : vector<32x32xf32>
      %mul3A_396 = arith.constant 0.314159274 : f32
      %mul3A_397 = vector.broadcast %mul3A_396 : f32 to vector<32x32xf32>
      %mul3A_398 = arith.mulf %sqrt3A, %mul3A_397 : vector<32x32xf32>
      %cos3A = math.cos %mul3A_398 : vector<32x32xf32>
      %add3A_399 = arith.constant 1.000000e+00 : f32
      %add3A_400 = vector.broadcast %add3A_399 : f32 to vector<32x32xf32>
      %add3A_401 = arith.addf %cos3A, %add3A_400 : vector<32x32xf32>
      %mul3A_402 = arith.constant 5.000000e-01 : f32
      %mul3A_403 = vector.broadcast %mul3A_402 : f32 to vector<32x32xf32>
      %mul3A_404 = arith.mulf %mul3A_403, %add3A_401 : vector<32x32xf32>
      %jit3A_405 = arith.constant 0.000000e+00 : f32
      %broadcast_in_dim3A_406 = vector.broadcast %jit3A_405 : f32 to vector<32x32xf32>
      %select_n3A_407 = arith.select %lt3A_395, %mul3A_404, %broadcast_in_dim3A_406 : vector<32x32xi1>, vector<32x32xf32>
      %mul3A_408 = arith.constant 3.46482301 : f32
      %mul3A_409 = vector.broadcast %mul3A_408 : f32 to vector<32x32xf32>
      %mul3A_410 = arith.mulf %sqrt3A, %mul3A_409 : vector<32x32xf32>
      %reshape3A_411 = vector.shape_cast %mul3A_410 : vector<32x32xf32> to vector<32x32x1xf32>
      %sub3A = vector.broadcast %reshape3A_411 : vector<32x32x1xf32> to vector<32x32x128xf32>
      %sub3A_412 = vector.broadcast %reshape3A : vector<1x1x128xf32> to vector<32x32x128xf32>
      %sub3A_413 = arith.subf %sub3A, %sub3A_412 : vector<32x32x128xf32>
      %integer_pow3A = arith.mulf %sub3A_413, %sub3A_413 : vector<32x32x128xf32>
      %neg3A = arith.constant 0.000000e+00 : f32
      %neg3A_414 = vector.broadcast %neg3A : f32 to vector<32x32x128xf32>
      %neg3A_415 = arith.subf %neg3A_414, %integer_pow3A : vector<32x32x128xf32>
      %exp3A = math.exp %neg3A_415 : vector<32x32x128xf32>
      %convert_element_type3A_416 = arith.truncf %exp3A : vector<32x32x128xf32> to vector<32x32x128xbf16>
      %reshape3A_417 = vector.shape_cast %convert_element_type3A_416 : vector<32x32x128xbf16> to vector<1024x128xbf16>
      %dot_general3A_418 = arith.constant dense<0.000000e+00> : vector<1024x128xf32>
      %dot_general3A_419 = tpu.matmul %reshape3A_417, %get3A_4, %dot_general3A_418 {dimension_numbers = #tpu.dot_dimension_numbers<[1], [0], [0], [1], [0, 0, 1, 1], [], []>, transpose_lhs_hint = false} : vector<1024x128xbf16>, vector<128x128xbf16>, vector<1024x128xf32> -> vector<1024x128xf32>
      %add3A_420 = vector.broadcast %get3A_7 : vector<1x128xf32> to vector<1024x128xf32>
      %add3A_421 = arith.addf %dot_general3A_419, %add3A_420 : vector<1024x128xf32>
      %max3A_422 = arith.constant 0.000000e+00 : f32
      %max3A_423 = vector.broadcast %max3A_422 : f32 to vector<1024x128xf32>
      %max3A_424 = arith.maximumf %add3A_421, %max3A_423 : vector<1024x128xf32>
      %abs3A = math.absf %add3A_421 : vector<1024x128xf32>
      %neg3A_425 = arith.constant 0.000000e+00 : f32
      %neg3A_426 = vector.broadcast %neg3A_425 : f32 to vector<1024x128xf32>
      %neg3A_427 = arith.subf %neg3A_426, %abs3A : vector<1024x128xf32>
      %exp3A_428 = math.exp %neg3A_427 : vector<1024x128xf32>
      %log1p3A = math.log1p %exp3A_428 : vector<1024x128xf32>
      %add3A_429 = arith.addf %max3A_424, %log1p3A : vector<1024x128xf32>
      %convert_element_type3A_430 = arith.truncf %add3A_429 : vector<1024x128xf32> to vector<1024x128xbf16>
      %dot_general3A_431 = arith.constant dense<0.000000e+00> : vector<1024x128xf32>
      %dot_general3A_432 = tpu.matmul %convert_element_type3A_430, %get3A_10, %dot_general3A_431 {dimension_numbers = #tpu.dot_dimension_numbers<[1], [0], [0], [1], [0, 0, 1, 1], [], []>, transpose_lhs_hint = false} : vector<1024x128xbf16>, vector<128x128xbf16>, vector<1024x128xf32> -> vector<1024x128xf32>
      %add3A_433 = vector.broadcast %get3A_13 : vector<1x128xf32> to vector<1024x128xf32>
      %add3A_434 = arith.addf %dot_general3A_432, %add3A_433 : vector<1024x128xf32>
      %reshape3A_435 = vector.shape_cast %add3A_434 : vector<1024x128xf32> to vector<32x32x128xf32>
      %reshape3A_436 = vector.shape_cast %select_n3A_407 : vector<32x32xf32> to vector<32x32x1xf32>
      %mul3A_437 = vector.broadcast %reshape3A_436 : vector<32x32x1xf32> to vector<32x32x128xf32>
      %mul3A_438 = arith.mulf %reshape3A_435, %mul3A_437 : vector<32x32x128xf32>
      %get3A_439 = arith.index_cast %mul3A_372 : i32 to index
      %get3A_440 = arith.constant 0 : index
      %get3A_441 = vector.load %arg6[%get3A_439, %get3A_440] : memref<8192x128xf32, #tpu.memory_space<vmem>>, vector<32x128xf32>
      %broadcast_in_dim3A_442 = vector.shape_cast %get3A_441 : vector<32x128xf32> to vector<1x32x128xf32>
      %mul3A_443 = vector.broadcast %broadcast_in_dim3A_442 : vector<1x32x128xf32> to vector<32x32x128xf32>
      %mul3A_444 = arith.mulf %mul3A_438, %mul3A_443 : vector<32x32x128xf32>
      %gt3A = arith.cmpi sgt, %while3A_369, %add3A_192 : i32
      %convert_element_type3A_445 = arith.extui %gt3A : i1 to i32
      %cond3A_446 = arith.constant 0 : i32
      %cond3A_447 = arith.cmpi ne, %convert_element_type3A_445, %cond3A_446 : i32
      scf.if %cond3A_447 {
        %broadcast_in_dim3A_450 = vector.shape_cast %get3A_206 : vector<32x128xf32> to vector<32x1x128xf32>
        %mul3A_451 = vector.broadcast %broadcast_in_dim3A_450 : vector<32x1x128xf32> to vector<32x32x128xf32>
        %mul3A_452 = arith.mulf %mul3A_438, %mul3A_451 : vector<32x32x128xf32>
        %get3A_453 = arith.index_cast %mul3A_372 : i32 to index
        %get3A_454 = arith.constant 0 : index
        %get3A_455 = vector.load %arg12[%get3A_453, %get3A_454] : memref<8192x128xf32, #tpu.memory_space<vmem>>, vector<32x128xf32>
        %reduce_sum3A_456 = arith.constant dense<0.000000e+00> : vector<32x128xf32>
        %reduce_sum3A_457 = vector.multi_reduction <add>, %mul3A_452, %reduce_sum3A_456 [0] : vector<32x32x128xf32> to vector<32x128xf32>
        %add3A_458 = arith.addf %get3A_455, %reduce_sum3A_457 : vector<32x128xf32>
        %swap3A_459 = arith.index_cast %mul3A_372 : i32 to index
        %swap3A_460 = arith.constant 0 : index
        %swap3A_461 = vector.load %arg12[%swap3A_459, %swap3A_460] : memref<8192x128xf32, #tpu.memory_space<vmem>>, vector<32x128xf32>
        tpu.vector_store %arg12[%swap3A_459, %swap3A_460], %add3A_458 {strides = array<i32>} : memref<8192x128xf32, #tpu.memory_space<vmem>>, vector<32x128xf32>,
      } else {
      }
      %reduce_sum3A = arith.constant dense<0.000000e+00> : vector<32x128xf32>
      %reduce_sum3A_448 = vector.multi_reduction <add>, %mul3A_444, %reduce_sum3A [1] : vector<32x32x128xf32> to vector<32x128xf32>
      %add3A_449 = arith.addf %while3A_370, %reduce_sum3A_448 : vector<32x128xf32>
      scf.yield %add3A_449 : vector<32x128xf32>
    }
    %get3A_227 = arith.index_cast %mul3A_194 : i32 to index
    %get3A_228 = arith.constant 0 : index
    %get3A_229 = vector.load %arg12[%get3A_227, %get3A_228] : memref<8192x128xf32, #tpu.memory_space<vmem>>, vector<32x128xf32>
    %add3A_230 = arith.addf %get3A_229, %while3A_226 : vector<32x128xf32>
    %swap3A_231 = arith.index_cast %mul3A_194 : i32 to index
    %swap3A_232 = arith.constant 0 : index
    %swap3A_233 = vector.load %arg12[%swap3A_231, %swap3A_232] : memref<8192x128xf32, #tpu.memory_space<vmem>>, vector<32x128xf32>
    tpu.vector_store %arg12[%swap3A_231, %swap3A_232], %add3A_230 {strides = array<i32>} : memref<8192x128xf32, #tpu.memory_space<vmem>>, vector<32x128xf32>,
    %mul3A_234 = arith.constant 8 : i32
    %mul3A_235 = arith.muli %arg0, %mul3A_234 : i32
    %add3A_236 = arith.constant 5 : i32
    %add3A_237 = arith.addi %mul3A_235, %add3A_236 : i32
    %mul3A_238 = arith.constant 32 : i32
    %mul3A_239 = arith.muli %add3A_237, %mul3A_238 : i32
    %get3A_240 = arith.constant 160 : index
    %get3A_241 = arith.constant 0 : index
    %get3A_242 = vector.load %arg3[%get3A_240, %get3A_241] : memref<256x8xf32, #tpu.memory_space<vmem>>, vector<32x8xf32>
    %get3A_243 = arith.index_cast %mul3A_239 : i32 to index
    %get3A_244 = arith.constant 0 : index
    %get3A_245 = vector.load %arg5[%get3A_243, %get3A_244] : memref<8192x1xf32, #tpu.memory_space<vmem>>, vector<32x1xf32>
    %iota3A_246 = tpu.iota {dimensions = array<i32: 0>} : vector<32x32xi32>
    %add3A_247 = vector.broadcast %mul3A_239 : i32 to vector<32x32xi32>
    %add3A_248 = arith.addi %add3A_247, %iota3A_246 : vector<32x32xi32>
    %get3A_249 = arith.index_cast %mul3A_239 : i32 to index
    %get3A_250 = arith.constant 0 : index
    %get3A_251 = vector.load %arg6[%get3A_249, %get3A_250] : memref<8192x128xf32, #tpu.memory_space<vmem>>, vector<32x128xf32>
    %get3A_252 = arith.index_cast %add3A_237 : i32 to index
    %get3A_253 = memref.load %arg1[%get3A_252] : memref<256xi32, #tpu.memory_space<smem>>
    %max3A_254 = arith.maxsi %get3A_253, %add3A_237 : i32
    %get3A_255 = arith.index_cast %add3A_237 : i32 to index
    %get3A_256 = memref.load %arg1[%get3A_255] : memref<256xi32, #tpu.memory_space<smem>>
    %get3A_257 = arith.index_cast %add3A_237 : i32 to index
    %get3A_258 = memref.load %arg2[%get3A_257] : memref<256xi32, #tpu.memory_space<smem>>
    %add3A_259 = arith.addi %get3A_256, %get3A_258 : i32
    %broadcast_in_dim3A_260 = arith.constant 0.000000e+00 : f32
    %broadcast_in_dim3A_261 = vector.broadcast %broadcast_in_dim3A_260 : f32 to vector<32x128xf32>
    %while3A_262 = arith.subi %add3A_259, %max3A_254 : i32
    %while3A_263 = arith.addi %max3A_254, %while3A_262 : i32
    %while3A_264 = arith.constant 1 : i32
    %while3A_265 = arith.divsi %while3A_262, %while3A_264 : i32
    %while3A_266 = arith.muli %while3A_265, %while3A_264 : i32
    %while3A_267 = arith.addi %max3A_254, %while3A_266 : i32
    %while3A_268 = arith.constant 1 : i32
    %while3A_269 = scf.for %while3A_369 = %max3A_254 to %while3A_267 step %while3A_268 iter_args(%while3A_370 = %broadcast_in_dim3A_261) -> (vector<32x128xf32>)  : i32 {
      %mul3A_371 = arith.constant 32 : i32
      %mul3A_372 = arith.muli %while3A_369, %mul3A_371 : i32
      %get3A_373 = arith.index_cast %mul3A_372 : i32 to index
      %get3A_374 = arith.constant 0 : index
      %get3A_375 = vector.load %arg4[%get3A_373, %get3A_374] : memref<8192x8xf32, #tpu.memory_space<vmem>>, vector<32x8xf32>
      %dot_general3A = arith.constant dense<0.000000e+00> : vector<32x32xf32>
      %dot_general3A_376 = tpu.matmul %get3A_242, %get3A_375, %dot_general3A {dimension_numbers = #tpu.dot_dimension_numbers<[1], [1], [0], [0], [0, 0, 1, 0], [], []>, precision = #tpu.contract_precision<fp32>, transpose_lhs_hint = false} : vector<32x8xf32>, vector<32x8xf32>, vector<32x32xf32> -> vector<32x32xf32>
      %get3A_377 = arith.index_cast %mul3A_372 : i32 to index
      %get3A_378 = arith.constant 0 : index
      %get3A_379 = vector.load %arg5[%get3A_377, %get3A_378] : memref<8192x1xf32, #tpu.memory_space<vmem>>, vector<32x1xf32>
      %reshape3A_380 = vector.shape_cast %get3A_379 : vector<32x1xf32> to vector<1x32xf32>
      %iota3A_381 = tpu.iota {dimensions = array<i32: 1>} : vector<32x32xi32>
      %add3A_382 = vector.broadcast %mul3A_372 : i32 to vector<32x32xi32>
      %add3A_383 = arith.addi %add3A_382, %iota3A_381 : vector<32x32xi32>
      %eq3A_384 = vector.broadcast %get3A_245 : vector<32x1xf32> to vector<32x32xf32>
      %eq3A_385 = vector.broadcast %reshape3A_380 : vector<1x32xf32> to vector<32x32xf32>
      %eq3A_386 = arith.cmpf oeq, %eq3A_384, %eq3A_385 : vector<32x32xf32>
      %le3A = arith.constant 1.000000e+02 : f32
      %le3A_387 = vector.broadcast %le3A : f32 to vector<32x32xf32>
      %le3A_388 = arith.cmpf ole, %dot_general3A_376, %le3A_387 : vector<32x32xf32>
      %and3A = arith.andi %eq3A_386, %le3A_388 : vector<32x32xi1>
      %ne3A = arith.cmpi ne, %add3A_248, %add3A_383 : vector<32x32xi32>
      %and3A_389 = arith.andi %and3A, %ne3A : vector<32x32xi1>
      %jit3A = arith.constant 1.000000e+09 : f32
      %broadcast_in_dim3A_390 = vector.broadcast %jit3A : f32 to vector<32x32xf32>
      %select_n3A = arith.select %and3A_389, %dot_general3A_376, %broadcast_in_dim3A_390 : vector<32x32xi1>, vector<32x32xf32>
      %max3A_391 = arith.constant 0.000000e+00 : f32
      %max3A_392 = vector.broadcast %max3A_391 : f32 to vector<32x32xf32>
      %max3A_393 = arith.maximumf %select_n3A, %max3A_392 : vector<32x32xf32>
      %sqrt3A = math.sqrt %max3A_393 : vector<32x32xf32>
      %lt3A = arith.constant 1.000000e+08 : f32
      %lt3A_394 = vector.broadcast %lt3A : f32 to vector<32x32xf32>
      %lt3A_395 = arith.cmpf olt, %select_n3A, %lt3A_394 : vector<32x32xf32>
      %mul3A_396 = arith.constant 0.314159274 : f32
      %mul3A_397 = vector.broadcast %mul3A_396 : f32 to vector<32x32xf32>
      %mul3A_398 = arith.mulf %sqrt3A, %mul3A_397 : vector<32x32xf32>
      %cos3A = math.cos %mul3A_398 : vector<32x32xf32>
      %add3A_399 = arith.constant 1.000000e+00 : f32
      %add3A_400 = vector.broadcast %add3A_399 : f32 to vector<32x32xf32>
      %add3A_401 = arith.addf %cos3A, %add3A_400 : vector<32x32xf32>
      %mul3A_402 = arith.constant 5.000000e-01 : f32
      %mul3A_403 = vector.broadcast %mul3A_402 : f32 to vector<32x32xf32>
      %mul3A_404 = arith.mulf %mul3A_403, %add3A_401 : vector<32x32xf32>
      %jit3A_405 = arith.constant 0.000000e+00 : f32
      %broadcast_in_dim3A_406 = vector.broadcast %jit3A_405 : f32 to vector<32x32xf32>
      %select_n3A_407 = arith.select %lt3A_395, %mul3A_404, %broadcast_in_dim3A_406 : vector<32x32xi1>, vector<32x32xf32>
      %mul3A_408 = arith.constant 3.46482301 : f32
      %mul3A_409 = vector.broadcast %mul3A_408 : f32 to vector<32x32xf32>
      %mul3A_410 = arith.mulf %sqrt3A, %mul3A_409 : vector<32x32xf32>
      %reshape3A_411 = vector.shape_cast %mul3A_410 : vector<32x32xf32> to vector<32x32x1xf32>
      %sub3A = vector.broadcast %reshape3A_411 : vector<32x32x1xf32> to vector<32x32x128xf32>
      %sub3A_412 = vector.broadcast %reshape3A : vector<1x1x128xf32> to vector<32x32x128xf32>
      %sub3A_413 = arith.subf %sub3A, %sub3A_412 : vector<32x32x128xf32>
      %integer_pow3A = arith.mulf %sub3A_413, %sub3A_413 : vector<32x32x128xf32>
      %neg3A = arith.constant 0.000000e+00 : f32
      %neg3A_414 = vector.broadcast %neg3A : f32 to vector<32x32x128xf32>
      %neg3A_415 = arith.subf %neg3A_414, %integer_pow3A : vector<32x32x128xf32>
      %exp3A = math.exp %neg3A_415 : vector<32x32x128xf32>
      %convert_element_type3A_416 = arith.truncf %exp3A : vector<32x32x128xf32> to vector<32x32x128xbf16>
      %reshape3A_417 = vector.shape_cast %convert_element_type3A_416 : vector<32x32x128xbf16> to vector<1024x128xbf16>
      %dot_general3A_418 = arith.constant dense<0.000000e+00> : vector<1024x128xf32>
      %dot_general3A_419 = tpu.matmul %reshape3A_417, %get3A_4, %dot_general3A_418 {dimension_numbers = #tpu.dot_dimension_numbers<[1], [0], [0], [1], [0, 0, 1, 1], [], []>, transpose_lhs_hint = false} : vector<1024x128xbf16>, vector<128x128xbf16>, vector<1024x128xf32> -> vector<1024x128xf32>
      %add3A_420 = vector.broadcast %get3A_7 : vector<1x128xf32> to vector<1024x128xf32>
      %add3A_421 = arith.addf %dot_general3A_419, %add3A_420 : vector<1024x128xf32>
      %max3A_422 = arith.constant 0.000000e+00 : f32
      %max3A_423 = vector.broadcast %max3A_422 : f32 to vector<1024x128xf32>
      %max3A_424 = arith.maximumf %add3A_421, %max3A_423 : vector<1024x128xf32>
      %abs3A = math.absf %add3A_421 : vector<1024x128xf32>
      %neg3A_425 = arith.constant 0.000000e+00 : f32
      %neg3A_426 = vector.broadcast %neg3A_425 : f32 to vector<1024x128xf32>
      %neg3A_427 = arith.subf %neg3A_426, %abs3A : vector<1024x128xf32>
      %exp3A_428 = math.exp %neg3A_427 : vector<1024x128xf32>
      %log1p3A = math.log1p %exp3A_428 : vector<1024x128xf32>
      %add3A_429 = arith.addf %max3A_424, %log1p3A : vector<1024x128xf32>
      %convert_element_type3A_430 = arith.truncf %add3A_429 : vector<1024x128xf32> to vector<1024x128xbf16>
      %dot_general3A_431 = arith.constant dense<0.000000e+00> : vector<1024x128xf32>
      %dot_general3A_432 = tpu.matmul %convert_element_type3A_430, %get3A_10, %dot_general3A_431 {dimension_numbers = #tpu.dot_dimension_numbers<[1], [0], [0], [1], [0, 0, 1, 1], [], []>, transpose_lhs_hint = false} : vector<1024x128xbf16>, vector<128x128xbf16>, vector<1024x128xf32> -> vector<1024x128xf32>
      %add3A_433 = vector.broadcast %get3A_13 : vector<1x128xf32> to vector<1024x128xf32>
      %add3A_434 = arith.addf %dot_general3A_432, %add3A_433 : vector<1024x128xf32>
      %reshape3A_435 = vector.shape_cast %add3A_434 : vector<1024x128xf32> to vector<32x32x128xf32>
      %reshape3A_436 = vector.shape_cast %select_n3A_407 : vector<32x32xf32> to vector<32x32x1xf32>
      %mul3A_437 = vector.broadcast %reshape3A_436 : vector<32x32x1xf32> to vector<32x32x128xf32>
      %mul3A_438 = arith.mulf %reshape3A_435, %mul3A_437 : vector<32x32x128xf32>
      %get3A_439 = arith.index_cast %mul3A_372 : i32 to index
      %get3A_440 = arith.constant 0 : index
      %get3A_441 = vector.load %arg6[%get3A_439, %get3A_440] : memref<8192x128xf32, #tpu.memory_space<vmem>>, vector<32x128xf32>
      %broadcast_in_dim3A_442 = vector.shape_cast %get3A_441 : vector<32x128xf32> to vector<1x32x128xf32>
      %mul3A_443 = vector.broadcast %broadcast_in_dim3A_442 : vector<1x32x128xf32> to vector<32x32x128xf32>
      %mul3A_444 = arith.mulf %mul3A_438, %mul3A_443 : vector<32x32x128xf32>
      %gt3A = arith.cmpi sgt, %while3A_369, %add3A_237 : i32
      %convert_element_type3A_445 = arith.extui %gt3A : i1 to i32
      %cond3A_446 = arith.constant 0 : i32
      %cond3A_447 = arith.cmpi ne, %convert_element_type3A_445, %cond3A_446 : i32
      scf.if %cond3A_447 {
        %broadcast_in_dim3A_450 = vector.shape_cast %get3A_251 : vector<32x128xf32> to vector<32x1x128xf32>
        %mul3A_451 = vector.broadcast %broadcast_in_dim3A_450 : vector<32x1x128xf32> to vector<32x32x128xf32>
        %mul3A_452 = arith.mulf %mul3A_438, %mul3A_451 : vector<32x32x128xf32>
        %get3A_453 = arith.index_cast %mul3A_372 : i32 to index
        %get3A_454 = arith.constant 0 : index
        %get3A_455 = vector.load %arg12[%get3A_453, %get3A_454] : memref<8192x128xf32, #tpu.memory_space<vmem>>, vector<32x128xf32>
        %reduce_sum3A_456 = arith.constant dense<0.000000e+00> : vector<32x128xf32>
        %reduce_sum3A_457 = vector.multi_reduction <add>, %mul3A_452, %reduce_sum3A_456 [0] : vector<32x32x128xf32> to vector<32x128xf32>
        %add3A_458 = arith.addf %get3A_455, %reduce_sum3A_457 : vector<32x128xf32>
        %swap3A_459 = arith.index_cast %mul3A_372 : i32 to index
        %swap3A_460 = arith.constant 0 : index
        %swap3A_461 = vector.load %arg12[%swap3A_459, %swap3A_460] : memref<8192x128xf32, #tpu.memory_space<vmem>>, vector<32x128xf32>
        tpu.vector_store %arg12[%swap3A_459, %swap3A_460], %add3A_458 {strides = array<i32>} : memref<8192x128xf32, #tpu.memory_space<vmem>>, vector<32x128xf32>,
      } else {
      }
      %reduce_sum3A = arith.constant dense<0.000000e+00> : vector<32x128xf32>
      %reduce_sum3A_448 = vector.multi_reduction <add>, %mul3A_444, %reduce_sum3A [1] : vector<32x32x128xf32> to vector<32x128xf32>
      %add3A_449 = arith.addf %while3A_370, %reduce_sum3A_448 : vector<32x128xf32>
      scf.yield %add3A_449 : vector<32x128xf32>
    }
    %while3A_270 = arith.constant 1 : i32
    %while3A_271 = scf.for %while3A_369 = %while3A_267 to %while3A_263 step %while3A_270 iter_args(%while3A_370 = %while3A_269) -> (vector<32x128xf32>)  : i32 {
      %mul3A_371 = arith.constant 32 : i32
      %mul3A_372 = arith.muli %while3A_369, %mul3A_371 : i32
      %get3A_373 = arith.index_cast %mul3A_372 : i32 to index
      %get3A_374 = arith.constant 0 : index
      %get3A_375 = vector.load %arg4[%get3A_373, %get3A_374] : memref<8192x8xf32, #tpu.memory_space<vmem>>, vector<32x8xf32>
      %dot_general3A = arith.constant dense<0.000000e+00> : vector<32x32xf32>
      %dot_general3A_376 = tpu.matmul %get3A_242, %get3A_375, %dot_general3A {dimension_numbers = #tpu.dot_dimension_numbers<[1], [1], [0], [0], [0, 0, 1, 0], [], []>, precision = #tpu.contract_precision<fp32>, transpose_lhs_hint = false} : vector<32x8xf32>, vector<32x8xf32>, vector<32x32xf32> -> vector<32x32xf32>
      %get3A_377 = arith.index_cast %mul3A_372 : i32 to index
      %get3A_378 = arith.constant 0 : index
      %get3A_379 = vector.load %arg5[%get3A_377, %get3A_378] : memref<8192x1xf32, #tpu.memory_space<vmem>>, vector<32x1xf32>
      %reshape3A_380 = vector.shape_cast %get3A_379 : vector<32x1xf32> to vector<1x32xf32>
      %iota3A_381 = tpu.iota {dimensions = array<i32: 1>} : vector<32x32xi32>
      %add3A_382 = vector.broadcast %mul3A_372 : i32 to vector<32x32xi32>
      %add3A_383 = arith.addi %add3A_382, %iota3A_381 : vector<32x32xi32>
      %eq3A_384 = vector.broadcast %get3A_245 : vector<32x1xf32> to vector<32x32xf32>
      %eq3A_385 = vector.broadcast %reshape3A_380 : vector<1x32xf32> to vector<32x32xf32>
      %eq3A_386 = arith.cmpf oeq, %eq3A_384, %eq3A_385 : vector<32x32xf32>
      %le3A = arith.constant 1.000000e+02 : f32
      %le3A_387 = vector.broadcast %le3A : f32 to vector<32x32xf32>
      %le3A_388 = arith.cmpf ole, %dot_general3A_376, %le3A_387 : vector<32x32xf32>
      %and3A = arith.andi %eq3A_386, %le3A_388 : vector<32x32xi1>
      %ne3A = arith.cmpi ne, %add3A_248, %add3A_383 : vector<32x32xi32>
      %and3A_389 = arith.andi %and3A, %ne3A : vector<32x32xi1>
      %jit3A = arith.constant 1.000000e+09 : f32
      %broadcast_in_dim3A_390 = vector.broadcast %jit3A : f32 to vector<32x32xf32>
      %select_n3A = arith.select %and3A_389, %dot_general3A_376, %broadcast_in_dim3A_390 : vector<32x32xi1>, vector<32x32xf32>
      %max3A_391 = arith.constant 0.000000e+00 : f32
      %max3A_392 = vector.broadcast %max3A_391 : f32 to vector<32x32xf32>
      %max3A_393 = arith.maximumf %select_n3A, %max3A_392 : vector<32x32xf32>
      %sqrt3A = math.sqrt %max3A_393 : vector<32x32xf32>
      %lt3A = arith.constant 1.000000e+08 : f32
      %lt3A_394 = vector.broadcast %lt3A : f32 to vector<32x32xf32>
      %lt3A_395 = arith.cmpf olt, %select_n3A, %lt3A_394 : vector<32x32xf32>
      %mul3A_396 = arith.constant 0.314159274 : f32
      %mul3A_397 = vector.broadcast %mul3A_396 : f32 to vector<32x32xf32>
      %mul3A_398 = arith.mulf %sqrt3A, %mul3A_397 : vector<32x32xf32>
      %cos3A = math.cos %mul3A_398 : vector<32x32xf32>
      %add3A_399 = arith.constant 1.000000e+00 : f32
      %add3A_400 = vector.broadcast %add3A_399 : f32 to vector<32x32xf32>
      %add3A_401 = arith.addf %cos3A, %add3A_400 : vector<32x32xf32>
      %mul3A_402 = arith.constant 5.000000e-01 : f32
      %mul3A_403 = vector.broadcast %mul3A_402 : f32 to vector<32x32xf32>
      %mul3A_404 = arith.mulf %mul3A_403, %add3A_401 : vector<32x32xf32>
      %jit3A_405 = arith.constant 0.000000e+00 : f32
      %broadcast_in_dim3A_406 = vector.broadcast %jit3A_405 : f32 to vector<32x32xf32>
      %select_n3A_407 = arith.select %lt3A_395, %mul3A_404, %broadcast_in_dim3A_406 : vector<32x32xi1>, vector<32x32xf32>
      %mul3A_408 = arith.constant 3.46482301 : f32
      %mul3A_409 = vector.broadcast %mul3A_408 : f32 to vector<32x32xf32>
      %mul3A_410 = arith.mulf %sqrt3A, %mul3A_409 : vector<32x32xf32>
      %reshape3A_411 = vector.shape_cast %mul3A_410 : vector<32x32xf32> to vector<32x32x1xf32>
      %sub3A = vector.broadcast %reshape3A_411 : vector<32x32x1xf32> to vector<32x32x128xf32>
      %sub3A_412 = vector.broadcast %reshape3A : vector<1x1x128xf32> to vector<32x32x128xf32>
      %sub3A_413 = arith.subf %sub3A, %sub3A_412 : vector<32x32x128xf32>
      %integer_pow3A = arith.mulf %sub3A_413, %sub3A_413 : vector<32x32x128xf32>
      %neg3A = arith.constant 0.000000e+00 : f32
      %neg3A_414 = vector.broadcast %neg3A : f32 to vector<32x32x128xf32>
      %neg3A_415 = arith.subf %neg3A_414, %integer_pow3A : vector<32x32x128xf32>
      %exp3A = math.exp %neg3A_415 : vector<32x32x128xf32>
      %convert_element_type3A_416 = arith.truncf %exp3A : vector<32x32x128xf32> to vector<32x32x128xbf16>
      %reshape3A_417 = vector.shape_cast %convert_element_type3A_416 : vector<32x32x128xbf16> to vector<1024x128xbf16>
      %dot_general3A_418 = arith.constant dense<0.000000e+00> : vector<1024x128xf32>
      %dot_general3A_419 = tpu.matmul %reshape3A_417, %get3A_4, %dot_general3A_418 {dimension_numbers = #tpu.dot_dimension_numbers<[1], [0], [0], [1], [0, 0, 1, 1], [], []>, transpose_lhs_hint = false} : vector<1024x128xbf16>, vector<128x128xbf16>, vector<1024x128xf32> -> vector<1024x128xf32>
      %add3A_420 = vector.broadcast %get3A_7 : vector<1x128xf32> to vector<1024x128xf32>
      %add3A_421 = arith.addf %dot_general3A_419, %add3A_420 : vector<1024x128xf32>
      %max3A_422 = arith.constant 0.000000e+00 : f32
      %max3A_423 = vector.broadcast %max3A_422 : f32 to vector<1024x128xf32>
      %max3A_424 = arith.maximumf %add3A_421, %max3A_423 : vector<1024x128xf32>
      %abs3A = math.absf %add3A_421 : vector<1024x128xf32>
      %neg3A_425 = arith.constant 0.000000e+00 : f32
      %neg3A_426 = vector.broadcast %neg3A_425 : f32 to vector<1024x128xf32>
      %neg3A_427 = arith.subf %neg3A_426, %abs3A : vector<1024x128xf32>
      %exp3A_428 = math.exp %neg3A_427 : vector<1024x128xf32>
      %log1p3A = math.log1p %exp3A_428 : vector<1024x128xf32>
      %add3A_429 = arith.addf %max3A_424, %log1p3A : vector<1024x128xf32>
      %convert_element_type3A_430 = arith.truncf %add3A_429 : vector<1024x128xf32> to vector<1024x128xbf16>
      %dot_general3A_431 = arith.constant dense<0.000000e+00> : vector<1024x128xf32>
      %dot_general3A_432 = tpu.matmul %convert_element_type3A_430, %get3A_10, %dot_general3A_431 {dimension_numbers = #tpu.dot_dimension_numbers<[1], [0], [0], [1], [0, 0, 1, 1], [], []>, transpose_lhs_hint = false} : vector<1024x128xbf16>, vector<128x128xbf16>, vector<1024x128xf32> -> vector<1024x128xf32>
      %add3A_433 = vector.broadcast %get3A_13 : vector<1x128xf32> to vector<1024x128xf32>
      %add3A_434 = arith.addf %dot_general3A_432, %add3A_433 : vector<1024x128xf32>
      %reshape3A_435 = vector.shape_cast %add3A_434 : vector<1024x128xf32> to vector<32x32x128xf32>
      %reshape3A_436 = vector.shape_cast %select_n3A_407 : vector<32x32xf32> to vector<32x32x1xf32>
      %mul3A_437 = vector.broadcast %reshape3A_436 : vector<32x32x1xf32> to vector<32x32x128xf32>
      %mul3A_438 = arith.mulf %reshape3A_435, %mul3A_437 : vector<32x32x128xf32>
      %get3A_439 = arith.index_cast %mul3A_372 : i32 to index
      %get3A_440 = arith.constant 0 : index
      %get3A_441 = vector.load %arg6[%get3A_439, %get3A_440] : memref<8192x128xf32, #tpu.memory_space<vmem>>, vector<32x128xf32>
      %broadcast_in_dim3A_442 = vector.shape_cast %get3A_441 : vector<32x128xf32> to vector<1x32x128xf32>
      %mul3A_443 = vector.broadcast %broadcast_in_dim3A_442 : vector<1x32x128xf32> to vector<32x32x128xf32>
      %mul3A_444 = arith.mulf %mul3A_438, %mul3A_443 : vector<32x32x128xf32>
      %gt3A = arith.cmpi sgt, %while3A_369, %add3A_237 : i32
      %convert_element_type3A_445 = arith.extui %gt3A : i1 to i32
      %cond3A_446 = arith.constant 0 : i32
      %cond3A_447 = arith.cmpi ne, %convert_element_type3A_445, %cond3A_446 : i32
      scf.if %cond3A_447 {
        %broadcast_in_dim3A_450 = vector.shape_cast %get3A_251 : vector<32x128xf32> to vector<32x1x128xf32>
        %mul3A_451 = vector.broadcast %broadcast_in_dim3A_450 : vector<32x1x128xf32> to vector<32x32x128xf32>
        %mul3A_452 = arith.mulf %mul3A_438, %mul3A_451 : vector<32x32x128xf32>
        %get3A_453 = arith.index_cast %mul3A_372 : i32 to index
        %get3A_454 = arith.constant 0 : index
        %get3A_455 = vector.load %arg12[%get3A_453, %get3A_454] : memref<8192x128xf32, #tpu.memory_space<vmem>>, vector<32x128xf32>
        %reduce_sum3A_456 = arith.constant dense<0.000000e+00> : vector<32x128xf32>
        %reduce_sum3A_457 = vector.multi_reduction <add>, %mul3A_452, %reduce_sum3A_456 [0] : vector<32x32x128xf32> to vector<32x128xf32>
        %add3A_458 = arith.addf %get3A_455, %reduce_sum3A_457 : vector<32x128xf32>
        %swap3A_459 = arith.index_cast %mul3A_372 : i32 to index
        %swap3A_460 = arith.constant 0 : index
        %swap3A_461 = vector.load %arg12[%swap3A_459, %swap3A_460] : memref<8192x128xf32, #tpu.memory_space<vmem>>, vector<32x128xf32>
        tpu.vector_store %arg12[%swap3A_459, %swap3A_460], %add3A_458 {strides = array<i32>} : memref<8192x128xf32, #tpu.memory_space<vmem>>, vector<32x128xf32>,
      } else {
      }
      %reduce_sum3A = arith.constant dense<0.000000e+00> : vector<32x128xf32>
      %reduce_sum3A_448 = vector.multi_reduction <add>, %mul3A_444, %reduce_sum3A [1] : vector<32x32x128xf32> to vector<32x128xf32>
      %add3A_449 = arith.addf %while3A_370, %reduce_sum3A_448 : vector<32x128xf32>
      scf.yield %add3A_449 : vector<32x128xf32>
    }
    %get3A_272 = arith.index_cast %mul3A_239 : i32 to index
    %get3A_273 = arith.constant 0 : index
    %get3A_274 = vector.load %arg12[%get3A_272, %get3A_273] : memref<8192x128xf32, #tpu.memory_space<vmem>>, vector<32x128xf32>
    %add3A_275 = arith.addf %get3A_274, %while3A_271 : vector<32x128xf32>
    %swap3A_276 = arith.index_cast %mul3A_239 : i32 to index
    %swap3A_277 = arith.constant 0 : index
    %swap3A_278 = vector.load %arg12[%swap3A_276, %swap3A_277] : memref<8192x128xf32, #tpu.memory_space<vmem>>, vector<32x128xf32>
    tpu.vector_store %arg12[%swap3A_276, %swap3A_277], %add3A_275 {strides = array<i32>} : memref<8192x128xf32, #tpu.memory_space<vmem>>, vector<32x128xf32>,
    %mul3A_279 = arith.constant 8 : i32
    %mul3A_280 = arith.muli %arg0, %mul3A_279 : i32
    %add3A_281 = arith.constant 6 : i32
    %add3A_282 = arith.addi %mul3A_280, %add3A_281 : i32
    %mul3A_283 = arith.constant 32 : i32
    %mul3A_284 = arith.muli %add3A_282, %mul3A_283 : i32
    %get3A_285 = arith.constant 192 : index
    %get3A_286 = arith.constant 0 : index
    %get3A_287 = vector.load %arg3[%get3A_285, %get3A_286] : memref<256x8xf32, #tpu.memory_space<vmem>>, vector<32x8xf32>
    %get3A_288 = arith.index_cast %mul3A_284 : i32 to index
    %get3A_289 = arith.constant 0 : index
    %get3A_290 = vector.load %arg5[%get3A_288, %get3A_289] : memref<8192x1xf32, #tpu.memory_space<vmem>>, vector<32x1xf32>
    %iota3A_291 = tpu.iota {dimensions = array<i32: 0>} : vector<32x32xi32>
    %add3A_292 = vector.broadcast %mul3A_284 : i32 to vector<32x32xi32>
    %add3A_293 = arith.addi %add3A_292, %iota3A_291 : vector<32x32xi32>
    %get3A_294 = arith.index_cast %mul3A_284 : i32 to index
    %get3A_295 = arith.constant 0 : index
    %get3A_296 = vector.load %arg6[%get3A_294, %get3A_295] : memref<8192x128xf32, #tpu.memory_space<vmem>>, vector<32x128xf32>
    %get3A_297 = arith.index_cast %add3A_282 : i32 to index
    %get3A_298 = memref.load %arg1[%get3A_297] : memref<256xi32, #tpu.memory_space<smem>>
    %max3A_299 = arith.maxsi %get3A_298, %add3A_282 : i32
    %get3A_300 = arith.index_cast %add3A_282 : i32 to index
    %get3A_301 = memref.load %arg1[%get3A_300] : memref<256xi32, #tpu.memory_space<smem>>
    %get3A_302 = arith.index_cast %add3A_282 : i32 to index
    %get3A_303 = memref.load %arg2[%get3A_302] : memref<256xi32, #tpu.memory_space<smem>>
    %add3A_304 = arith.addi %get3A_301, %get3A_303 : i32
    %broadcast_in_dim3A_305 = arith.constant 0.000000e+00 : f32
    %broadcast_in_dim3A_306 = vector.broadcast %broadcast_in_dim3A_305 : f32 to vector<32x128xf32>
    %while3A_307 = arith.subi %add3A_304, %max3A_299 : i32
    %while3A_308 = arith.addi %max3A_299, %while3A_307 : i32
    %while3A_309 = arith.constant 1 : i32
    %while3A_310 = arith.divsi %while3A_307, %while3A_309 : i32
    %while3A_311 = arith.muli %while3A_310, %while3A_309 : i32
    %while3A_312 = arith.addi %max3A_299, %while3A_311 : i32
    %while3A_313 = arith.constant 1 : i32
    %while3A_314 = scf.for %while3A_369 = %max3A_299 to %while3A_312 step %while3A_313 iter_args(%while3A_370 = %broadcast_in_dim3A_306) -> (vector<32x128xf32>)  : i32 {
      %mul3A_371 = arith.constant 32 : i32
      %mul3A_372 = arith.muli %while3A_369, %mul3A_371 : i32
      %get3A_373 = arith.index_cast %mul3A_372 : i32 to index
      %get3A_374 = arith.constant 0 : index
      %get3A_375 = vector.load %arg4[%get3A_373, %get3A_374] : memref<8192x8xf32, #tpu.memory_space<vmem>>, vector<32x8xf32>
      %dot_general3A = arith.constant dense<0.000000e+00> : vector<32x32xf32>
      %dot_general3A_376 = tpu.matmul %get3A_287, %get3A_375, %dot_general3A {dimension_numbers = #tpu.dot_dimension_numbers<[1], [1], [0], [0], [0, 0, 1, 0], [], []>, precision = #tpu.contract_precision<fp32>, transpose_lhs_hint = false} : vector<32x8xf32>, vector<32x8xf32>, vector<32x32xf32> -> vector<32x32xf32>
      %get3A_377 = arith.index_cast %mul3A_372 : i32 to index
      %get3A_378 = arith.constant 0 : index
      %get3A_379 = vector.load %arg5[%get3A_377, %get3A_378] : memref<8192x1xf32, #tpu.memory_space<vmem>>, vector<32x1xf32>
      %reshape3A_380 = vector.shape_cast %get3A_379 : vector<32x1xf32> to vector<1x32xf32>
      %iota3A_381 = tpu.iota {dimensions = array<i32: 1>} : vector<32x32xi32>
      %add3A_382 = vector.broadcast %mul3A_372 : i32 to vector<32x32xi32>
      %add3A_383 = arith.addi %add3A_382, %iota3A_381 : vector<32x32xi32>
      %eq3A_384 = vector.broadcast %get3A_290 : vector<32x1xf32> to vector<32x32xf32>
      %eq3A_385 = vector.broadcast %reshape3A_380 : vector<1x32xf32> to vector<32x32xf32>
      %eq3A_386 = arith.cmpf oeq, %eq3A_384, %eq3A_385 : vector<32x32xf32>
      %le3A = arith.constant 1.000000e+02 : f32
      %le3A_387 = vector.broadcast %le3A : f32 to vector<32x32xf32>
      %le3A_388 = arith.cmpf ole, %dot_general3A_376, %le3A_387 : vector<32x32xf32>
      %and3A = arith.andi %eq3A_386, %le3A_388 : vector<32x32xi1>
      %ne3A = arith.cmpi ne, %add3A_293, %add3A_383 : vector<32x32xi32>
      %and3A_389 = arith.andi %and3A, %ne3A : vector<32x32xi1>
      %jit3A = arith.constant 1.000000e+09 : f32
      %broadcast_in_dim3A_390 = vector.broadcast %jit3A : f32 to vector<32x32xf32>
      %select_n3A = arith.select %and3A_389, %dot_general3A_376, %broadcast_in_dim3A_390 : vector<32x32xi1>, vector<32x32xf32>
      %max3A_391 = arith.constant 0.000000e+00 : f32
      %max3A_392 = vector.broadcast %max3A_391 : f32 to vector<32x32xf32>
      %max3A_393 = arith.maximumf %select_n3A, %max3A_392 : vector<32x32xf32>
      %sqrt3A = math.sqrt %max3A_393 : vector<32x32xf32>
      %lt3A = arith.constant 1.000000e+08 : f32
      %lt3A_394 = vector.broadcast %lt3A : f32 to vector<32x32xf32>
      %lt3A_395 = arith.cmpf olt, %select_n3A, %lt3A_394 : vector<32x32xf32>
      %mul3A_396 = arith.constant 0.314159274 : f32
      %mul3A_397 = vector.broadcast %mul3A_396 : f32 to vector<32x32xf32>
      %mul3A_398 = arith.mulf %sqrt3A, %mul3A_397 : vector<32x32xf32>
      %cos3A = math.cos %mul3A_398 : vector<32x32xf32>
      %add3A_399 = arith.constant 1.000000e+00 : f32
      %add3A_400 = vector.broadcast %add3A_399 : f32 to vector<32x32xf32>
      %add3A_401 = arith.addf %cos3A, %add3A_400 : vector<32x32xf32>
      %mul3A_402 = arith.constant 5.000000e-01 : f32
      %mul3A_403 = vector.broadcast %mul3A_402 : f32 to vector<32x32xf32>
      %mul3A_404 = arith.mulf %mul3A_403, %add3A_401 : vector<32x32xf32>
      %jit3A_405 = arith.constant 0.000000e+00 : f32
      %broadcast_in_dim3A_406 = vector.broadcast %jit3A_405 : f32 to vector<32x32xf32>
      %select_n3A_407 = arith.select %lt3A_395, %mul3A_404, %broadcast_in_dim3A_406 : vector<32x32xi1>, vector<32x32xf32>
      %mul3A_408 = arith.constant 3.46482301 : f32
      %mul3A_409 = vector.broadcast %mul3A_408 : f32 to vector<32x32xf32>
      %mul3A_410 = arith.mulf %sqrt3A, %mul3A_409 : vector<32x32xf32>
      %reshape3A_411 = vector.shape_cast %mul3A_410 : vector<32x32xf32> to vector<32x32x1xf32>
      %sub3A = vector.broadcast %reshape3A_411 : vector<32x32x1xf32> to vector<32x32x128xf32>
      %sub3A_412 = vector.broadcast %reshape3A : vector<1x1x128xf32> to vector<32x32x128xf32>
      %sub3A_413 = arith.subf %sub3A, %sub3A_412 : vector<32x32x128xf32>
      %integer_pow3A = arith.mulf %sub3A_413, %sub3A_413 : vector<32x32x128xf32>
      %neg3A = arith.constant 0.000000e+00 : f32
      %neg3A_414 = vector.broadcast %neg3A : f32 to vector<32x32x128xf32>
      %neg3A_415 = arith.subf %neg3A_414, %integer_pow3A : vector<32x32x128xf32>
      %exp3A = math.exp %neg3A_415 : vector<32x32x128xf32>
      %convert_element_type3A_416 = arith.truncf %exp3A : vector<32x32x128xf32> to vector<32x32x128xbf16>
      %reshape3A_417 = vector.shape_cast %convert_element_type3A_416 : vector<32x32x128xbf16> to vector<1024x128xbf16>
      %dot_general3A_418 = arith.constant dense<0.000000e+00> : vector<1024x128xf32>
      %dot_general3A_419 = tpu.matmul %reshape3A_417, %get3A_4, %dot_general3A_418 {dimension_numbers = #tpu.dot_dimension_numbers<[1], [0], [0], [1], [0, 0, 1, 1], [], []>, transpose_lhs_hint = false} : vector<1024x128xbf16>, vector<128x128xbf16>, vector<1024x128xf32> -> vector<1024x128xf32>
      %add3A_420 = vector.broadcast %get3A_7 : vector<1x128xf32> to vector<1024x128xf32>
      %add3A_421 = arith.addf %dot_general3A_419, %add3A_420 : vector<1024x128xf32>
      %max3A_422 = arith.constant 0.000000e+00 : f32
      %max3A_423 = vector.broadcast %max3A_422 : f32 to vector<1024x128xf32>
      %max3A_424 = arith.maximumf %add3A_421, %max3A_423 : vector<1024x128xf32>
      %abs3A = math.absf %add3A_421 : vector<1024x128xf32>
      %neg3A_425 = arith.constant 0.000000e+00 : f32
      %neg3A_426 = vector.broadcast %neg3A_425 : f32 to vector<1024x128xf32>
      %neg3A_427 = arith.subf %neg3A_426, %abs3A : vector<1024x128xf32>
      %exp3A_428 = math.exp %neg3A_427 : vector<1024x128xf32>
      %log1p3A = math.log1p %exp3A_428 : vector<1024x128xf32>
      %add3A_429 = arith.addf %max3A_424, %log1p3A : vector<1024x128xf32>
      %convert_element_type3A_430 = arith.truncf %add3A_429 : vector<1024x128xf32> to vector<1024x128xbf16>
      %dot_general3A_431 = arith.constant dense<0.000000e+00> : vector<1024x128xf32>
      %dot_general3A_432 = tpu.matmul %convert_element_type3A_430, %get3A_10, %dot_general3A_431 {dimension_numbers = #tpu.dot_dimension_numbers<[1], [0], [0], [1], [0, 0, 1, 1], [], []>, transpose_lhs_hint = false} : vector<1024x128xbf16>, vector<128x128xbf16>, vector<1024x128xf32> -> vector<1024x128xf32>
      %add3A_433 = vector.broadcast %get3A_13 : vector<1x128xf32> to vector<1024x128xf32>
      %add3A_434 = arith.addf %dot_general3A_432, %add3A_433 : vector<1024x128xf32>
      %reshape3A_435 = vector.shape_cast %add3A_434 : vector<1024x128xf32> to vector<32x32x128xf32>
      %reshape3A_436 = vector.shape_cast %select_n3A_407 : vector<32x32xf32> to vector<32x32x1xf32>
      %mul3A_437 = vector.broadcast %reshape3A_436 : vector<32x32x1xf32> to vector<32x32x128xf32>
      %mul3A_438 = arith.mulf %reshape3A_435, %mul3A_437 : vector<32x32x128xf32>
      %get3A_439 = arith.index_cast %mul3A_372 : i32 to index
      %get3A_440 = arith.constant 0 : index
      %get3A_441 = vector.load %arg6[%get3A_439, %get3A_440] : memref<8192x128xf32, #tpu.memory_space<vmem>>, vector<32x128xf32>
      %broadcast_in_dim3A_442 = vector.shape_cast %get3A_441 : vector<32x128xf32> to vector<1x32x128xf32>
      %mul3A_443 = vector.broadcast %broadcast_in_dim3A_442 : vector<1x32x128xf32> to vector<32x32x128xf32>
      %mul3A_444 = arith.mulf %mul3A_438, %mul3A_443 : vector<32x32x128xf32>
      %gt3A = arith.cmpi sgt, %while3A_369, %add3A_282 : i32
      %convert_element_type3A_445 = arith.extui %gt3A : i1 to i32
      %cond3A_446 = arith.constant 0 : i32
      %cond3A_447 = arith.cmpi ne, %convert_element_type3A_445, %cond3A_446 : i32
      scf.if %cond3A_447 {
        %broadcast_in_dim3A_450 = vector.shape_cast %get3A_296 : vector<32x128xf32> to vector<32x1x128xf32>
        %mul3A_451 = vector.broadcast %broadcast_in_dim3A_450 : vector<32x1x128xf32> to vector<32x32x128xf32>
        %mul3A_452 = arith.mulf %mul3A_438, %mul3A_451 : vector<32x32x128xf32>
        %get3A_453 = arith.index_cast %mul3A_372 : i32 to index
        %get3A_454 = arith.constant 0 : index
        %get3A_455 = vector.load %arg12[%get3A_453, %get3A_454] : memref<8192x128xf32, #tpu.memory_space<vmem>>, vector<32x128xf32>
        %reduce_sum3A_456 = arith.constant dense<0.000000e+00> : vector<32x128xf32>
        %reduce_sum3A_457 = vector.multi_reduction <add>, %mul3A_452, %reduce_sum3A_456 [0] : vector<32x32x128xf32> to vector<32x128xf32>
        %add3A_458 = arith.addf %get3A_455, %reduce_sum3A_457 : vector<32x128xf32>
        %swap3A_459 = arith.index_cast %mul3A_372 : i32 to index
        %swap3A_460 = arith.constant 0 : index
        %swap3A_461 = vector.load %arg12[%swap3A_459, %swap3A_460] : memref<8192x128xf32, #tpu.memory_space<vmem>>, vector<32x128xf32>
        tpu.vector_store %arg12[%swap3A_459, %swap3A_460], %add3A_458 {strides = array<i32>} : memref<8192x128xf32, #tpu.memory_space<vmem>>, vector<32x128xf32>,
      } else {
      }
      %reduce_sum3A = arith.constant dense<0.000000e+00> : vector<32x128xf32>
      %reduce_sum3A_448 = vector.multi_reduction <add>, %mul3A_444, %reduce_sum3A [1] : vector<32x32x128xf32> to vector<32x128xf32>
      %add3A_449 = arith.addf %while3A_370, %reduce_sum3A_448 : vector<32x128xf32>
      scf.yield %add3A_449 : vector<32x128xf32>
    }
    %while3A_315 = arith.constant 1 : i32
    %while3A_316 = scf.for %while3A_369 = %while3A_312 to %while3A_308 step %while3A_315 iter_args(%while3A_370 = %while3A_314) -> (vector<32x128xf32>)  : i32 {
      %mul3A_371 = arith.constant 32 : i32
      %mul3A_372 = arith.muli %while3A_369, %mul3A_371 : i32
      %get3A_373 = arith.index_cast %mul3A_372 : i32 to index
      %get3A_374 = arith.constant 0 : index
      %get3A_375 = vector.load %arg4[%get3A_373, %get3A_374] : memref<8192x8xf32, #tpu.memory_space<vmem>>, vector<32x8xf32>
      %dot_general3A = arith.constant dense<0.000000e+00> : vector<32x32xf32>
      %dot_general3A_376 = tpu.matmul %get3A_287, %get3A_375, %dot_general3A {dimension_numbers = #tpu.dot_dimension_numbers<[1], [1], [0], [0], [0, 0, 1, 0], [], []>, precision = #tpu.contract_precision<fp32>, transpose_lhs_hint = false} : vector<32x8xf32>, vector<32x8xf32>, vector<32x32xf32> -> vector<32x32xf32>
      %get3A_377 = arith.index_cast %mul3A_372 : i32 to index
      %get3A_378 = arith.constant 0 : index
      %get3A_379 = vector.load %arg5[%get3A_377, %get3A_378] : memref<8192x1xf32, #tpu.memory_space<vmem>>, vector<32x1xf32>
      %reshape3A_380 = vector.shape_cast %get3A_379 : vector<32x1xf32> to vector<1x32xf32>
      %iota3A_381 = tpu.iota {dimensions = array<i32: 1>} : vector<32x32xi32>
      %add3A_382 = vector.broadcast %mul3A_372 : i32 to vector<32x32xi32>
      %add3A_383 = arith.addi %add3A_382, %iota3A_381 : vector<32x32xi32>
      %eq3A_384 = vector.broadcast %get3A_290 : vector<32x1xf32> to vector<32x32xf32>
      %eq3A_385 = vector.broadcast %reshape3A_380 : vector<1x32xf32> to vector<32x32xf32>
      %eq3A_386 = arith.cmpf oeq, %eq3A_384, %eq3A_385 : vector<32x32xf32>
      %le3A = arith.constant 1.000000e+02 : f32
      %le3A_387 = vector.broadcast %le3A : f32 to vector<32x32xf32>
      %le3A_388 = arith.cmpf ole, %dot_general3A_376, %le3A_387 : vector<32x32xf32>
      %and3A = arith.andi %eq3A_386, %le3A_388 : vector<32x32xi1>
      %ne3A = arith.cmpi ne, %add3A_293, %add3A_383 : vector<32x32xi32>
      %and3A_389 = arith.andi %and3A, %ne3A : vector<32x32xi1>
      %jit3A = arith.constant 1.000000e+09 : f32
      %broadcast_in_dim3A_390 = vector.broadcast %jit3A : f32 to vector<32x32xf32>
      %select_n3A = arith.select %and3A_389, %dot_general3A_376, %broadcast_in_dim3A_390 : vector<32x32xi1>, vector<32x32xf32>
      %max3A_391 = arith.constant 0.000000e+00 : f32
      %max3A_392 = vector.broadcast %max3A_391 : f32 to vector<32x32xf32>
      %max3A_393 = arith.maximumf %select_n3A, %max3A_392 : vector<32x32xf32>
      %sqrt3A = math.sqrt %max3A_393 : vector<32x32xf32>
      %lt3A = arith.constant 1.000000e+08 : f32
      %lt3A_394 = vector.broadcast %lt3A : f32 to vector<32x32xf32>
      %lt3A_395 = arith.cmpf olt, %select_n3A, %lt3A_394 : vector<32x32xf32>
      %mul3A_396 = arith.constant 0.314159274 : f32
      %mul3A_397 = vector.broadcast %mul3A_396 : f32 to vector<32x32xf32>
      %mul3A_398 = arith.mulf %sqrt3A, %mul3A_397 : vector<32x32xf32>
      %cos3A = math.cos %mul3A_398 : vector<32x32xf32>
      %add3A_399 = arith.constant 1.000000e+00 : f32
      %add3A_400 = vector.broadcast %add3A_399 : f32 to vector<32x32xf32>
      %add3A_401 = arith.addf %cos3A, %add3A_400 : vector<32x32xf32>
      %mul3A_402 = arith.constant 5.000000e-01 : f32
      %mul3A_403 = vector.broadcast %mul3A_402 : f32 to vector<32x32xf32>
      %mul3A_404 = arith.mulf %mul3A_403, %add3A_401 : vector<32x32xf32>
      %jit3A_405 = arith.constant 0.000000e+00 : f32
      %broadcast_in_dim3A_406 = vector.broadcast %jit3A_405 : f32 to vector<32x32xf32>
      %select_n3A_407 = arith.select %lt3A_395, %mul3A_404, %broadcast_in_dim3A_406 : vector<32x32xi1>, vector<32x32xf32>
      %mul3A_408 = arith.constant 3.46482301 : f32
      %mul3A_409 = vector.broadcast %mul3A_408 : f32 to vector<32x32xf32>
      %mul3A_410 = arith.mulf %sqrt3A, %mul3A_409 : vector<32x32xf32>
      %reshape3A_411 = vector.shape_cast %mul3A_410 : vector<32x32xf32> to vector<32x32x1xf32>
      %sub3A = vector.broadcast %reshape3A_411 : vector<32x32x1xf32> to vector<32x32x128xf32>
      %sub3A_412 = vector.broadcast %reshape3A : vector<1x1x128xf32> to vector<32x32x128xf32>
      %sub3A_413 = arith.subf %sub3A, %sub3A_412 : vector<32x32x128xf32>
      %integer_pow3A = arith.mulf %sub3A_413, %sub3A_413 : vector<32x32x128xf32>
      %neg3A = arith.constant 0.000000e+00 : f32
      %neg3A_414 = vector.broadcast %neg3A : f32 to vector<32x32x128xf32>
      %neg3A_415 = arith.subf %neg3A_414, %integer_pow3A : vector<32x32x128xf32>
      %exp3A = math.exp %neg3A_415 : vector<32x32x128xf32>
      %convert_element_type3A_416 = arith.truncf %exp3A : vector<32x32x128xf32> to vector<32x32x128xbf16>
      %reshape3A_417 = vector.shape_cast %convert_element_type3A_416 : vector<32x32x128xbf16> to vector<1024x128xbf16>
      %dot_general3A_418 = arith.constant dense<0.000000e+00> : vector<1024x128xf32>
      %dot_general3A_419 = tpu.matmul %reshape3A_417, %get3A_4, %dot_general3A_418 {dimension_numbers = #tpu.dot_dimension_numbers<[1], [0], [0], [1], [0, 0, 1, 1], [], []>, transpose_lhs_hint = false} : vector<1024x128xbf16>, vector<128x128xbf16>, vector<1024x128xf32> -> vector<1024x128xf32>
      %add3A_420 = vector.broadcast %get3A_7 : vector<1x128xf32> to vector<1024x128xf32>
      %add3A_421 = arith.addf %dot_general3A_419, %add3A_420 : vector<1024x128xf32>
      %max3A_422 = arith.constant 0.000000e+00 : f32
      %max3A_423 = vector.broadcast %max3A_422 : f32 to vector<1024x128xf32>
      %max3A_424 = arith.maximumf %add3A_421, %max3A_423 : vector<1024x128xf32>
      %abs3A = math.absf %add3A_421 : vector<1024x128xf32>
      %neg3A_425 = arith.constant 0.000000e+00 : f32
      %neg3A_426 = vector.broadcast %neg3A_425 : f32 to vector<1024x128xf32>
      %neg3A_427 = arith.subf %neg3A_426, %abs3A : vector<1024x128xf32>
      %exp3A_428 = math.exp %neg3A_427 : vector<1024x128xf32>
      %log1p3A = math.log1p %exp3A_428 : vector<1024x128xf32>
      %add3A_429 = arith.addf %max3A_424, %log1p3A : vector<1024x128xf32>
      %convert_element_type3A_430 = arith.truncf %add3A_429 : vector<1024x128xf32> to vector<1024x128xbf16>
      %dot_general3A_431 = arith.constant dense<0.000000e+00> : vector<1024x128xf32>
      %dot_general3A_432 = tpu.matmul %convert_element_type3A_430, %get3A_10, %dot_general3A_431 {dimension_numbers = #tpu.dot_dimension_numbers<[1], [0], [0], [1], [0, 0, 1, 1], [], []>, transpose_lhs_hint = false} : vector<1024x128xbf16>, vector<128x128xbf16>, vector<1024x128xf32> -> vector<1024x128xf32>
      %add3A_433 = vector.broadcast %get3A_13 : vector<1x128xf32> to vector<1024x128xf32>
      %add3A_434 = arith.addf %dot_general3A_432, %add3A_433 : vector<1024x128xf32>
      %reshape3A_435 = vector.shape_cast %add3A_434 : vector<1024x128xf32> to vector<32x32x128xf32>
      %reshape3A_436 = vector.shape_cast %select_n3A_407 : vector<32x32xf32> to vector<32x32x1xf32>
      %mul3A_437 = vector.broadcast %reshape3A_436 : vector<32x32x1xf32> to vector<32x32x128xf32>
      %mul3A_438 = arith.mulf %reshape3A_435, %mul3A_437 : vector<32x32x128xf32>
      %get3A_439 = arith.index_cast %mul3A_372 : i32 to index
      %get3A_440 = arith.constant 0 : index
      %get3A_441 = vector.load %arg6[%get3A_439, %get3A_440] : memref<8192x128xf32, #tpu.memory_space<vmem>>, vector<32x128xf32>
      %broadcast_in_dim3A_442 = vector.shape_cast %get3A_441 : vector<32x128xf32> to vector<1x32x128xf32>
      %mul3A_443 = vector.broadcast %broadcast_in_dim3A_442 : vector<1x32x128xf32> to vector<32x32x128xf32>
      %mul3A_444 = arith.mulf %mul3A_438, %mul3A_443 : vector<32x32x128xf32>
      %gt3A = arith.cmpi sgt, %while3A_369, %add3A_282 : i32
      %convert_element_type3A_445 = arith.extui %gt3A : i1 to i32
      %cond3A_446 = arith.constant 0 : i32
      %cond3A_447 = arith.cmpi ne, %convert_element_type3A_445, %cond3A_446 : i32
      scf.if %cond3A_447 {
        %broadcast_in_dim3A_450 = vector.shape_cast %get3A_296 : vector<32x128xf32> to vector<32x1x128xf32>
        %mul3A_451 = vector.broadcast %broadcast_in_dim3A_450 : vector<32x1x128xf32> to vector<32x32x128xf32>
        %mul3A_452 = arith.mulf %mul3A_438, %mul3A_451 : vector<32x32x128xf32>
        %get3A_453 = arith.index_cast %mul3A_372 : i32 to index
        %get3A_454 = arith.constant 0 : index
        %get3A_455 = vector.load %arg12[%get3A_453, %get3A_454] : memref<8192x128xf32, #tpu.memory_space<vmem>>, vector<32x128xf32>
        %reduce_sum3A_456 = arith.constant dense<0.000000e+00> : vector<32x128xf32>
        %reduce_sum3A_457 = vector.multi_reduction <add>, %mul3A_452, %reduce_sum3A_456 [0] : vector<32x32x128xf32> to vector<32x128xf32>
        %add3A_458 = arith.addf %get3A_455, %reduce_sum3A_457 : vector<32x128xf32>
        %swap3A_459 = arith.index_cast %mul3A_372 : i32 to index
        %swap3A_460 = arith.constant 0 : index
        %swap3A_461 = vector.load %arg12[%swap3A_459, %swap3A_460] : memref<8192x128xf32, #tpu.memory_space<vmem>>, vector<32x128xf32>
        tpu.vector_store %arg12[%swap3A_459, %swap3A_460], %add3A_458 {strides = array<i32>} : memref<8192x128xf32, #tpu.memory_space<vmem>>, vector<32x128xf32>,
      } else {
      }
      %reduce_sum3A = arith.constant dense<0.000000e+00> : vector<32x128xf32>
      %reduce_sum3A_448 = vector.multi_reduction <add>, %mul3A_444, %reduce_sum3A [1] : vector<32x32x128xf32> to vector<32x128xf32>
      %add3A_449 = arith.addf %while3A_370, %reduce_sum3A_448 : vector<32x128xf32>
      scf.yield %add3A_449 : vector<32x128xf32>
    }
    %get3A_317 = arith.index_cast %mul3A_284 : i32 to index
    %get3A_318 = arith.constant 0 : index
    %get3A_319 = vector.load %arg12[%get3A_317, %get3A_318] : memref<8192x128xf32, #tpu.memory_space<vmem>>, vector<32x128xf32>
    %add3A_320 = arith.addf %get3A_319, %while3A_316 : vector<32x128xf32>
    %swap3A_321 = arith.index_cast %mul3A_284 : i32 to index
    %swap3A_322 = arith.constant 0 : index
    %swap3A_323 = vector.load %arg12[%swap3A_321, %swap3A_322] : memref<8192x128xf32, #tpu.memory_space<vmem>>, vector<32x128xf32>
    tpu.vector_store %arg12[%swap3A_321, %swap3A_322], %add3A_320 {strides = array<i32>} : memref<8192x128xf32, #tpu.memory_space<vmem>>, vector<32x128xf32>,
    %mul3A_324 = arith.constant 8 : i32
    %mul3A_325 = arith.muli %arg0, %mul3A_324 : i32
    %add3A_326 = arith.constant 7 : i32
    %add3A_327 = arith.addi %mul3A_325, %add3A_326 : i32
    %mul3A_328 = arith.constant 32 : i32
    %mul3A_329 = arith.muli %add3A_327, %mul3A_328 : i32
    %get3A_330 = arith.constant 224 : index
    %get3A_331 = arith.constant 0 : index
    %get3A_332 = vector.load %arg3[%get3A_330, %get3A_331] : memref<256x8xf32, #tpu.memory_space<vmem>>, vector<32x8xf32>
    %get3A_333 = arith.index_cast %mul3A_329 : i32 to index
    %get3A_334 = arith.constant 0 : index
    %get3A_335 = vector.load %arg5[%get3A_333, %get3A_334] : memref<8192x1xf32, #tpu.memory_space<vmem>>, vector<32x1xf32>
    %iota3A_336 = tpu.iota {dimensions = array<i32: 0>} : vector<32x32xi32>
    %add3A_337 = vector.broadcast %mul3A_329 : i32 to vector<32x32xi32>
    %add3A_338 = arith.addi %add3A_337, %iota3A_336 : vector<32x32xi32>
    %get3A_339 = arith.index_cast %mul3A_329 : i32 to index
    %get3A_340 = arith.constant 0 : index
    %get3A_341 = vector.load %arg6[%get3A_339, %get3A_340] : memref<8192x128xf32, #tpu.memory_space<vmem>>, vector<32x128xf32>
    %get3A_342 = arith.index_cast %add3A_327 : i32 to index
    %get3A_343 = memref.load %arg1[%get3A_342] : memref<256xi32, #tpu.memory_space<smem>>
    %max3A_344 = arith.maxsi %get3A_343, %add3A_327 : i32
    %get3A_345 = arith.index_cast %add3A_327 : i32 to index
    %get3A_346 = memref.load %arg1[%get3A_345] : memref<256xi32, #tpu.memory_space<smem>>
    %get3A_347 = arith.index_cast %add3A_327 : i32 to index
    %get3A_348 = memref.load %arg2[%get3A_347] : memref<256xi32, #tpu.memory_space<smem>>
    %add3A_349 = arith.addi %get3A_346, %get3A_348 : i32
    %broadcast_in_dim3A_350 = arith.constant 0.000000e+00 : f32
    %broadcast_in_dim3A_351 = vector.broadcast %broadcast_in_dim3A_350 : f32 to vector<32x128xf32>
    %while3A_352 = arith.subi %add3A_349, %max3A_344 : i32
    %while3A_353 = arith.addi %max3A_344, %while3A_352 : i32
    %while3A_354 = arith.constant 1 : i32
    %while3A_355 = arith.divsi %while3A_352, %while3A_354 : i32
    %while3A_356 = arith.muli %while3A_355, %while3A_354 : i32
    %while3A_357 = arith.addi %max3A_344, %while3A_356 : i32
    %while3A_358 = arith.constant 1 : i32
    %while3A_359 = scf.for %while3A_369 = %max3A_344 to %while3A_357 step %while3A_358 iter_args(%while3A_370 = %broadcast_in_dim3A_351) -> (vector<32x128xf32>)  : i32 {
      %mul3A_371 = arith.constant 32 : i32
      %mul3A_372 = arith.muli %while3A_369, %mul3A_371 : i32
      %get3A_373 = arith.index_cast %mul3A_372 : i32 to index
      %get3A_374 = arith.constant 0 : index
      %get3A_375 = vector.load %arg4[%get3A_373, %get3A_374] : memref<8192x8xf32, #tpu.memory_space<vmem>>, vector<32x8xf32>
      %dot_general3A = arith.constant dense<0.000000e+00> : vector<32x32xf32>
      %dot_general3A_376 = tpu.matmul %get3A_332, %get3A_375, %dot_general3A {dimension_numbers = #tpu.dot_dimension_numbers<[1], [1], [0], [0], [0, 0, 1, 0], [], []>, precision = #tpu.contract_precision<fp32>, transpose_lhs_hint = false} : vector<32x8xf32>, vector<32x8xf32>, vector<32x32xf32> -> vector<32x32xf32>
      %get3A_377 = arith.index_cast %mul3A_372 : i32 to index
      %get3A_378 = arith.constant 0 : index
      %get3A_379 = vector.load %arg5[%get3A_377, %get3A_378] : memref<8192x1xf32, #tpu.memory_space<vmem>>, vector<32x1xf32>
      %reshape3A_380 = vector.shape_cast %get3A_379 : vector<32x1xf32> to vector<1x32xf32>
      %iota3A_381 = tpu.iota {dimensions = array<i32: 1>} : vector<32x32xi32>
      %add3A_382 = vector.broadcast %mul3A_372 : i32 to vector<32x32xi32>
      %add3A_383 = arith.addi %add3A_382, %iota3A_381 : vector<32x32xi32>
      %eq3A_384 = vector.broadcast %get3A_335 : vector<32x1xf32> to vector<32x32xf32>
      %eq3A_385 = vector.broadcast %reshape3A_380 : vector<1x32xf32> to vector<32x32xf32>
      %eq3A_386 = arith.cmpf oeq, %eq3A_384, %eq3A_385 : vector<32x32xf32>
      %le3A = arith.constant 1.000000e+02 : f32
      %le3A_387 = vector.broadcast %le3A : f32 to vector<32x32xf32>
      %le3A_388 = arith.cmpf ole, %dot_general3A_376, %le3A_387 : vector<32x32xf32>
      %and3A = arith.andi %eq3A_386, %le3A_388 : vector<32x32xi1>
      %ne3A = arith.cmpi ne, %add3A_338, %add3A_383 : vector<32x32xi32>
      %and3A_389 = arith.andi %and3A, %ne3A : vector<32x32xi1>
      %jit3A = arith.constant 1.000000e+09 : f32
      %broadcast_in_dim3A_390 = vector.broadcast %jit3A : f32 to vector<32x32xf32>
      %select_n3A = arith.select %and3A_389, %dot_general3A_376, %broadcast_in_dim3A_390 : vector<32x32xi1>, vector<32x32xf32>
      %max3A_391 = arith.constant 0.000000e+00 : f32
      %max3A_392 = vector.broadcast %max3A_391 : f32 to vector<32x32xf32>
      %max3A_393 = arith.maximumf %select_n3A, %max3A_392 : vector<32x32xf32>
      %sqrt3A = math.sqrt %max3A_393 : vector<32x32xf32>
      %lt3A = arith.constant 1.000000e+08 : f32
      %lt3A_394 = vector.broadcast %lt3A : f32 to vector<32x32xf32>
      %lt3A_395 = arith.cmpf olt, %select_n3A, %lt3A_394 : vector<32x32xf32>
      %mul3A_396 = arith.constant 0.314159274 : f32
      %mul3A_397 = vector.broadcast %mul3A_396 : f32 to vector<32x32xf32>
      %mul3A_398 = arith.mulf %sqrt3A, %mul3A_397 : vector<32x32xf32>
      %cos3A = math.cos %mul3A_398 : vector<32x32xf32>
      %add3A_399 = arith.constant 1.000000e+00 : f32
      %add3A_400 = vector.broadcast %add3A_399 : f32 to vector<32x32xf32>
      %add3A_401 = arith.addf %cos3A, %add3A_400 : vector<32x32xf32>
      %mul3A_402 = arith.constant 5.000000e-01 : f32
      %mul3A_403 = vector.broadcast %mul3A_402 : f32 to vector<32x32xf32>
      %mul3A_404 = arith.mulf %mul3A_403, %add3A_401 : vector<32x32xf32>
      %jit3A_405 = arith.constant 0.000000e+00 : f32
      %broadcast_in_dim3A_406 = vector.broadcast %jit3A_405 : f32 to vector<32x32xf32>
      %select_n3A_407 = arith.select %lt3A_395, %mul3A_404, %broadcast_in_dim3A_406 : vector<32x32xi1>, vector<32x32xf32>
      %mul3A_408 = arith.constant 3.46482301 : f32
      %mul3A_409 = vector.broadcast %mul3A_408 : f32 to vector<32x32xf32>
      %mul3A_410 = arith.mulf %sqrt3A, %mul3A_409 : vector<32x32xf32>
      %reshape3A_411 = vector.shape_cast %mul3A_410 : vector<32x32xf32> to vector<32x32x1xf32>
      %sub3A = vector.broadcast %reshape3A_411 : vector<32x32x1xf32> to vector<32x32x128xf32>
      %sub3A_412 = vector.broadcast %reshape3A : vector<1x1x128xf32> to vector<32x32x128xf32>
      %sub3A_413 = arith.subf %sub3A, %sub3A_412 : vector<32x32x128xf32>
      %integer_pow3A = arith.mulf %sub3A_413, %sub3A_413 : vector<32x32x128xf32>
      %neg3A = arith.constant 0.000000e+00 : f32
      %neg3A_414 = vector.broadcast %neg3A : f32 to vector<32x32x128xf32>
      %neg3A_415 = arith.subf %neg3A_414, %integer_pow3A : vector<32x32x128xf32>
      %exp3A = math.exp %neg3A_415 : vector<32x32x128xf32>
      %convert_element_type3A_416 = arith.truncf %exp3A : vector<32x32x128xf32> to vector<32x32x128xbf16>
      %reshape3A_417 = vector.shape_cast %convert_element_type3A_416 : vector<32x32x128xbf16> to vector<1024x128xbf16>
      %dot_general3A_418 = arith.constant dense<0.000000e+00> : vector<1024x128xf32>
      %dot_general3A_419 = tpu.matmul %reshape3A_417, %get3A_4, %dot_general3A_418 {dimension_numbers = #tpu.dot_dimension_numbers<[1], [0], [0], [1], [0, 0, 1, 1], [], []>, transpose_lhs_hint = false} : vector<1024x128xbf16>, vector<128x128xbf16>, vector<1024x128xf32> -> vector<1024x128xf32>
      %add3A_420 = vector.broadcast %get3A_7 : vector<1x128xf32> to vector<1024x128xf32>
      %add3A_421 = arith.addf %dot_general3A_419, %add3A_420 : vector<1024x128xf32>
      %max3A_422 = arith.constant 0.000000e+00 : f32
      %max3A_423 = vector.broadcast %max3A_422 : f32 to vector<1024x128xf32>
      %max3A_424 = arith.maximumf %add3A_421, %max3A_423 : vector<1024x128xf32>
      %abs3A = math.absf %add3A_421 : vector<1024x128xf32>
      %neg3A_425 = arith.constant 0.000000e+00 : f32
      %neg3A_426 = vector.broadcast %neg3A_425 : f32 to vector<1024x128xf32>
      %neg3A_427 = arith.subf %neg3A_426, %abs3A : vector<1024x128xf32>
      %exp3A_428 = math.exp %neg3A_427 : vector<1024x128xf32>
      %log1p3A = math.log1p %exp3A_428 : vector<1024x128xf32>
      %add3A_429 = arith.addf %max3A_424, %log1p3A : vector<1024x128xf32>
      %convert_element_type3A_430 = arith.truncf %add3A_429 : vector<1024x128xf32> to vector<1024x128xbf16>
      %dot_general3A_431 = arith.constant dense<0.000000e+00> : vector<1024x128xf32>
      %dot_general3A_432 = tpu.matmul %convert_element_type3A_430, %get3A_10, %dot_general3A_431 {dimension_numbers = #tpu.dot_dimension_numbers<[1], [0], [0], [1], [0, 0, 1, 1], [], []>, transpose_lhs_hint = false} : vector<1024x128xbf16>, vector<128x128xbf16>, vector<1024x128xf32> -> vector<1024x128xf32>
      %add3A_433 = vector.broadcast %get3A_13 : vector<1x128xf32> to vector<1024x128xf32>
      %add3A_434 = arith.addf %dot_general3A_432, %add3A_433 : vector<1024x128xf32>
      %reshape3A_435 = vector.shape_cast %add3A_434 : vector<1024x128xf32> to vector<32x32x128xf32>
      %reshape3A_436 = vector.shape_cast %select_n3A_407 : vector<32x32xf32> to vector<32x32x1xf32>
      %mul3A_437 = vector.broadcast %reshape3A_436 : vector<32x32x1xf32> to vector<32x32x128xf32>
      %mul3A_438 = arith.mulf %reshape3A_435, %mul3A_437 : vector<32x32x128xf32>
      %get3A_439 = arith.index_cast %mul3A_372 : i32 to index
      %get3A_440 = arith.constant 0 : index
      %get3A_441 = vector.load %arg6[%get3A_439, %get3A_440] : memref<8192x128xf32, #tpu.memory_space<vmem>>, vector<32x128xf32>
      %broadcast_in_dim3A_442 = vector.shape_cast %get3A_441 : vector<32x128xf32> to vector<1x32x128xf32>
      %mul3A_443 = vector.broadcast %broadcast_in_dim3A_442 : vector<1x32x128xf32> to vector<32x32x128xf32>
      %mul3A_444 = arith.mulf %mul3A_438, %mul3A_443 : vector<32x32x128xf32>
      %gt3A = arith.cmpi sgt, %while3A_369, %add3A_327 : i32
      %convert_element_type3A_445 = arith.extui %gt3A : i1 to i32
      %cond3A_446 = arith.constant 0 : i32
      %cond3A_447 = arith.cmpi ne, %convert_element_type3A_445, %cond3A_446 : i32
      scf.if %cond3A_447 {
        %broadcast_in_dim3A_450 = vector.shape_cast %get3A_341 : vector<32x128xf32> to vector<32x1x128xf32>
        %mul3A_451 = vector.broadcast %broadcast_in_dim3A_450 : vector<32x1x128xf32> to vector<32x32x128xf32>
        %mul3A_452 = arith.mulf %mul3A_438, %mul3A_451 : vector<32x32x128xf32>
        %get3A_453 = arith.index_cast %mul3A_372 : i32 to index
        %get3A_454 = arith.constant 0 : index
        %get3A_455 = vector.load %arg12[%get3A_453, %get3A_454] : memref<8192x128xf32, #tpu.memory_space<vmem>>, vector<32x128xf32>
        %reduce_sum3A_456 = arith.constant dense<0.000000e+00> : vector<32x128xf32>
        %reduce_sum3A_457 = vector.multi_reduction <add>, %mul3A_452, %reduce_sum3A_456 [0] : vector<32x32x128xf32> to vector<32x128xf32>
        %add3A_458 = arith.addf %get3A_455, %reduce_sum3A_457 : vector<32x128xf32>
        %swap3A_459 = arith.index_cast %mul3A_372 : i32 to index
        %swap3A_460 = arith.constant 0 : index
        %swap3A_461 = vector.load %arg12[%swap3A_459, %swap3A_460] : memref<8192x128xf32, #tpu.memory_space<vmem>>, vector<32x128xf32>
        tpu.vector_store %arg12[%swap3A_459, %swap3A_460], %add3A_458 {strides = array<i32>} : memref<8192x128xf32, #tpu.memory_space<vmem>>, vector<32x128xf32>,
      } else {
      }
      %reduce_sum3A = arith.constant dense<0.000000e+00> : vector<32x128xf32>
      %reduce_sum3A_448 = vector.multi_reduction <add>, %mul3A_444, %reduce_sum3A [1] : vector<32x32x128xf32> to vector<32x128xf32>
      %add3A_449 = arith.addf %while3A_370, %reduce_sum3A_448 : vector<32x128xf32>
      scf.yield %add3A_449 : vector<32x128xf32>
    }
    %while3A_360 = arith.constant 1 : i32
    %while3A_361 = scf.for %while3A_369 = %while3A_357 to %while3A_353 step %while3A_360 iter_args(%while3A_370 = %while3A_359) -> (vector<32x128xf32>)  : i32 {
      %mul3A_371 = arith.constant 32 : i32
      %mul3A_372 = arith.muli %while3A_369, %mul3A_371 : i32
      %get3A_373 = arith.index_cast %mul3A_372 : i32 to index
      %get3A_374 = arith.constant 0 : index
      %get3A_375 = vector.load %arg4[%get3A_373, %get3A_374] : memref<8192x8xf32, #tpu.memory_space<vmem>>, vector<32x8xf32>
      %dot_general3A = arith.constant dense<0.000000e+00> : vector<32x32xf32>
      %dot_general3A_376 = tpu.matmul %get3A_332, %get3A_375, %dot_general3A {dimension_numbers = #tpu.dot_dimension_numbers<[1], [1], [0], [0], [0, 0, 1, 0], [], []>, precision = #tpu.contract_precision<fp32>, transpose_lhs_hint = false} : vector<32x8xf32>, vector<32x8xf32>, vector<32x32xf32> -> vector<32x32xf32>
      %get3A_377 = arith.index_cast %mul3A_372 : i32 to index
      %get3A_378 = arith.constant 0 : index
      %get3A_379 = vector.load %arg5[%get3A_377, %get3A_378] : memref<8192x1xf32, #tpu.memory_space<vmem>>, vector<32x1xf32>
      %reshape3A_380 = vector.shape_cast %get3A_379 : vector<32x1xf32> to vector<1x32xf32>
      %iota3A_381 = tpu.iota {dimensions = array<i32: 1>} : vector<32x32xi32>
      %add3A_382 = vector.broadcast %mul3A_372 : i32 to vector<32x32xi32>
      %add3A_383 = arith.addi %add3A_382, %iota3A_381 : vector<32x32xi32>
      %eq3A_384 = vector.broadcast %get3A_335 : vector<32x1xf32> to vector<32x32xf32>
      %eq3A_385 = vector.broadcast %reshape3A_380 : vector<1x32xf32> to vector<32x32xf32>
      %eq3A_386 = arith.cmpf oeq, %eq3A_384, %eq3A_385 : vector<32x32xf32>
      %le3A = arith.constant 1.000000e+02 : f32
      %le3A_387 = vector.broadcast %le3A : f32 to vector<32x32xf32>
      %le3A_388 = arith.cmpf ole, %dot_general3A_376, %le3A_387 : vector<32x32xf32>
      %and3A = arith.andi %eq3A_386, %le3A_388 : vector<32x32xi1>
      %ne3A = arith.cmpi ne, %add3A_338, %add3A_383 : vector<32x32xi32>
      %and3A_389 = arith.andi %and3A, %ne3A : vector<32x32xi1>
      %jit3A = arith.constant 1.000000e+09 : f32
      %broadcast_in_dim3A_390 = vector.broadcast %jit3A : f32 to vector<32x32xf32>
      %select_n3A = arith.select %and3A_389, %dot_general3A_376, %broadcast_in_dim3A_390 : vector<32x32xi1>, vector<32x32xf32>
      %max3A_391 = arith.constant 0.000000e+00 : f32
      %max3A_392 = vector.broadcast %max3A_391 : f32 to vector<32x32xf32>
      %max3A_393 = arith.maximumf %select_n3A, %max3A_392 : vector<32x32xf32>
      %sqrt3A = math.sqrt %max3A_393 : vector<32x32xf32>
      %lt3A = arith.constant 1.000000e+08 : f32
      %lt3A_394 = vector.broadcast %lt3A : f32 to vector<32x32xf32>
      %lt3A_395 = arith.cmpf olt, %select_n3A, %lt3A_394 : vector<32x32xf32>
      %mul3A_396 = arith.constant 0.314159274 : f32
      %mul3A_397 = vector.broadcast %mul3A_396 : f32 to vector<32x32xf32>
      %mul3A_398 = arith.mulf %sqrt3A, %mul3A_397 : vector<32x32xf32>
      %cos3A = math.cos %mul3A_398 : vector<32x32xf32>
      %add3A_399 = arith.constant 1.000000e+00 : f32
      %add3A_400 = vector.broadcast %add3A_399 : f32 to vector<32x32xf32>
      %add3A_401 = arith.addf %cos3A, %add3A_400 : vector<32x32xf32>
      %mul3A_402 = arith.constant 5.000000e-01 : f32
      %mul3A_403 = vector.broadcast %mul3A_402 : f32 to vector<32x32xf32>
      %mul3A_404 = arith.mulf %mul3A_403, %add3A_401 : vector<32x32xf32>
      %jit3A_405 = arith.constant 0.000000e+00 : f32
      %broadcast_in_dim3A_406 = vector.broadcast %jit3A_405 : f32 to vector<32x32xf32>
      %select_n3A_407 = arith.select %lt3A_395, %mul3A_404, %broadcast_in_dim3A_406 : vector<32x32xi1>, vector<32x32xf32>
      %mul3A_408 = arith.constant 3.46482301 : f32
      %mul3A_409 = vector.broadcast %mul3A_408 : f32 to vector<32x32xf32>
      %mul3A_410 = arith.mulf %sqrt3A, %mul3A_409 : vector<32x32xf32>
      %reshape3A_411 = vector.shape_cast %mul3A_410 : vector<32x32xf32> to vector<32x32x1xf32>
      %sub3A = vector.broadcast %reshape3A_411 : vector<32x32x1xf32> to vector<32x32x128xf32>
      %sub3A_412 = vector.broadcast %reshape3A : vector<1x1x128xf32> to vector<32x32x128xf32>
      %sub3A_413 = arith.subf %sub3A, %sub3A_412 : vector<32x32x128xf32>
      %integer_pow3A = arith.mulf %sub3A_413, %sub3A_413 : vector<32x32x128xf32>
      %neg3A = arith.constant 0.000000e+00 : f32
      %neg3A_414 = vector.broadcast %neg3A : f32 to vector<32x32x128xf32>
      %neg3A_415 = arith.subf %neg3A_414, %integer_pow3A : vector<32x32x128xf32>
      %exp3A = math.exp %neg3A_415 : vector<32x32x128xf32>
      %convert_element_type3A_416 = arith.truncf %exp3A : vector<32x32x128xf32> to vector<32x32x128xbf16>
      %reshape3A_417 = vector.shape_cast %convert_element_type3A_416 : vector<32x32x128xbf16> to vector<1024x128xbf16>
      %dot_general3A_418 = arith.constant dense<0.000000e+00> : vector<1024x128xf32>
      %dot_general3A_419 = tpu.matmul %reshape3A_417, %get3A_4, %dot_general3A_418 {dimension_numbers = #tpu.dot_dimension_numbers<[1], [0], [0], [1], [0, 0, 1, 1], [], []>, transpose_lhs_hint = false} : vector<1024x128xbf16>, vector<128x128xbf16>, vector<1024x128xf32> -> vector<1024x128xf32>
      %add3A_420 = vector.broadcast %get3A_7 : vector<1x128xf32> to vector<1024x128xf32>
      %add3A_421 = arith.addf %dot_general3A_419, %add3A_420 : vector<1024x128xf32>
      %max3A_422 = arith.constant 0.000000e+00 : f32
      %max3A_423 = vector.broadcast %max3A_422 : f32 to vector<1024x128xf32>
      %max3A_424 = arith.maximumf %add3A_421, %max3A_423 : vector<1024x128xf32>
      %abs3A = math.absf %add3A_421 : vector<1024x128xf32>
      %neg3A_425 = arith.constant 0.000000e+00 : f32
      %neg3A_426 = vector.broadcast %neg3A_425 : f32 to vector<1024x128xf32>
      %neg3A_427 = arith.subf %neg3A_426, %abs3A : vector<1024x128xf32>
      %exp3A_428 = math.exp %neg3A_427 : vector<1024x128xf32>
      %log1p3A = math.log1p %exp3A_428 : vector<1024x128xf32>
      %add3A_429 = arith.addf %max3A_424, %log1p3A : vector<1024x128xf32>
      %convert_element_type3A_430 = arith.truncf %add3A_429 : vector<1024x128xf32> to vector<1024x128xbf16>
      %dot_general3A_431 = arith.constant dense<0.000000e+00> : vector<1024x128xf32>
      %dot_general3A_432 = tpu.matmul %convert_element_type3A_430, %get3A_10, %dot_general3A_431 {dimension_numbers = #tpu.dot_dimension_numbers<[1], [0], [0], [1], [0, 0, 1, 1], [], []>, transpose_lhs_hint = false} : vector<1024x128xbf16>, vector<128x128xbf16>, vector<1024x128xf32> -> vector<1024x128xf32>
      %add3A_433 = vector.broadcast %get3A_13 : vector<1x128xf32> to vector<1024x128xf32>
      %add3A_434 = arith.addf %dot_general3A_432, %add3A_433 : vector<1024x128xf32>
      %reshape3A_435 = vector.shape_cast %add3A_434 : vector<1024x128xf32> to vector<32x32x128xf32>
      %reshape3A_436 = vector.shape_cast %select_n3A_407 : vector<32x32xf32> to vector<32x32x1xf32>
      %mul3A_437 = vector.broadcast %reshape3A_436 : vector<32x32x1xf32> to vector<32x32x128xf32>
      %mul3A_438 = arith.mulf %reshape3A_435, %mul3A_437 : vector<32x32x128xf32>
      %get3A_439 = arith.index_cast %mul3A_372 : i32 to index
      %get3A_440 = arith.constant 0 : index
      %get3A_441 = vector.load %arg6[%get3A_439, %get3A_440] : memref<8192x128xf32, #tpu.memory_space<vmem>>, vector<32x128xf32>
      %broadcast_in_dim3A_442 = vector.shape_cast %get3A_441 : vector<32x128xf32> to vector<1x32x128xf32>
      %mul3A_443 = vector.broadcast %broadcast_in_dim3A_442 : vector<1x32x128xf32> to vector<32x32x128xf32>
      %mul3A_444 = arith.mulf %mul3A_438, %mul3A_443 : vector<32x32x128xf32>
      %gt3A = arith.cmpi sgt, %while3A_369, %add3A_327 : i32
      %convert_element_type3A_445 = arith.extui %gt3A : i1 to i32
      %cond3A_446 = arith.constant 0 : i32
      %cond3A_447 = arith.cmpi ne, %convert_element_type3A_445, %cond3A_446 : i32
      scf.if %cond3A_447 {
        %broadcast_in_dim3A_450 = vector.shape_cast %get3A_341 : vector<32x128xf32> to vector<32x1x128xf32>
        %mul3A_451 = vector.broadcast %broadcast_in_dim3A_450 : vector<32x1x128xf32> to vector<32x32x128xf32>
        %mul3A_452 = arith.mulf %mul3A_438, %mul3A_451 : vector<32x32x128xf32>
        %get3A_453 = arith.index_cast %mul3A_372 : i32 to index
        %get3A_454 = arith.constant 0 : index
        %get3A_455 = vector.load %arg12[%get3A_453, %get3A_454] : memref<8192x128xf32, #tpu.memory_space<vmem>>, vector<32x128xf32>
        %reduce_sum3A_456 = arith.constant dense<0.000000e+00> : vector<32x128xf32>
        %reduce_sum3A_457 = vector.multi_reduction <add>, %mul3A_452, %reduce_sum3A_456 [0] : vector<32x32x128xf32> to vector<32x128xf32>
        %add3A_458 = arith.addf %get3A_455, %reduce_sum3A_457 : vector<32x128xf32>
        %swap3A_459 = arith.index_cast %mul3A_372 : i32 to index
        %swap3A_460 = arith.constant 0 : index
        %swap3A_461 = vector.load %arg12[%swap3A_459, %swap3A_460] : memref<8192x128xf32, #tpu.memory_space<vmem>>, vector<32x128xf32>
        tpu.vector_store %arg12[%swap3A_459, %swap3A_460], %add3A_458 {strides = array<i32>} : memref<8192x128xf32, #tpu.memory_space<vmem>>, vector<32x128xf32>,
      } else {
      }
      %reduce_sum3A = arith.constant dense<0.000000e+00> : vector<32x128xf32>
      %reduce_sum3A_448 = vector.multi_reduction <add>, %mul3A_444, %reduce_sum3A [1] : vector<32x32x128xf32> to vector<32x128xf32>
      %add3A_449 = arith.addf %while3A_370, %reduce_sum3A_448 : vector<32x128xf32>
      scf.yield %add3A_449 : vector<32x128xf32>
    }
    %get3A_362 = arith.index_cast %mul3A_329 : i32 to index
    %get3A_363 = arith.constant 0 : index
    %get3A_364 = vector.load %arg12[%get3A_362, %get3A_363] : memref<8192x128xf32, #tpu.memory_space<vmem>>, vector<32x128xf32>
    %add3A_365 = arith.addf %get3A_364, %while3A_361 : vector<32x128xf32>
    %swap3A_366 = arith.index_cast %mul3A_329 : i32 to index
    %swap3A_367 = arith.constant 0 : index
    %swap3A_368 = vector.load %arg12[%swap3A_366, %swap3A_367] : memref<8192x128xf32, #tpu.memory_space<vmem>>, vector<32x128xf32>
    tpu.vector_store %arg12[%swap3A_366, %swap3A_367], %add3A_365 {strides = array<i32>} : memref<8192x128xf32, #tpu.memory_space<vmem>>, vector<32x128xf32>,
    return
  }
  func.func @transform_0(%arg0: i32, %arg1: memref<256xi32, #tpu.memory_space<smem>>, %arg2: memref<256xi32, #tpu.memory_space<smem>>) -> (i32, i32) {
    %c0_i32 = arith.constant 0 : i32
    %c0_i32_0 = arith.constant 0 : i32
    return %arg0, %c0_i32 : i32, i32
  }
  func.func @transform_1(%arg0: i32, %arg1: memref<256xi32, #tpu.memory_space<smem>>, %arg2: memref<256xi32, #tpu.memory_space<smem>>) -> (i32, i32) {
    %c0_i32 = arith.constant 0 : i32
    %c0_i32_0 = arith.constant 0 : i32
    %c0_i32_1 = arith.constant 0 : i32
    return %c0_i32, %c0_i32_0 : i32, i32
  }
  func.func @transform_2(%arg0: i32, %arg1: memref<256xi32, #tpu.memory_space<smem>>, %arg2: memref<256xi32, #tpu.memory_space<smem>>) -> (i32, i32) {
    %c0_i32 = arith.constant 0 : i32
    %c0_i32_0 = arith.constant 0 : i32
    %c0_i32_1 = arith.constant 0 : i32
    return %c0_i32, %c0_i32_0 : i32, i32
  }
  func.func @transform_3(%arg0: i32, %arg1: memref<256xi32, #tpu.memory_space<smem>>, %arg2: memref<256xi32, #tpu.memory_space<smem>>) -> (i32, i32) {
    %c0_i32 = arith.constant 0 : i32
    %c0_i32_0 = arith.constant 0 : i32
    %c0_i32_1 = arith.constant 0 : i32
    return %c0_i32, %c0_i32_0 : i32, i32
  }
  func.func @transform_4(%arg0: i32, %arg1: memref<256xi32, #tpu.memory_space<smem>>, %arg2: memref<256xi32, #tpu.memory_space<smem>>) -> (i32, i32) {
    %c0_i32 = arith.constant 0 : i32
    %c0_i32_0 = arith.constant 0 : i32
    %c0_i32_1 = arith.constant 0 : i32
    return %c0_i32, %c0_i32_0 : i32, i32
  }
  func.func @transform_5(%arg0: i32, %arg1: memref<256xi32, #tpu.memory_space<smem>>, %arg2: memref<256xi32, #tpu.memory_space<smem>>) -> (i32, i32) {
    %c0_i32 = arith.constant 0 : i32
    %c0_i32_0 = arith.constant 0 : i32
    %c0_i32_1 = arith.constant 0 : i32
    return %c0_i32, %c0_i32_0 : i32, i32
  }
  func.func @transform_6(%arg0: i32, %arg1: memref<256xi32, #tpu.memory_space<smem>>, %arg2: memref<256xi32, #tpu.memory_space<smem>>) -> (i32, i32) {
    %c0_i32 = arith.constant 0 : i32
    %c0_i32_0 = arith.constant 0 : i32
    %c0_i32_1 = arith.constant 0 : i32
    return %c0_i32, %c0_i32_0 : i32, i32
  }
  func.func @transform_7(%arg0: i32, %arg1: memref<256xi32, #tpu.memory_space<smem>>, %arg2: memref<256xi32, #tpu.memory_space<smem>>) -> (i32, i32) {
    %c0_i32 = arith.constant 0 : i32
    %c0_i32_0 = arith.constant 0 : i32
    %c0_i32_1 = arith.constant 0 : i32
    return %c0_i32, %c0_i32_0 : i32, i32
  }
  func.func @transform_8(%arg0: i32, %arg1: memref<256xi32, #tpu.memory_space<smem>>, %arg2: memref<256xi32, #tpu.memory_space<smem>>) -> (i32, i32) {
    %c0_i32 = arith.constant 0 : i32
    %c0_i32_0 = arith.constant 0 : i32
    %c0_i32_1 = arith.constant 0 : i32
    return %c0_i32, %c0_i32_0 : i32, i32
  }
  func.func @transform_9(%arg0: i32, %arg1: memref<256xi32, #tpu.memory_space<smem>>, %arg2: memref<256xi32, #tpu.memory_space<smem>>) -> (i32, i32) {
    %c0_i32 = arith.constant 0 : i32
    %c0_i32_0 = arith.constant 0 : i32
    %c0_i32_1 = arith.constant 0 : i32
    return %c0_i32, %c0_i32_0 : i32, i32
  }
}

module attributes {stable_mosaic.version = 14 : i64} {
  func.func @_node_body(%arg0: i32, %arg1: memref<128x128xf32, #tpu.memory_space<vmem>>, %arg2: memref<128x128xf32, #tpu.memory_space<vmem>>, %arg3: memref<128x128xf32, #tpu.memory_space<vmem>>, %arg4: memref<1x128xf32, #tpu.memory_space<vmem>>, %arg5: memref<128x128xf32, #tpu.memory_space<vmem>>, %arg6: memref<1x128xf32, #tpu.memory_space<vmem>>, %arg7: memref<128x128xf32, #tpu.memory_space<vmem>>, %arg8: memref<128x128xf32, #tpu.memory_space<vmem>>, %arg9: memref<128x128xf32, #tpu.memory_space<vmem>>) attributes {dimension_semantics = [#tpu.dimension_semantics<arbitrary>], iteration_bounds = array<i64: 64>, scalar_prefetch = 0 : i64, scratch_operands = 0 : i64, tpu.core_type = #tpu.core_type<tc>, window_params = [{transform_indices = @transform_0, window_bounds = array<i64: 128, 128>}, {transform_indices = @transform_1, window_bounds = array<i64: 128, 128>}, {pipeline_mode = #tpu.pipeline_mode<synchronous>, transform_indices = @transform_2, window_bounds = array<i64: 128, 128>}, {pipeline_mode = #tpu.pipeline_mode<synchronous>, transform_indices = @transform_3, window_bounds = array<i64: 1, 128>}, {pipeline_mode = #tpu.pipeline_mode<synchronous>, transform_indices = @transform_4, window_bounds = array<i64: 128, 128>}, {pipeline_mode = #tpu.pipeline_mode<synchronous>, transform_indices = @transform_5, window_bounds = array<i64: 1, 128>}, {pipeline_mode = #tpu.pipeline_mode<synchronous>, transform_indices = @transform_6, window_bounds = array<i64: 128, 128>}, {transform_indices = @transform_7, window_bounds = array<i64: 128, 128>}, {transform_indices = @transform_8, window_bounds = array<i64: 128, 128>}]} {
    %get3A = arith.constant 0 : index
    %get3A_0 = arith.constant 0 : index
    %get3A_1 = vector.load %arg2[%get3A, %get3A_0] : memref<128x128xf32, #tpu.memory_space<vmem>>, vector<128x128xf32>
    %get3A_2 = arith.constant 0 : index
    %get3A_3 = arith.constant 0 : index
    %get3A_4 = vector.load %arg3[%get3A_2, %get3A_3] : memref<128x128xf32, #tpu.memory_space<vmem>>, vector<128x128xf32>
    %dot_general3A = arith.constant dense<0.000000e+00> : vector<128x128xf32>
    %dot_general3A_5 = tpu.matmul %get3A_1, %get3A_4, %dot_general3A {dimension_numbers = #tpu.dot_dimension_numbers<[1], [0], [0], [1], [0, 0, 1, 1], [], []>, precision = #tpu.contract_precision<fp32>, transpose_lhs_hint = false} : vector<128x128xf32>, vector<128x128xf32>, vector<128x128xf32> -> vector<128x128xf32>
    %get3A_6 = arith.constant 0 : index
    %get3A_7 = arith.constant 0 : index
    %get3A_8 = vector.load %arg4[%get3A_6, %get3A_7] : memref<1x128xf32, #tpu.memory_space<vmem>>, vector<1x128xf32>
    %add3A = vector.broadcast %get3A_8 : vector<1x128xf32> to vector<128x128xf32>
    %add3A_9 = arith.addf %dot_general3A_5, %add3A : vector<128x128xf32>
    %max3A = arith.constant 0.000000e+00 : f32
    %max3A_10 = vector.broadcast %max3A : f32 to vector<128x128xf32>
    %max3A_11 = arith.maximumf %add3A_9, %max3A_10 : vector<128x128xf32>
    %abs3A = math.absf %add3A_9 : vector<128x128xf32>
    %neg3A = arith.constant 0.000000e+00 : f32
    %neg3A_12 = vector.broadcast %neg3A : f32 to vector<128x128xf32>
    %neg3A_13 = arith.subf %neg3A_12, %abs3A : vector<128x128xf32>
    %exp3A = math.exp %neg3A_13 : vector<128x128xf32>
    %log1p3A = math.log1p %exp3A : vector<128x128xf32>
    %add3A_14 = arith.addf %max3A_11, %log1p3A : vector<128x128xf32>
    %sub3A = arith.constant 0.693147182 : f32
    %sub3A_15 = vector.broadcast %sub3A : f32 to vector<128x128xf32>
    %sub3A_16 = arith.subf %add3A_14, %sub3A_15 : vector<128x128xf32>
    %get3A_17 = arith.constant 0 : index
    %get3A_18 = arith.constant 0 : index
    %get3A_19 = vector.load %arg5[%get3A_17, %get3A_18] : memref<128x128xf32, #tpu.memory_space<vmem>>, vector<128x128xf32>
    %dot_general3A_20 = arith.constant dense<0.000000e+00> : vector<128x128xf32>
    %dot_general3A_21 = tpu.matmul %sub3A_16, %get3A_19, %dot_general3A_20 {dimension_numbers = #tpu.dot_dimension_numbers<[1], [0], [0], [1], [0, 0, 1, 1], [], []>, precision = #tpu.contract_precision<fp32>, transpose_lhs_hint = false} : vector<128x128xf32>, vector<128x128xf32>, vector<128x128xf32> -> vector<128x128xf32>
    %get3A_22 = arith.constant 0 : index
    %get3A_23 = arith.constant 0 : index
    %get3A_24 = vector.load %arg6[%get3A_22, %get3A_23] : memref<1x128xf32, #tpu.memory_space<vmem>>, vector<1x128xf32>
    %add3A_25 = vector.broadcast %get3A_24 : vector<1x128xf32> to vector<128x128xf32>
    %add3A_26 = arith.addf %dot_general3A_21, %add3A_25 : vector<128x128xf32>
    %get3A_27 = arith.constant 0 : index
    %get3A_28 = arith.constant 0 : index
    %get3A_29 = vector.load %arg1[%get3A_27, %get3A_28] : memref<128x128xf32, #tpu.memory_space<vmem>>, vector<128x128xf32>
    %add3A_30 = arith.addf %get3A_29, %add3A_26 : vector<128x128xf32>
    %swap3A = arith.constant 0 : index
    %swap3A_31 = arith.constant 0 : index
    %swap3A_32 = vector.load %arg8[%swap3A, %swap3A_31] : memref<128x128xf32, #tpu.memory_space<vmem>>, vector<128x128xf32>
    tpu.vector_store %arg8[%swap3A, %swap3A_31], %add3A_30 {strides = array<i32>} : memref<128x128xf32, #tpu.memory_space<vmem>>, vector<128x128xf32>,
    %get3A_33 = arith.constant 0 : index
    %get3A_34 = arith.constant 0 : index
    %get3A_35 = vector.load %arg7[%get3A_33, %get3A_34] : memref<128x128xf32, #tpu.memory_space<vmem>>, vector<128x128xf32>
    %dot_general3A_36 = arith.constant dense<0.000000e+00> : vector<128x128xf32>
    %dot_general3A_37 = tpu.matmul %add3A_30, %get3A_35, %dot_general3A_36 {dimension_numbers = #tpu.dot_dimension_numbers<[1], [0], [0], [1], [0, 0, 1, 1], [], []>, precision = #tpu.contract_precision<fp32>, transpose_lhs_hint = false} : vector<128x128xf32>, vector<128x128xf32>, vector<128x128xf32> -> vector<128x128xf32>
    %swap3A_38 = arith.constant 0 : index
    %swap3A_39 = arith.constant 0 : index
    %swap3A_40 = vector.load %arg9[%swap3A_38, %swap3A_39] : memref<128x128xf32, #tpu.memory_space<vmem>>, vector<128x128xf32>
    tpu.vector_store %arg9[%swap3A_38, %swap3A_39], %dot_general3A_37 {strides = array<i32>} : memref<128x128xf32, #tpu.memory_space<vmem>>, vector<128x128xf32>,
    return
  }
  func.func @transform_0(%arg0: i32) -> (i32, i32) {
    %c0_i32 = arith.constant 0 : i32
    %c0_i32_0 = arith.constant 0 : i32
    return %arg0, %c0_i32 : i32, i32
  }
  func.func @transform_1(%arg0: i32) -> (i32, i32) {
    %c0_i32 = arith.constant 0 : i32
    %c0_i32_0 = arith.constant 0 : i32
    return %arg0, %c0_i32 : i32, i32
  }
  func.func @transform_2(%arg0: i32) -> (i32, i32) {
    %c0_i32 = arith.constant 0 : i32
    %c0_i32_0 = arith.constant 0 : i32
    %c0_i32_1 = arith.constant 0 : i32
    return %c0_i32, %c0_i32_0 : i32, i32
  }
  func.func @transform_3(%arg0: i32) -> (i32, i32) {
    %c0_i32 = arith.constant 0 : i32
    %c0_i32_0 = arith.constant 0 : i32
    %c0_i32_1 = arith.constant 0 : i32
    return %c0_i32, %c0_i32_0 : i32, i32
  }
  func.func @transform_4(%arg0: i32) -> (i32, i32) {
    %c0_i32 = arith.constant 0 : i32
    %c0_i32_0 = arith.constant 0 : i32
    %c0_i32_1 = arith.constant 0 : i32
    return %c0_i32, %c0_i32_0 : i32, i32
  }
  func.func @transform_5(%arg0: i32) -> (i32, i32) {
    %c0_i32 = arith.constant 0 : i32
    %c0_i32_0 = arith.constant 0 : i32
    %c0_i32_1 = arith.constant 0 : i32
    return %c0_i32, %c0_i32_0 : i32, i32
  }
  func.func @transform_6(%arg0: i32) -> (i32, i32) {
    %c0_i32 = arith.constant 0 : i32
    %c0_i32_0 = arith.constant 0 : i32
    %c0_i32_1 = arith.constant 0 : i32
    return %c0_i32, %c0_i32_0 : i32, i32
  }
  func.func @transform_7(%arg0: i32) -> (i32, i32) {
    %c0_i32 = arith.constant 0 : i32
    %c0_i32_0 = arith.constant 0 : i32
    return %arg0, %c0_i32 : i32, i32
  }
  func.func @transform_8(%arg0: i32) -> (i32, i32) {
    %c0_i32 = arith.constant 0 : i32
    %c0_i32_0 = arith.constant 0 : i32
    return %arg0, %c0_i32 : i32, i32
  }
}

module attributes {stable_mosaic.version = 14 : i64} {
  func.func @_pool_body(%arg0: i32, %arg1: memref<128x1xf32, #tpu.memory_space<vmem>>, %arg2: memref<128x128xf32, #tpu.memory_space<vmem>>, %arg3: memref<256x128xf32, #tpu.memory_space<vmem>>, %arg4: memref<256x1xf32, #tpu.memory_space<vmem>>) attributes {dimension_semantics = [#tpu.dimension_semantics<arbitrary>], iteration_bounds = array<i64: 64>, scalar_prefetch = 0 : i64, scratch_operands = 0 : i64, tpu.core_type = #tpu.core_type<tc>, window_params = [{transform_indices = @transform_0, window_bounds = array<i64: 128, 1>}, {transform_indices = @transform_1, window_bounds = array<i64: 128, 128>}, {pipeline_mode = #tpu.pipeline_mode<synchronous>, transform_indices = @transform_2, window_bounds = array<i64: 256, 128>}, {pipeline_mode = #tpu.pipeline_mode<synchronous>, transform_indices = @transform_3, window_bounds = array<i64: 256, 1>}]} {
    %eq3A = arith.constant 0 : i32
    %eq3A_0 = arith.cmpi eq, %arg0, %eq3A : i32
    %convert_element_type3A = arith.extui %eq3A_0 : i1 to i32
    %cond3A = arith.constant 0 : i32
    %cond3A_1 = arith.cmpi ne, %convert_element_type3A, %cond3A : i32
    scf.if %cond3A_1 {
      %broadcast_in_dim3A_26 = arith.constant 0.000000e+00 : f32
      %broadcast_in_dim3A_27 = vector.broadcast %broadcast_in_dim3A_26 : f32 to vector<256x128xf32>
      %swap3A_28 = arith.constant 0 : index
      %swap3A_29 = arith.constant 0 : index
      %swap3A_30 = vector.load %arg3[%swap3A_28, %swap3A_29] : memref<256x128xf32, #tpu.memory_space<vmem>>, vector<256x128xf32>
      tpu.vector_store %arg3[%swap3A_28, %swap3A_29], %broadcast_in_dim3A_27 {strides = array<i32>} : memref<256x128xf32, #tpu.memory_space<vmem>>, vector<256x128xf32>,
      %broadcast_in_dim3A_31 = arith.constant 0.000000e+00 : f32
      %broadcast_in_dim3A_32 = vector.broadcast %broadcast_in_dim3A_31 : f32 to vector<256x1xf32>
      %swap3A_33 = arith.constant 0 : index
      %swap3A_34 = arith.constant 0 : index
      %swap3A_35 = vector.load %arg4[%swap3A_33, %swap3A_34] : memref<256x1xf32, #tpu.memory_space<vmem>>, vector<256x1xf32>
      tpu.vector_store %arg4[%swap3A_33, %swap3A_34], %broadcast_in_dim3A_32 {strides = array<i32>} : memref<256x1xf32, #tpu.memory_space<vmem>>, vector<256x1xf32>,
    } else {
    }
    %get3A = arith.constant 0 : index
    %get3A_2 = arith.constant 0 : index
    %get3A_3 = vector.load %arg1[%get3A, %get3A_2] : memref<128x1xf32, #tpu.memory_space<vmem>>, vector<128x1xf32>
    %reshape3A = vector.shape_cast %get3A_3 : vector<128x1xf32> to vector<1x128xf32>
    %iota3A = tpu.iota {dimensions = array<i32: 0>} : vector<256x128xi32>
    %convert_element_type3A_4 = arith.sitofp %iota3A : vector<256x128xi32> to vector<256x128xf32>
    %eq3A_5 = vector.broadcast %reshape3A : vector<1x128xf32> to vector<256x128xf32>
    %eq3A_6 = arith.cmpf oeq, %convert_element_type3A_4, %eq3A_5 : vector<256x128xf32>
    %convert_element_type3A_7 = arith.extui %eq3A_6 : vector<256x128xi1> to vector<256x128xi32>
    %convert_element_type3A_8 = arith.sitofp %convert_element_type3A_7 : vector<256x128xi32> to vector<256x128xf32>
    %get3A_9 = arith.constant 0 : index
    %get3A_10 = arith.constant 0 : index
    %get3A_11 = vector.load %arg3[%get3A_9, %get3A_10] : memref<256x128xf32, #tpu.memory_space<vmem>>, vector<256x128xf32>
    %get3A_12 = arith.constant 0 : index
    %get3A_13 = arith.constant 0 : index
    %get3A_14 = vector.load %arg2[%get3A_12, %get3A_13] : memref<128x128xf32, #tpu.memory_space<vmem>>, vector<128x128xf32>
    %dot_general3A = arith.constant dense<0.000000e+00> : vector<256x128xf32>
    %dot_general3A_15 = tpu.matmul %convert_element_type3A_8, %get3A_14, %dot_general3A {dimension_numbers = #tpu.dot_dimension_numbers<[1], [0], [0], [1], [0, 0, 1, 1], [], []>, precision = #tpu.contract_precision<fp32>, transpose_lhs_hint = false} : vector<256x128xf32>, vector<128x128xf32>, vector<256x128xf32> -> vector<256x128xf32>
    %add3A = arith.addf %get3A_11, %dot_general3A_15 : vector<256x128xf32>
    %swap3A = arith.constant 0 : index
    %swap3A_16 = arith.constant 0 : index
    %swap3A_17 = vector.load %arg3[%swap3A, %swap3A_16] : memref<256x128xf32, #tpu.memory_space<vmem>>, vector<256x128xf32>
    tpu.vector_store %arg3[%swap3A, %swap3A_16], %add3A {strides = array<i32>} : memref<256x128xf32, #tpu.memory_space<vmem>>, vector<256x128xf32>,
    %get3A_18 = arith.constant 0 : index
    %get3A_19 = arith.constant 0 : index
    %get3A_20 = vector.load %arg4[%get3A_18, %get3A_19] : memref<256x1xf32, #tpu.memory_space<vmem>>, vector<256x1xf32>
    %reduce_sum3A = arith.constant dense<0.000000e+00> : vector<256xf32>
    %reduce_sum3A_21 = vector.multi_reduction <add>, %convert_element_type3A_8, %reduce_sum3A [1] : vector<256x128xf32> to vector<256xf32>
    %broadcast_in_dim3A = vector.shape_cast %reduce_sum3A_21 : vector<256xf32> to vector<256x1xf32>
    %add3A_22 = arith.addf %get3A_20, %broadcast_in_dim3A : vector<256x1xf32>
    %swap3A_23 = arith.constant 0 : index
    %swap3A_24 = arith.constant 0 : index
    %swap3A_25 = vector.load %arg4[%swap3A_23, %swap3A_24] : memref<256x1xf32, #tpu.memory_space<vmem>>, vector<256x1xf32>
    tpu.vector_store %arg4[%swap3A_23, %swap3A_24], %add3A_22 {strides = array<i32>} : memref<256x1xf32, #tpu.memory_space<vmem>>, vector<256x1xf32>,
    return
  }
  func.func @transform_0(%arg0: i32) -> (i32, i32) {
    %c0_i32 = arith.constant 0 : i32
    %c0_i32_0 = arith.constant 0 : i32
    return %arg0, %c0_i32 : i32, i32
  }
  func.func @transform_1(%arg0: i32) -> (i32, i32) {
    %c0_i32 = arith.constant 0 : i32
    %c0_i32_0 = arith.constant 0 : i32
    return %arg0, %c0_i32 : i32, i32
  }
  func.func @transform_2(%arg0: i32) -> (i32, i32) {
    %c0_i32 = arith.constant 0 : i32
    %c0_i32_0 = arith.constant 0 : i32
    %c0_i32_1 = arith.constant 0 : i32
    return %c0_i32, %c0_i32_0 : i32, i32
  }
  func.func @transform_3(%arg0: i32) -> (i32, i32) {
    %c0_i32 = arith.constant 0 : i32
    %c0_i32_0 = arith.constant 0 : i32
    %c0_i32_1 = arith.constant 0 : i32
    return %c0_i32, %c0_i32_0 : i32, i32
  }
}

module attributes {stable_mosaic.version = 14 : i64} {
  func.func @_head_body(%arg0: memref<256x128xf32, #tpu.memory_space<vmem>>, %arg1: memref<256x1xf32, #tpu.memory_space<vmem>>, %arg2: memref<128x128xf32, #tpu.memory_space<vmem>>, %arg3: memref<1x128xf32, #tpu.memory_space<vmem>>, %arg4: memref<128x12xf32, #tpu.memory_space<vmem>>, %arg5: memref<1x12xf32, #tpu.memory_space<vmem>>, %arg6: memref<256x12xf32, #tpu.memory_space<vmem>>) attributes {dimension_semantics = [], scalar_prefetch = 0 : i64, scratch_operands = 0 : i64, tpu.core_type = #tpu.core_type<tc>} {
    %get3A = arith.constant 0 : index
    %get3A_0 = arith.constant 0 : index
    %get3A_1 = vector.load %arg0[%get3A, %get3A_0] : memref<256x128xf32, #tpu.memory_space<vmem>>, vector<256x128xf32>
    %get3A_2 = arith.constant 0 : index
    %get3A_3 = arith.constant 0 : index
    %get3A_4 = vector.load %arg1[%get3A_2, %get3A_3] : memref<256x1xf32, #tpu.memory_space<vmem>>, vector<256x1xf32>
    %max3A = arith.constant 1.000000e+00 : f32
    %max3A_5 = vector.broadcast %max3A : f32 to vector<256x1xf32>
    %max3A_6 = arith.maximumf %get3A_4, %max3A_5 : vector<256x1xf32>
    %div3A = vector.broadcast %max3A_6 : vector<256x1xf32> to vector<256x128xf32>
    %div3A_7 = arith.divf %get3A_1, %div3A : vector<256x128xf32>
    %get3A_8 = arith.constant 0 : index
    %get3A_9 = arith.constant 0 : index
    %get3A_10 = vector.load %arg2[%get3A_8, %get3A_9] : memref<128x128xf32, #tpu.memory_space<vmem>>, vector<128x128xf32>
    %dot_general3A = arith.constant dense<0.000000e+00> : vector<256x128xf32>
    %dot_general3A_11 = tpu.matmul %div3A_7, %get3A_10, %dot_general3A {dimension_numbers = #tpu.dot_dimension_numbers<[1], [0], [0], [1], [0, 0, 1, 1], [], []>, precision = #tpu.contract_precision<fp32>, transpose_lhs_hint = false} : vector<256x128xf32>, vector<128x128xf32>, vector<256x128xf32> -> vector<256x128xf32>
    %get3A_12 = arith.constant 0 : index
    %get3A_13 = arith.constant 0 : index
    %get3A_14 = vector.load %arg3[%get3A_12, %get3A_13] : memref<1x128xf32, #tpu.memory_space<vmem>>, vector<1x128xf32>
    %add3A = vector.broadcast %get3A_14 : vector<1x128xf32> to vector<256x128xf32>
    %add3A_15 = arith.addf %dot_general3A_11, %add3A : vector<256x128xf32>
    %max3A_16 = arith.constant 0.000000e+00 : f32
    %max3A_17 = vector.broadcast %max3A_16 : f32 to vector<256x128xf32>
    %max3A_18 = arith.maximumf %add3A_15, %max3A_17 : vector<256x128xf32>
    %get3A_19 = arith.constant 0 : index
    %get3A_20 = arith.constant 0 : index
    %get3A_21 = vector.load %arg4[%get3A_19, %get3A_20] : memref<128x12xf32, #tpu.memory_space<vmem>>, vector<128x12xf32>
    %dot_general3A_22 = arith.constant dense<0.000000e+00> : vector<256x12xf32>
    %dot_general3A_23 = tpu.matmul %max3A_18, %get3A_21, %dot_general3A_22 {dimension_numbers = #tpu.dot_dimension_numbers<[1], [0], [0], [1], [0, 0, 1, 1], [], []>, precision = #tpu.contract_precision<fp32>, transpose_lhs_hint = false} : vector<256x128xf32>, vector<128x12xf32>, vector<256x12xf32> -> vector<256x12xf32>
    %get3A_24 = arith.constant 0 : index
    %get3A_25 = arith.constant 0 : index
    %get3A_26 = vector.load %arg5[%get3A_24, %get3A_25] : memref<1x12xf32, #tpu.memory_space<vmem>>, vector<1x12xf32>
    %add3A_27 = vector.broadcast %get3A_26 : vector<1x12xf32> to vector<256x12xf32>
    %add3A_28 = arith.addf %dot_general3A_23, %add3A_27 : vector<256x12xf32>
    %swap3A = arith.constant 0 : index
    %swap3A_29 = arith.constant 0 : index
    %swap3A_30 = vector.load %arg6[%swap3A, %swap3A_29] : memref<256x12xf32, #tpu.memory_space<vmem>>, vector<256x12xf32>
    tpu.vector_store %arg6[%swap3A, %swap3A_29], %add3A_28 {strides = array<i32>} : memref<256x12xf32, #tpu.memory_space<vmem>>, vector<256x12xf32>,
    return
  }
}

</mosaic_0001>

<sc_bundles>
// kernel: kernel.18.cloned.1.call-start
scs
__scs_entry_jumppad:
0x0: {  	(pc) =	sbr.rel $0x88, $3  }
0x1: {  	(tag) =	ssettag $0x0;
	lr =	simm.s32 $0x1  }
0x2: {  	[smem:$0x3F90] =	sst lr;
	_ =	strace $0xD0000000  }
0x3: {  	_ = 	snop  }
0x4: {  	_ = 	snop  }
0x5: {  	_ = 	snop  }
0x6: {  	_ = 	snop  }
0x7: {  	_ = 	snop  }
__scs_overlays_trampoline_lowered:
0x8: {  	[smem:$0x3F9F] =	sst s0  }
0x9: {  	[smem:$0x3FA0] =	sst s1  }
0xa: {  	[smem:$0x3FA1] =	sst s2  }
0xb: {  	[smem:$0x3FA2] =	sst s3  }
0xc: {  	[smem:$0x3FA3] =	sst s4  }
0xd: {  	[smem:$0x3FA4] =	sst s5  }
0xe: {  	[smem:$0x3FA5] =	sst s6  }
0xf: {  	[smem:$0x3FA6] =	sst s7  }
0x10: {  	[smem:$0x3FA7] =	sst s8  }
0x11: {  	[smem:$0x3FA8] =	sst s9;
	s0 =	simm.s32 @!p0 $0x0  }
0x12: {  	s1 =	sld [smem:$0x3F8E];
	s0 =	simm.s32 @p0 $0x1  }
0x13: {  	[smem:$0x3FA9] =	sst s0;
	s0 =	simm.s32 @!p1 $0x0  }
0x14: {  	s2 =	sld [smem:$0x3F8D];
	s0 =	simm.s32 @p1 $0x1  }
0x15: {  	[smem:$0x3FAA] =	sst s0;
	s0 =	simm.s32 @!p2 $0x0  }
0x16: {  	s3 =	sld [smem:$0x3FDB];
	s0 =	simm.s32 @p2 $0x1  }
0x17: {  	s4 =	simm.s32 $0x1BF5;
	[smem:$0x3FAC] =	sst s0  }
0x18: {  	s0 =	sld [smem:$0x3F8F];
	_ =	swait.ge [sflag:s4], $0x0  }
0x19: {  	s7 =	sld [smem:$0x3F90]  }
0x1a: {  	s8 =	sadd.s32 $0xFFFFE003, lr  }
0x1b: {  	s9 =	sadd.s32 $0xFFFFFEF7, lr;
	s5 =	simm.s32 $0xFFFFFFFF;
	p2 =	slt.u32 s8, $0xFFFFF086  }
0x1c: {  	p1 =	slt.u32 s9, $0xF7A;
	s5 =	simm.s32 @!p2 $0x0  }
0x1d: {  	s5 =	simm.s32 @p1 $0x1;
	p0 =	seq.s32 s7, s2  }
0x1e: {  	s7 =	smul.u32 @!p0 $0xF7A, s2;
	p2 =	seq.s32 @!p0 s5, $0x0  }
0x1f: {  	s9 =	smul.u32 $0xF7A, s1;
	s8 =	simm.s32 @!p0 $0x1BF5;
	p2 =	por !p2, p0  }
0x20: {  	[sflag:s8] =	ssyncset.s32 @!p0 $0xFFFFF086;
	s6 =	sadd.s32 @!p0 s3, s7;
	s7 =	simm.s32 @!p0 $0x108  }
0x21: {  	s3 =	sadd.s32 s3, s9;
	s6 =	sadd.s32 @!p0 $0x88, s6;
	s7 =	simm.s32 @p2 $0x1082  }
0x22: {  	[simem:s7], [sflag:s8] =	dma.local @!p0 [hbm:s6], $0xF7A  }
0x23: {  	s9 =	sor.u32 $0xD0000000, s2;
	s6 =	simm.s32 $0x108;
	_ =	swait.ge @!p0 [sflag:s8], $0x0  }
0x24: {  	s3 =	sadd.s32 $0x88, s3;
	s6 =	simm.s32 @!p1 $0x1082;
	[sflag:s4] =	ssyncset.s32 $0xFFFFF086  }
0x25: {  	[simem:s6], [sflag:s4] =	dma.local [hbm:s3], $0xF7A  }
0x26: {  	[smem:$0x3F90] =	sst s1;
	(tag) =	ssettag s2;
	_ =	strace s9  }
0x27: {  	s1 =	sld [smem:$0x3FA0]  }
0x28: {  	s2 =	sld [smem:$0x3FA1]  }
0x29: {  	s4 =	sld [smem:$0x3FA3]  }
0x2a: {  	p0 =	seq.s32 s5, $0x0;
	s5 =	sld [smem:$0x3FA4]  }
0x2b: {  	s6 =	sld [smem:$0x3FA5]  }
0x2c: {  	s7 =	sld [smem:$0x3FA6]  }
0x2d: {  	s3 =	simm.s32 $0x108;
	s8 =	sld [smem:$0x3FA7]  }
0x2e: {  	s3 =	simm.s32 @!p0 $0x1082;
	s9 =	sld [smem:$0x3FA8]  }
0x2f: {  	lr =	sadd.s32 s0, s3;
	s0 =	sld [smem:$0x3F9F]  }
0x30: {  	s3 =	sld [smem:$0x3FA2]  }
0x31: {  	[smem:$0x3FAB] =	sst s10  }
0x32: {  	s10 =	sld [smem:$0x3FA9];
	_ =	sdelay $0x3  }
0x33: {  	p0 =	seq.s32 s10, $0x1;
	s10 =	sld [smem:$0x3FAB];
	_ =	sdelay $0x3  }
0x34: {  	[smem:$0x3FAB] =	sst s10  }
0x35: {  	s10 =	sld [smem:$0x3FAA];
	_ =	sdelay $0x3  }
0x36: {  	p1 =	seq.s32 s10, $0x1;
	s10 =	sld [smem:$0x3FAB];
	_ =	sdelay $0x3  }
0x37: {  	[smem:$0x3FAB] =	sst s10  }
0x38: {  	s10 =	sld [smem:$0x3FAC]  }
0x39: {  	_ = 	snop;
	(pc) =	sbr.ind lr, $3  }
0x3a: {  	_ = 	snop  }
0x3b: {  	_ = 	snop  }
0x3c: {  	p2 =	seq.s32 s10, $0x1;
	s10 =	sld [smem:$0x3FAB]  }
0x3d: {  	_ =	shalt  }
0x3e: {  	_ =	shalt  }
0x3f: {  	_ =	shalt  }
0x40: {  	_ =	shalt  }
0x41: {  	_ =	shalt  }
0x42: {  	_ =	shalt  }
0x43: {  	_ =	shalt  }
0x44: {  	_ =	shalt  }
0x45: {  	_ =	shalt  }
0x46: {  	_ =	shalt  }
0x47: {  	_ =	shalt  }
0x48: {  	_ =	shalt  }
0x49: {  	_ =	shalt  }
0x4a: {  	_ =	shalt  }
0x4b: {  	_ =	shalt  }
0x4c: {  	_ =	shalt  }
0x4d: {  	_ =	shalt  }
0x4e: {  	_ =	shalt  }
0x4f: {  	_ =	shalt  }
0x50: {  	_ =	shalt  }
0x51: {  	_ =	shalt  }
0x52: {  	_ =	shalt  }
0x53: {  	_ =	shalt  }
0x54: {  	_ =	shalt  }
0x55: {  	_ =	shalt  }
0x56: {  	_ =	shalt  }
0x57: {  	_ =	shalt  }
0x58: {  	_ =	shalt  }
0x59: {  	_ =	shalt  }
0x5a: {  	_ =	shalt  }
0x5b: {  	_ =	shalt  }
0x5c: {  	_ =	shalt  }
0x5d: {  	_ =	shalt  }
0x5e: {  	_ =	shalt  }
0x5f: {  	_ =	shalt  }
0x60: {  	_ =	shalt  }
0x61: {  	_ =	shalt  }
0x62: {  	_ =	shalt  }
0x63: {  	_ =	shalt  }
0x64: {  	_ =	shalt  }
0x65: {  	_ =	shalt  }
0x66: {  	_ =	shalt  }
0x67: {  	_ =	shalt  }
0x68: {  	_ =	shalt  }
0x69: {  	_ =	shalt  }
0x6a: {  	_ =	shalt  }
0x6b: {  	_ =	shalt  }
0x6c: {  	_ =	shalt  }
0x6d: {  	_ =	shalt  }
0x6e: {  	_ =	shalt  }
0x6f: {  	_ =	shalt  }
0x70: {  	_ =	shalt  }
0x71: {  	_ =	shalt  }
0x72: {  	_ =	shalt  }
0x73: {  	_ =	shalt  }
0x74: {  	_ =	shalt  }
0x75: {  	_ =	shalt  }
0x76: {  	_ =	shalt  }
0x77: {  	_ =	shalt  }
0x78: {  	_ =	shalt  }
0x79: {  	_ =	shalt  }
0x7a: {  	_ =	shalt  }
0x7b: {  	_ =	shalt  }
0x7c: {  	_ =	shalt  }
0x7d: {  	_ =	shalt  }
0x7e: {  	_ =	shalt  }
0x7f: {  	_ =	shalt  }
0x80: {  	_ =	shalt  }
0x81: {  	_ =	shalt  }
0x82: {  	_ =	shalt  }
0x83: {  	_ =	shalt  }
0x84: {  	_ =	shalt  }
0x85: {  	_ =	shalt  }
0x86: {  	_ =	shalt  }
0x87: {  	_ =	shalt  }
.Lfunc_end0:
.L_simem_size_0:
called_computation_lowered:
.L_overlay_start_0:
0x88: {  	s2 =	sld [smem:$0x3FD9]  }
0x89: {  	s3 =	sld [smem:$0x3FFE];
	_ =	sdelay $0x1  }
0x8a: {  	s1 =	srdreg.scid  }
0x8b: {  	s0 =	sand.u32 $0x1, s1  }
0x8c: {  	s17 =	sshll.u32 s0, $0xA;
	s2 =	sadd.s32 s3, s2  }
0x8d: {  	s2 =	sadd.s32 s2, s17  }
0x8e: {  	[smem:$0x3FB7] =	sst s2  }
0x8f: {  	_ = 	snop  }
0x90: {  	s2 =	sld [smem:$0x3FC9]  }
0x91: {  	s18 =	sld [smem:$0x3FC6];
	(tm) =	ssettm $0x1  }
0x92: {  	s4 =	sld [smem:$0x3FFB];
	_ =	sdelay $0x3  }
0x93: {  	_ =	strace s4  }
0x94: {  	s4 =	sld [smem:$0x3FFC];
	_ =	sdelay $0x3  }
0x95: {  	_ =	strace s4  }
0x96: {  	s4 =	sld [smem:$0x3FFD];
	_ =	sdelay $0x3  }
0x97: {  	_ =	strace s4  }
0x98: {  	_ =	strace $0x8FFFFFFF  }
0x99: {  	s19 =	sld [smem:$0x3FDB];
	_ =	sdelay $0x1  }
0x9a: {  	s5 =	simm.s32 $_scs_section_size  }
0x9b: {  	s6 =	simm.s32 $_size__tile_overlayer_lowered;
	s7 =	simm.s32 $_tile_overlayer_lowered  }
0x9c: {  	s22 =	simm.s32 $0x1BFF;
	s21 =	sshll.u32 s7, $0x1;
	s4 =	sadd.s32 s5, s19  }
0x9d: {  	s8 =	simm.s32 $0x0;
	s20 =	sshll.u32 s6, $0x1;
	s6 =	sadd.s32 s21, s4  }
0x9e: {  	[timem:s8], [sflag:s22] =	dma.local [hbm:s6], s20  }
0x9f: {  	_ =	swait.ge [sflag:s22], s20  }
0xa0: {  	s5 =	ssub.s32 $0x0, s20;
	[sflag:s22] =	ssyncset.done $0x0  }
0xa1: {  	[sflag:s22] =	ssyncadd.s32 s5;
	_ =	sdelay $0x1  }
0xa2: {  	s23 =	simm.s32 $0x1B8B  }
0xa3: {  	_ =	swait.ge [sflag:s23], $0x1  }
0xa4: {  	[sflag:s23] =	ssyncset.done $0x0  }
0xa5: {  	s25 =	simm.s32 $0x1B8E;
	s24 =	sld [smem:$0x3FFE];
	[sflag:s23] =	ssyncadd.s32 $0xFFFFFFFF  }
0xa6: {  	s26 =	simm.s32 $execute0_lowered;
	[smem:$0x3FD2] =	sst s25  }
0xa7: {  	s6 =	sshll.u32 s26, $0x1;
	_ =	strace $0x80000046;
	[dreg:$0x1] =	wrdreg $0xFFFFFFFF  }
0xa8: {  	s28 =	simm.s32 $_size_execute0_lowered;
	s4 =	sadd.s32 s4, s6;
	[dreg:$0x0] =	wrdreg $0x0  }
0xa9: {  	s6 =	sshll.u32 s28, $0x1;
	[dreg:$0x2] =	wrdreg s4  }
0xaa: {  	[dreg:$0x3] =	wrdreg s6  }
0xab: {  	[dreg:$0x4] =	wrdreg $0xC0  }
0xac: {  	_ =	task [dreg:s8], $0x5FFFF  }
0xad: {  	[dreg:$0x1] =	wrdreg $0xFFFFFFFF  }
0xae: {  	[dreg:$0x0] =	wrdreg $0x60  }
0xaf: {  	[dreg:$0x2] =	wrdreg s18  }
0xb0: {  	[dreg:$0x3] =	wrdreg s2  }
0xb1: {  	[dreg:$0x4] =	wrdreg s24  }
0xb2: {  	[dreg:$0x5] =	wrdreg $0x9  }
0xb3: {  	_ =	task.clear_ibuf [dreg:s8], $0x6FFFF;
	_ =	strace $0x90000046  }
0xb4: {  	s29 =	simm.s32 $0x9;
	_ =	strace $0x8000004F  }
0xb5: {  	_ =	swait.ge [sflag:s29], $0x1  }
0xb6: {  	[sflag:s29] =	ssyncadd.s32 $0xFFFFFFFF  }
0xb7: {  	_ =	strace $0x9000004F  }
0xb8: {  	_ =	sfence  }
0xb9: {  	s30 =	sld [smem:$0x0];
	_ =	sdelay $0x2  }
0xba: {  	s31 =	sshll.u32 s1, $0xD;
	s1 =	sshrl.u32 s1, $0x2  }
0xbb: {  	s3 =	sand.u32 $0x4000, s31;
	s1 =	sadd.s32 s1, s30  }
0xbc: {  	s0 =	sor.u32 s3, s0;
	s1 =	sshll.u32 s1, $0x11  }
0xbd: {  	s0 =	sor.u32 s1, s0  }
0xbe: {  	s0 =	sadd.s32 $0x8F2B, s0  }
0xbf: {  	[sflag:s0] =	ssyncadd.remote.s32 $0x1  }
0xc0: {  	_ =	sfence.sel $0xFFFF  }
0xc1: {  	[dreg:$0x0] =	wrdreg $0xFFFFFFFF;
	(pc) =	sbr.abs _section_cstart, $3  }
0xc2: {  	[dreg:$0x1] =	wrdreg $0xFFFFFFFF  }
0xc3: {  	_ =	task.clear_ibuf [dreg:s8], $0x2FFFF;
	_ =	strace $0x9FFFFFFF  }
0xc4: {  	(tm) =	ssettm $0x7FFFFFFF  }
0xc5: {  	_ =	shalt  }
tec
execute0_lowered:
.L_overlay_start_1:
0x0: {  	(tag) =	ssettag $0x1  }
0x1: {  	s1 =	rddreg [dreg:$0x0]  }
0x2: {  	s4 =	rddreg [dreg:$0x1]  }
0x3: {  	s10 =	rddreg [dreg:$0x2];
	s3 =	simm.s32 $0x0  }
0x4: {  	s2 =	stileid.u32;
	[smem:$0x7FF] =	sst s3  }
0x5: {  	s0 =	rddreg [dreg:$0x3];
	s5 =	sshll.u32 s2, $0x6;
	_ =	strace $0x80000047  }
0x6: {  	s4 =	sadd.s32 s4, s5;
	_ =	strace $0x80000048  }
0x7: {  	[tilespmem:s3], [sflag:$0x1] =	stream.linear.gather [hbm4b:s4+s3], $0x80, $0x200038;
	[tilespmem:$0x8100] =	vst v63  }
0x8: {  	_ =	strace $0x90000048  }
0x9: {  	s6 =	simm.s32 $0x80;
	s5 =	sadd.s32 $0x10, s4;
	_ =	strace $0x80000049  }
0xa: {  	[tilespmem:s6], [sflag:$0x2] =	stream.linear.gather [hbm4b:s5+s3], $0x80, $0x200038;
	[tilespmem:$0x8100] =	vst v63  }
0xb: {  	_ =	strace $0x90000049  }
0xc: {  	s7 =	simm.s32 $0x1;
	_ =	strace $0x8000004A  }
0xd: {  	_ =	swait.ge [sflag:s7], $0x80  }
0xe: {  	[sflag:s7] =	ssyncset.done $0x0  }
0xf: {  	[sflag:s7] =	ssyncadd.s32 $0xFFFFFF80  }
0x10: {  	_ =	strace $0x9000004A  }
0x11: {  	s8 =	simm.s32 $0x100;
	s9 =	simm.s32 $0x5;
	_ =	strace $0x8000004B  }
0x12: {  	[tilespmem:s8], [sflag:$0x5] =	stream.indirect.gather [hbm4b:s1+s6], $0x80, s3, s6, $0x2000b8;
	[tilespmem:$0x8100] =	vst v63  }
0x13: {  	_ =	swait.ge [sflag:s9], $0x4000  }
0x14: {  	[sflag:s9] =	ssyncset.done $0x0  }
0x15: {  	s11 =	sshll.u32 s2, $0xD;
	[sflag:s9] =	ssyncadd.s32 $0xFFFFC000  }
0x16: {  	s19 =	sadd.s32 s11, s10;
	_ =	strace $0x9000004B  }
0x17: {  	s10 =	sadd.s32 $0x6E00, s19;
	_ =	strace $0x8000004C  }
0x18: {  	[hbm4b:s10+s3] =	stream.linear.scatter [tilespmem:s8], [sflag:$0x3], $0x4000, $0x200038;
	[tilespmem:$0x8100] =	vst v63  }
0x19: {  	_ =	strace $0x9000004C  }
0x1a: {  	s11 =	sadd.s32 $0x20, s4;
	_ =	strace $0x80000049  }
0x1b: {  	[tilespmem:s3], [sflag:$0x1] =	stream.linear.gather [hbm4b:s11+s3], $0x80, $0x200038;
	[tilespmem:$0x8100] =	vst v63  }
0x1c: {  	_ =	strace $0x90000049  }
0x1d: {  	s12 =	simm.s32 $0x2;
	_ =	strace $0x8000004A  }
0x1e: {  	_ =	swait.ge [sflag:s12], $0x80  }
0x1f: {  	[sflag:s12] =	ssyncset.done $0x0  }
0x20: {  	[sflag:s12] =	ssyncadd.s32 $0xFFFFFF80  }
0x21: {  	_ =	strace $0x9000004A  }
0x22: {  	s13 =	simm.s32 $0x4100;
	_ =	strace $0x8000004B  }
0x23: {  	[tilespmem:s13], [sflag:$0x5] =	stream.indirect.gather [hbm4b:s1+s6], $0x80, s6, s6, $0x2000b8;
	[tilespmem:$0x8100] =	vst v63  }
0x24: {  	_ =	swait.ge [sflag:s9], $0x4000  }
0x25: {  	[sflag:s9] =	ssyncset.done $0x0  }
0x26: {  	[sflag:s9] =	ssyncadd.s32 $0xFFFFC000  }
0x27: {  	_ =	strace $0x9000004B  }
0x28: {  	s14 =	sadd.s32 $0x7600, s19;
	_ =	strace $0x8000004C  }
0x29: {  	[hbm4b:s14+s3] =	stream.linear.scatter [tilespmem:s13], [sflag:$0x4], $0x4000, $0x200038;
	[tilespmem:$0x8100] =	vst v63  }
0x2a: {  	_ =	strace $0x9000004C  }
0x2b: {  	s15 =	simm.s32 $0x3;
	_ =	strace $0x8000004D  }
0x2c: {  	_ =	swait.ge [sflag:s15], $0x4000  }
0x2d: {  	[sflag:s15] =	ssyncset.done $0x0  }
0x2e: {  	[sflag:s15] =	ssyncadd.s32 $0xFFFFC000  }
0x2f: {  	_ =	strace $0x9000004D  }
0x30: {  	s16 =	sadd.s32 $0x30, s4;
	_ =	strace $0x80000049  }
0x31: {  	[tilespmem:s6], [sflag:$0x2] =	stream.linear.gather [hbm4b:s16+s3], $0x80, $0x200038;
	[tilespmem:$0x8100] =	vst v63  }
0x32: {  	_ =	strace $0x90000049  }
0x33: {  	_ =	strace $0x8000004A  }
0x34: {  	_ =	swait.ge [sflag:s7], $0x80  }
0x35: {  	[sflag:s7] =	ssyncset.done $0x0  }
0x36: {  	[sflag:s7] =	ssyncadd.s32 $0xFFFFFF80  }
0x37: {  	_ =	strace $0x9000004A  }
0x38: {  	_ =	strace $0x8000004B  }
0x39: {  	[tilespmem:s8], [sflag:$0x5] =	stream.indirect.gather [hbm4b:s1+s6], $0x80, s3, s6, $0x2000b8;
	[tilespmem:$0x8100] =	vst v63  }
0x3a: {  	_ =	swait.ge [sflag:s9], $0x4000  }
0x3b: {  	[sflag:s9] =	ssyncset.done $0x0  }
0x3c: {  	[sflag:s9] =	ssyncadd.s32 $0xFFFFC000  }
0x3d: {  	_ =	strace $0x9000004B  }
0x3e: {  	s17 =	sadd.s32 $0x7E00, s19;
	_ =	strace $0x8000004C  }
0x3f: {  	[hbm4b:s17+s3] =	stream.linear.scatter [tilespmem:s8], [sflag:$0x3], $0x4000, $0x200038;
	[tilespmem:$0x8100] =	vst v63  }
0x40: {  	_ =	strace $0x9000004C  }
0x41: {  	s18 =	simm.s32 $0x4;
	_ =	strace $0x8000004D  }
0x42: {  	_ =	swait.ge [sflag:s18], $0x4000  }
0x43: {  	[sflag:s18] =	ssyncset.done $0x0  }
0x44: {  	[sflag:s18] =	ssyncadd.s32 $0xFFFFC000  }
0x45: {  	_ =	strace $0x9000004D  }
0x46: {  	_ =	strace $0x8000004A  }
0x47: {  	_ =	swait.ge [sflag:s12], $0x80  }
0x48: {  	[sflag:s12] =	ssyncset.done $0x0  }
0x49: {  	[sflag:s12] =	ssyncadd.s32 $0xFFFFFF80  }
0x4a: {  	_ =	strace $0x9000004A  }
0x4b: {  	_ =	strace $0x8000004B  }
0x4c: {  	[tilespmem:s13], [sflag:$0x5] =	stream.indirect.gather [hbm4b:s1+s6], $0x80, s6, s6, $0x2000b8;
	[tilespmem:$0x8100] =	vst v63  }
0x4d: {  	_ =	swait.ge [sflag:s9], $0x4000  }
0x4e: {  	[sflag:s9] =	ssyncset.done $0x0  }
0x4f: {  	[sflag:s9] =	ssyncadd.s32 $0xFFFFC000  }
0x50: {  	s20 =	srdreg.scid;
	_ =	strace $0x9000004B  }
0x51: {  	s20 =	sand.u32 $0x1, s20;
	s19 =	sadd.s32 $0x8600, s19;
	_ =	strace $0x8000004C  }
0x52: {  	[hbm4b:s19+s3] =	stream.linear.scatter [tilespmem:s13], [sflag:$0x4], $0x4000, $0x200038;
	[tilespmem:$0x8100] =	vst v63  }
0x53: {  	s20 =	ssub.s32 $0x2, s20;
	_ =	strace $0x9000004C  }
0x54: {  	s21 =	sshrl.u32 s20, $0x1;
	_ =	strace $0x8000004D  }
0x55: {  	s20 =	ssub.s32 s20, s21;
	_ =	swait.ge [sflag:s15], $0x4000  }
0x56: {  	s20 =	smax.u32 s20, $0x1;
	[sflag:s15] =	ssyncset.done $0x0  }
0x57: {  	p0 =	sne.s32 s20, $0x1;
	[sflag:s15] =	ssyncadd.s32 $0xFFFFC000  }
.Ltmp0:
0x58: {  	_ =	strace $0x9000004D;
	(pc) =	sbr.rel @!p0 .LBB2_2-.Ltmp0, $4  }
0x59: {  	_ =	strace $0x8000004E  }
0x5a: {  	_ =	swait.ge [sflag:s18], $0x4000  }
0x5b: {  	[sflag:s18] =	ssyncset.done $0x0  }
0x5c: {  	s20 =	sadd.s32 $0xFFFFFFFF, s20;
	[sflag:s18] =	ssyncadd.s32 $0xFFFFC000  }
.LBB2_1:
0x5d: {  	p0 =	sne.s32 s20, $0x1;
	s20 =	sadd.s32 $0xFFFFFFFF, s20;
	_ =	strace $0x9000004E  }
0x5e: {  	_ =	strace $0x80000048  }
0x5f: {  	[tilespmem:s3], [sflag:$0x1] =	stream.linear.gather [hbm4b:s4+s3], $0x80, $0x200038;
	[tilespmem:$0x8100] =	vst v63  }
0x60: {  	_ =	strace $0x90000048  }
0x61: {  	_ =	strace $0x80000049  }
0x62: {  	[tilespmem:s6], [sflag:$0x2] =	stream.linear.gather [hbm4b:s5+s3], $0x80, $0x200038;
	[tilespmem:$0x8100] =	vst v63  }
0x63: {  	_ =	strace $0x90000049  }
0x64: {  	_ =	strace $0x8000004A  }
0x65: {  	_ =	swait.ge [sflag:s7], $0x80  }
0x66: {  	[sflag:s7] =	ssyncset.done $0x0  }
0x67: {  	[sflag:s7] =	ssyncadd.s32 $0xFFFFFF80  }
0x68: {  	_ =	strace $0x9000004A  }
0x69: {  	_ =	strace $0x8000004B  }
0x6a: {  	[tilespmem:s8], [sflag:$0x5] =	stream.indirect.gather [hbm4b:s1+s6], $0x80, s3, s6, $0x2000b8;
	[tilespmem:$0x8100] =	vst v63  }
0x6b: {  	_ =	swait.ge [sflag:s9], $0x4000  }
0x6c: {  	[sflag:s9] =	ssyncset.done $0x0  }
0x6d: {  	[sflag:s9] =	ssyncadd.s32 $0xFFFFC000  }
0x6e: {  	_ =	strace $0x9000004B  }
0x6f: {  	_ =	strace $0x8000004C  }
0x70: {  	[hbm4b:s10+s3] =	stream.linear.scatter [tilespmem:s8], [sflag:$0x3], $0x4000, $0x200038;
	[tilespmem:$0x8100] =	vst v63  }
0x71: {  	_ =	strace $0x9000004C  }
0x72: {  	_ =	strace $0x80000049  }
0x73: {  	[tilespmem:s3], [sflag:$0x1] =	stream.linear.gather [hbm4b:s11+s3], $0x80, $0x200038;
	[tilespmem:$0x8100] =	vst v63  }
0x74: {  	_ =	strace $0x90000049  }
0x75: {  	_ =	strace $0x8000004A  }
0x76: {  	_ =	swait.ge [sflag:s12], $0x80  }
0x77: {  	[sflag:s12] =	ssyncset.done $0x0  }
0x78: {  	[sflag:s12] =	ssyncadd.s32 $0xFFFFFF80  }
0x79: {  	_ =	strace $0x9000004A  }
0x7a: {  	_ =	strace $0x8000004B  }
0x7b: {  	[tilespmem:s13], [sflag:$0x5] =	stream.indirect.gather [hbm4b:s1+s6], $0x80, s6, s6, $0x2000b8;
	[tilespmem:$0x8100] =	vst v63  }
0x7c: {  	_ =	swait.ge [sflag:s9], $0x4000  }
0x7d: {  	[sflag:s9] =	ssyncset.done $0x0  }
0x7e: {  	[sflag:s9] =	ssyncadd.s32 $0xFFFFC000  }
0x7f: {  	_ =	strace $0x9000004B  }
0x80: {  	_ =	strace $0x8000004C  }
0x81: {  	[hbm4b:s14+s3] =	stream.linear.scatter [tilespmem:s13], [sflag:$0x4], $0x4000, $0x200038;
	[tilespmem:$0x8100] =	vst v63  }
0x82: {  	_ =	strace $0x9000004C  }
0x83: {  	_ =	strace $0x8000004D  }
0x84: {  	_ =	swait.ge [sflag:s15], $0x4000  }
0x85: {  	[sflag:s15] =	ssyncset.done $0x0  }
0x86: {  	[sflag:s15] =	ssyncadd.s32 $0xFFFFC000  }
0x87: {  	_ =	strace $0x9000004D  }
0x88: {  	_ =	strace $0x80000049  }
0x89: {  	[tilespmem:s6], [sflag:$0x2] =	stream.linear.gather [hbm4b:s16+s3], $0x80, $0x200038;
	[tilespmem:$0x8100] =	vst v63  }
0x8a: {  	_ =	strace $0x90000049  }
0x8b: {  	_ =	strace $0x8000004A  }
0x8c: {  	_ =	swait.ge [sflag:s7], $0x80  }
0x8d: {  	[sflag:s7] =	ssyncset.done $0x0  }
0x8e: {  	[sflag:s7] =	ssyncadd.s32 $0xFFFFFF80  }
0x8f: {  	_ =	strace $0x9000004A  }
0x90: {  	_ =	strace $0x8000004B  }
0x91: {  	[tilespmem:s8], [sflag:$0x5] =	stream.indirect.gather [hbm4b:s1+s6], $0x80, s3, s6, $0x2000b8;
	[tilespmem:$0x8100] =	vst v63  }
0x92: {  	_ =	swait.ge [sflag:s9], $0x4000  }
0x93: {  	[sflag:s9] =	ssyncset.done $0x0  }
0x94: {  	[sflag:s9] =	ssyncadd.s32 $0xFFFFC000  }
0x95: {  	_ =	strace $0x9000004B  }
0x96: {  	_ =	strace $0x8000004C  }
0x97: {  	[hbm4b:s17+s3] =	stream.linear.scatter [tilespmem:s8], [sflag:$0x3], $0x4000, $0x200038;
	[tilespmem:$0x8100] =	vst v63  }
0x98: {  	_ =	strace $0x9000004C  }
0x99: {  	_ =	strace $0x8000004D  }
0x9a: {  	_ =	swait.ge [sflag:s18], $0x4000  }
0x9b: {  	[sflag:s18] =	ssyncset.done $0x0  }
0x9c: {  	[sflag:s18] =	ssyncadd.s32 $0xFFFFC000  }
0x9d: {  	_ =	strace $0x9000004D  }
0x9e: {  	_ =	strace $0x8000004A  }
0x9f: {  	_ =	swait.ge [sflag:s12], $0x80  }
0xa0: {  	[sflag:s12] =	ssyncset.done $0x0  }
0xa1: {  	[sflag:s12] =	ssyncadd.s32 $0xFFFFFF80  }
0xa2: {  	_ =	strace $0x9000004A  }
0xa3: {  	_ =	strace $0x8000004B  }
0xa4: {  	[tilespmem:s13], [sflag:$0x5] =	stream.indirect.gather [hbm4b:s1+s6], $0x80, s6, s6, $0x2000b8;
	[tilespmem:$0x8100] =	vst v63  }
0xa5: {  	_ =	swait.ge [sflag:s9], $0x4000  }
0xa6: {  	[sflag:s9] =	ssyncset.done $0x0  }
0xa7: {  	[sflag:s9] =	ssyncadd.s32 $0xFFFFC000  }
0xa8: {  	_ =	strace $0x9000004B  }
0xa9: {  	_ =	strace $0x8000004C  }
0xaa: {  	[hbm4b:s19+s3] =	stream.linear.scatter [tilespmem:s13], [sflag:$0x4], $0x4000, $0x200038;
	[tilespmem:$0x8100] =	vst v63  }
0xab: {  	_ =	strace $0x9000004C  }
0xac: {  	_ =	strace $0x8000004D  }
0xad: {  	_ =	swait.ge [sflag:s15], $0x4000  }
0xae: {  	[sflag:s15] =	ssyncset.done $0x0  }
0xaf: {  	[sflag:s15] =	ssyncadd.s32 $0xFFFFC000  }
.Ltmp1:
0xb0: {  	_ =	strace $0x9000004D;
	(pc) =	sbr.rel @p0 .LBB2_1-.Ltmp1, $4  }
0xb1: {  	_ =	strace $0x8000004E  }
0xb2: {  	_ =	swait.ge [sflag:s18], $0x4000  }
0xb3: {  	[sflag:s18] =	ssyncset.done $0x0  }
0xb4: {  	[sflag:s18] =	ssyncadd.s32 $0xFFFFC000  }
.LBB2_2:
0xb5: {  	_ =	strace $0x9000004E  }
0xb6: {  	_ =	sfence.sel $0x180000  }
0xb7: {  	[bflag:$0x0] =	sbarrier.arrive $0xFFFF  }
0xb8: {  	p0 =	sne.s32 s2, $0x0;
	_ =	strace $0x90000047  }
0xb9: {  	s0 =	sadd.s32 @!p0 $0x100000, s0;
	[bflag:$0x2] =	sbarrier.arrive $0xFFFF  }
0xba: {  	[sflag:s0] =	ssyncadd.tile.s32 @!p0 $0x1;
	_ =	shalt  }
.Lfunc_end2:
_tile_overlayer_lowered:
.L_overlay_start_2:
0xbb: {  	(tag) =	ssettag $0x2  }
0xbc: {  	s0 =	rddreg [dreg:$0x0];
	s2 =	stileid.u32  }
0xbd: {  	s1 =	rddreg [dreg:$0x1];
	p0 =	sne.s32 s2, $0x0  }
0xbe: {  	s3 =	rddreg [dreg:$0x2];
	[bflag:$0x3] =	sbarrier.arrive $0xFFFF;
	s2 =	simm.s32 @!p0 $0x1C01  }
0xbf: {  	[timem:s3], [sflag:s2] =	dma.local @!p0 [hbm:s0], s1  }
0xc0: {  	s0 =	simm.s32 @!p0 $0x1  }
0xc1: {  	_ =	swait.ge @!p0 [sflag:s0], s1  }
0xc2: {  	s1 =	ssub.s32 @!p0 $0x0, s1;
	[sflag:s0] =	ssyncset.done @!p0 $0x0  }
0xc3: {  	[sflag:s0] =	ssyncadd.s32 @!p0 s1  }
0xc4: {  	[bflag:$0x3] =	sbarrier.arrive $0xFFFF  }
0xc5: {  	_ =	shalt  }

</sc_bundles>
